<compile_context>
chip_gen: v7x
topology: tpu7x:2x2x1
jax: 0.10.2.dev20260603
libtpu: 0.0.44.dev20260713+nightly
codegen_flags: <defaults>
</compile_context>

<pallas_src>
import functools

import jax
import jax.numpy as jnp
from jax import lax
from jax.experimental import pallas as pl
from jax.experimental.pallas import tpu as pltpu
from jax.experimental.pallas import tpu_sc as plsc

N_NODES = 10000
D = 128
C_CLS = 40
E_EDGES = 320000

NC, NS = 2, 16
NW = NC * NS
CHUNK = 128
EPW = E_EDGES // NW
NCH = 79
EPW_PAD = NCH * CHUNK
NP = 10112
RPS = NP // NS

ROW_BLK = 1000

@functools.lru_cache(maxsize=None)
def _mesh():
    return plsc.VectorSubcoreMesh(core_axis_name="c", subcore_axis_name="s",
                                  num_cores=NC, num_subcores=NS)


def _worker_ids():
    c = lax.axis_index("c")
    s = lax.axis_index("s")
    return c, s, s * NC + c


def _deg_body(col_hbm, onehot_hbm, zeros_hbm, out_hbm, col_v, oh_v, acc,
              sems):
    c, s, w = _worker_ids()
    pltpu.sync_copy(col_hbm.at[w], col_v)
    pltpu.sync_copy(onehot_hbm, oh_v)
    r0 = s * RPS
    pltpu.sync_copy(zeros_hbm.at[pl.ds(r0, RPS)], acc.at[pl.ds(r0, RPS)])
    plsc.subcore_barrier()

    def step(i, carry):
        a0 = pltpu.async_copy(oh_v, acc.at[col_v.at[2 * i]], sems[0], add=True)
        a1 = pltpu.async_copy(oh_v, acc.at[col_v.at[2 * i + 1]], sems[1],
                              add=True)
        a0.wait()
        a1.wait()
        return carry

    lax.fori_loop(0, NCH // 2, step, 0)
    pltpu.async_copy(oh_v, acc.at[col_v.at[NCH - 1]], sems[0], add=True).wait()
    plsc.subcore_barrier()
    pltpu.sync_copy(acc.at[pl.ds(r0, RPS)], out_hbm.at[c].at[pl.ds(r0, RPS)])


@functools.lru_cache(maxsize=None)
def _sc_degree():
    return pl.kernel(
        _deg_body,
        out_type=jax.ShapeDtypeStruct((NC, NP, D), jnp.float32),
        mesh=_mesh(),
        scratch_types=[
            pltpu.VMEM((NCH, CHUNK), jnp.int32),
            pltpu.VMEM((CHUNK, D), jnp.float32),
            pltpu.VMEM_SHARED((NP, D), jnp.float32),
            [pltpu.SemaphoreType.DMA] * 2,
        ],
    )


def _spmm_pair(h_hbm, acc, stg, gbuf, sems, t0):
    a0 = pltpu.async_copy(h_hbm.at[stg.at[t0].at[0]], gbuf.at[0], sems[0])
    a1 = pltpu.async_copy(h_hbm.at[stg.at[t0 + 1].at[0]], gbuf.at[1], sems[1])
    a0.wait()
    pltpu.sync_copy(gbuf.at[0], acc.at[stg.at[t0].at[1]], add=True)
    a1.wait()
    pltpu.sync_copy(gbuf.at[1], acc.at[stg.at[t0 + 1].at[1]], add=True)


def _spmm_body(rc_hbm, h_hbm, zeros_hbm, out_hbm, stg, gbuf, acc, sems):
    c, s, w = _worker_ids()
    r0 = s * RPS
    pltpu.sync_copy(zeros_hbm.at[pl.ds(r0, RPS)], acc.at[pl.ds(r0, RPS)])
    plsc.subcore_barrier()

    pltpu.sync_copy(rc_hbm.at[w].at[pl.ds(0, 40)], stg)

    def step0(i, carry):
        _spmm_pair(h_hbm, acc, stg, gbuf, sems, 2 * i)
        return carry

    lax.fori_loop(0, 20, step0, 0)
    pltpu.sync_copy(rc_hbm.at[w].at[pl.ds(40, 39)], stg.at[pl.ds(0, 39)])

    def step1(i, carry):
        _spmm_pair(h_hbm, acc, stg, gbuf, sems, 2 * i)
        return carry

    lax.fori_loop(0, 19, step1, 0)
    pltpu.async_copy(h_hbm.at[stg.at[38].at[0]], gbuf.at[0], sems[0]).wait()
    pltpu.sync_copy(gbuf.at[0], acc.at[stg.at[38].at[1]], add=True)

    plsc.subcore_barrier()
    pltpu.sync_copy(acc.at[pl.ds(r0, RPS)], out_hbm.at[c].at[pl.ds(r0, RPS)])


@functools.lru_cache(maxsize=None)
def _sc_spmm():
    return pl.kernel(
        _spmm_body,
        out_type=jax.ShapeDtypeStruct((NC, NP, D), jnp.float32),
        mesh=_mesh(),
        scratch_types=[
            pltpu.VMEM((40, 2, CHUNK), jnp.int32),
            pltpu.VMEM((2, CHUNK, D), jnp.float32),
            pltpu.VMEM_SHARED((NP, D), jnp.float32),
            [pltpu.SemaphoreType.DMA] * 2,
        ],
    )


def _dinv_from(dp0, dp1):
    deg = dp0[:, 0:1] + dp1[:, 0:1]
    return jnp.where(deg > 0.0, lax.rsqrt(deg), 0.0)


def _enc_body(x_ref, w_ref, b_ref, dp_ref, h_ref, hs_ref):
    h = jnp.maximum(x_ref[...] @ w_ref[...] + b_ref[...], 0.0)
    dinv = _dinv_from(dp_ref[0], dp_ref[1])
    h_ref[...] = h
    hs_ref[...] = h * dinv


def _tc_encode(x, W_in, b_in, dp):
    grid = N_NODES // ROW_BLK
    return pl.pallas_call(
        _enc_body,
        grid=(grid,),
        in_specs=[
            pl.BlockSpec((ROW_BLK, D), lambda i: (i, 0)),
            pl.BlockSpec((D, D), lambda i: (0, 0)),
            pl.BlockSpec((1, D), lambda i: (0, 0)),
            pl.BlockSpec((NC, ROW_BLK, D), lambda i: (0, i, 0)),
        ],
        out_specs=[
            pl.BlockSpec((ROW_BLK, D), lambda i: (i, 0)),
            pl.BlockSpec((ROW_BLK, D), lambda i: (i, 0)),
        ],
        out_shape=[
            jax.ShapeDtypeStruct((N_NODES, D), jnp.float32),
            jax.ShapeDtypeStruct((N_NODES, D), jnp.float32),
        ],
    )(x, W_in, b_in, dp)


def _layer_body(sp_ref, dp_ref, h_ref, wa_ref, wb_ref, hn_ref, hs_ref):
    dinv = _dinv_from(dp_ref[0], dp_ref[1])
    h = h_ref[...]
    h_neigh = (sp_ref[0] + sp_ref[1]) * dinv
    out = h_neigh @ wa_ref[...] + h @ wb_ref[...] + h
    hn = jnp.maximum(out, 0.0)
    hn_ref[...] = hn
    hs_ref[...] = hn * dinv


def _tc_layer(sp, dp, h, W):
    grid = N_NODES // ROW_BLK
    return pl.pallas_call(
        _layer_body,
        grid=(grid,),
        in_specs=[
            pl.BlockSpec((NC, ROW_BLK, D), lambda i: (0, i, 0)),
            pl.BlockSpec((NC, ROW_BLK, D), lambda i: (0, i, 0)),
            pl.BlockSpec((ROW_BLK, D), lambda i: (i, 0)),
            pl.BlockSpec((D, D), lambda i: (0, 0)),
            pl.BlockSpec((D, D), lambda i: (0, 0)),
        ],
        out_specs=[
            pl.BlockSpec((ROW_BLK, D), lambda i: (i, 0)),
            pl.BlockSpec((ROW_BLK, D), lambda i: (i, 0)),
        ],
        out_shape=[
            jax.ShapeDtypeStruct((N_NODES, D), jnp.float32),
            jax.ShapeDtypeStruct((N_NODES, D), jnp.float32),
        ],
    )(sp, dp, h, W[:D], W[D:])


def _dec_body(h_ref, wca, bca, wsa, bsa, gcn, bcn, gsn, bsn,
              wcls, bcls, wscls, bscls, zc_ref, zs_ref, cl_ref, sl_ref):
    h = h_ref[...]

    def ln(t, g, b):
        m = jnp.mean(t, axis=-1, keepdims=True)
        v = jnp.mean((t - m) ** 2, axis=-1, keepdims=True)
        return (t - m) * lax.rsqrt(v + 1e-5) * g + b

    zc = ln(h + h @ wca[...] + bca[...], gcn[...], bcn[...])
    zs = ln(h + h @ wsa[...] + bsa[...], gsn[...], bsn[...])
    zc_ref[...] = zc
    zs_ref[...] = zs
    cl_ref[...] = zc @ wcls[...] + bcls[...]
    sl_ref[...] = zs @ wscls[...] + bscls[...]


def _tc_decompose(h, wca, bca, wsa, bsa, gcn, bcn, gsn, bsn,
                  wcls, bcls, wscls, bscls):
    grid = N_NODES // ROW_BLK
    full_dd = pl.BlockSpec((D, D), lambda i: (0, 0))
    full_1d = pl.BlockSpec((1, D), lambda i: (0, 0))
    full_dc = pl.BlockSpec((D, C_CLS), lambda i: (0, 0))
    full_1c = pl.BlockSpec((1, C_CLS), lambda i: (0, 0))
    return pl.pallas_call(
        _dec_body,
        grid=(grid,),
        in_specs=[
            pl.BlockSpec((ROW_BLK, D), lambda i: (i, 0)),
            full_dd, full_1d, full_dd, full_1d,
            full_1d, full_1d, full_1d, full_1d,
            full_dc, full_1c, full_dc, full_1c,
        ],
        out_specs=[
            pl.BlockSpec((ROW_BLK, D), lambda i: (i, 0)),
            pl.BlockSpec((ROW_BLK, D), lambda i: (i, 0)),
            pl.BlockSpec((ROW_BLK, C_CLS), lambda i: (i, 0)),
            pl.BlockSpec((ROW_BLK, C_CLS), lambda i: (i, 0)),
        ],
        out_shape=[
            jax.ShapeDtypeStruct((N_NODES, D), jnp.float32),
            jax.ShapeDtypeStruct((N_NODES, D), jnp.float32),
            jax.ShapeDtypeStruct((N_NODES, C_CLS), jnp.float32),
            jax.ShapeDtypeStruct((N_NODES, C_CLS), jnp.float32),
        ],
    )(h, wca, bca, wsa, bsa, gcn, bcn, gsn, bsn, wcls, bcls, wscls, bscls)


def kernel(x, edge_index, W_in, b_in, W_l1, W_l2, W_ca, b_ca, W_sa, b_sa,
           g_cn, b_cn, g_sn, b_sn, W_cls, b_cls, W_scls, b_scls):
    pad = EPW_PAD - EPW
    row = edge_index[0].reshape(NW, EPW)
    col = edge_index[1].reshape(NW, EPW)
    row = jnp.pad(row, ((0, 0), (0, pad))).reshape(NW, NCH, CHUNK)
    sink = N_NODES + (jnp.arange(pad, dtype=jnp.int32) % (NP - N_NODES))
    col = jnp.concatenate(
        [col, jnp.broadcast_to(sink, (NW, pad))], axis=1
    ).reshape(NW, NCH, CHUNK)
    onehot = jnp.zeros((CHUNK, D), jnp.float32).at[:, 0].set(1.0)
    zerosD = jnp.zeros((NP, D), jnp.float32)

    rc = jnp.stack([row, col], axis=2)
    dp = _sc_degree()(col, onehot, zerosD)
    h0, hs0 = _tc_encode(x, W_in, b_in.reshape(1, D), dp)
    sp1 = _sc_spmm()(rc, hs0, zerosD)
    h1, hs1 = _tc_layer(sp1, dp, h0, W_l1)
    sp2 = _sc_spmm()(rc, hs1, zerosD)
    h2, _ = _tc_layer(sp2, dp, h1, W_l2)
    zc, zs, cl, sl = _tc_decompose(
        h2, W_ca, b_ca.reshape(1, D), W_sa, b_sa.reshape(1, D),
        g_cn.reshape(1, D), b_cn.reshape(1, D),
        g_sn.reshape(1, D), b_sn.reshape(1, D),
        W_cls, b_cls.reshape(1, C_CLS), W_scls, b_scls.reshape(1, C_CLS))
    return (zc, zs, cl, sl)

# --- scband reference (transcript-rebuilt; emitter-appended) ---
"""Pipeline reference for scband-graph-front-door-38508676776172 (READ-ONLY COPY).

The authoritative reference and input builder live on the scoring server;
editing this copy changes nothing except your own understanding.
"""

import jax, jax.numpy as jnp
import numpy as np

N, D_IN, D, C, E = 10000, 128, 128, 40, 320000


def setup_inputs(seed: int = 0) -> dict:
    key = jax.random.key(seed)
    ks = jax.random.split(key, 20)
    s = 0.05
    inp = {
        'x': jax.random.normal(ks[0], (N, D_IN), dtype=jnp.float32),
        'edge_index': jax.random.randint(ks[1], (2, E), 0, N, dtype=jnp.int32),
        'W_in': jax.random.normal(ks[2], (D_IN, D), dtype=jnp.float32) * s,
        'b_in': jnp.zeros((D,), dtype=jnp.float32),
        'W_l1': jax.random.normal(ks[3], (2 * D, D), dtype=jnp.float32) * s,
        'W_l2': jax.random.normal(ks[4], (2 * D, D), dtype=jnp.float32) * s,
        'W_ca': jax.random.normal(ks[5], (D, D), dtype=jnp.float32) * s,
        'b_ca': jnp.zeros((D,), dtype=jnp.float32),
        'W_sa': jax.random.normal(ks[6], (D, D), dtype=jnp.float32) * s,
        'b_sa': jnp.zeros((D,), dtype=jnp.float32),
        'g_cn': jnp.ones((D,), dtype=jnp.float32),
        'b_cn': jnp.zeros((D,), dtype=jnp.float32),
        'g_sn': jnp.ones((D,), dtype=jnp.float32),
        'b_sn': jnp.zeros((D,), dtype=jnp.float32),
        'W_cls': jax.random.normal(ks[7], (D, C), dtype=jnp.float32) * s,
        'b_cls': jnp.zeros((C,), dtype=jnp.float32),
        'W_scls': jax.random.normal(ks[8], (D, C), dtype=jnp.float32) * s,
        'b_scls': jnp.zeros((C,), dtype=jnp.float32),
    }
    return inp


def _layernorm(h, g, b, eps=1e-5):
    m = jnp.mean(h, axis=-1, keepdims=True)
    v = jnp.mean((h - m) ** 2, axis=-1, keepdims=True)
    return (h - m) / jnp.sqrt(v + eps) * g + b


def _gcn_conv(h, row, col, n):
    # deg = in-degree computed from col (CaNet-style)
    deg = jax.ops.segment_sum(jnp.ones_like(col, dtype=h.dtype), col, num_segments=n)
    dinv = jnp.where(deg > 0, 1.0 / jnp.sqrt(deg), 0.0)  # nan_to_num(inf->0)
    val = dinv[col] * dinv[row]
    # SparseTensor(row=col, col=row, value) @ h  => out[col] += val * h[row]
    return jax.ops.segment_sum(val[:, None] * h[row], col, num_segments=n)


def reference(x, edge_index, W_in, b_in, W_l1, W_l2, W_ca, b_ca, W_sa, b_sa,
              g_cn, b_cn, g_sn, b_sn, W_cls, b_cls, W_scls, b_scls):
    row, col = edge_index[0], edge_index[1]
    n = x.shape[0]
    # encode_backbone (dropout inactive at eval)
    h = jax.nn.relu(x @ W_in + b_in)
    for W in (W_l1, W_l2):
        h_neigh = _gcn_conv(h, row, col, n)
        hcat = jnp.concatenate([h_neigh, h], axis=1)
        out = hcat @ W
        h = jax.nn.relu(out + h)  # residual inside layer, then act
    # decompose_representation
    z_causal = _layernorm(h + (h @ W_ca + b_ca), g_cn, b_cn)
    z_spurious = _layernorm(h + (h @ W_sa + b_sa), g_sn, b_sn)
    causal_logits = z_causal @ W_cls + b_cls
    spurious_logits = z_spurious @ W_scls + b_scls
    return (z_causal, z_spurious, causal_logits, spurious_logits)

if __name__ == "__main__":
    import jax
    _d = setup_inputs()
    print(jax.jit(kernel)(*tuple(_d.values())))

</pallas_src>

<mosaic_0001>
#map = affine_map<(d0, d1) -> (0, 0, 0, 0)>
#map1 = affine_map<(d0, d1) -> (0, 0)>
#map2 = affine_map<(d0, d1) -> (0, 0, 0)>
module attributes {stable_mosaic.version = 14 : i64} {
  func.func @_spmm_body(%arg0: i32, %arg1: i32, %arg2: memref<32x79x2x128xi32, #tpu.memory_space<hbm>>, %arg3: memref<10000x128xf32, #tpu.memory_space<hbm>>, %arg4: memref<10112x128xf32, #tpu.memory_space<hbm>>, %arg5: memref<2x10112x128xf32, #tpu.memory_space<hbm>>, %arg6: memref<40x2x128xi32, #tpu.memory_space<vmem>>, %arg7: memref<2x128x128xf32, #tpu.memory_space<vmem>>, %arg8: memref<10112x128xf32, #tpu.memory_space<vmem_shared>>, %arg9: memref<!tpu.dma_semaphore, #tpu.memory_space<semaphore_mem>>, %arg10: memref<!tpu.dma_semaphore, #tpu.memory_space<semaphore_mem>>) attributes {dimension_semantics = [#tpu.dimension_semantics<core_parallel>, #tpu.dimension_semantics<subcore_parallel>], iteration_bounds = array<i64: 2, 16>, scalar_prefetch = 0 : i64, scratch_operands = 5 : i64, tpu.core_type = #tpu.core_type<sc_vector_subcore>, window_params = [{transform_indices = #map}, {transform_indices = #map1}, {transform_indices = #map1}, {transform_indices = #map2}]} {
    %mul3A = arith.constant 2 : i32
    %mul3A_0 = arith.muli %arg1, %mul3A : i32
    %add3A = arith.addi %mul3A_0, %arg0 : i32
    %mul3A_1 = arith.constant 632 : i32
    %mul3A_2 = arith.muli %arg1, %mul3A_1 : i32
    "tpu.region"() ({
      %run_scoped3A_49 = tpu.sem_alloc : memref<!tpu.dma_semaphore, #tpu.memory_space<semaphore_mem>>
      %dma_start3A_50 = arith.constant 0 : i32
      %dma_start3A_51 = tpu.memref_slice %arg8[%mul3A_2, %dma_start3A_50] : memref<10112x128xf32, #tpu.memory_space<vmem_shared>> -> memref<632x128xf32, #tpu.memory_space<vmem_shared>>
      %dma_start3A_52 = arith.constant 0 : i32
      %dma_start3A_53 = tpu.memref_slice %arg4[%mul3A_2, %dma_start3A_52] : memref<10112x128xf32, #tpu.memory_space<hbm>> -> memref<632x128xf32, #tpu.memory_space<hbm>>
      tpu.enqueue_dma source(%dma_start3A_53 : memref<632x128xf32, #tpu.memory_space<hbm>>) target(%dma_start3A_51 : memref<632x128xf32, #tpu.memory_space<vmem_shared>>) target_semaphore(%run_scoped3A_49 : memref<!tpu.dma_semaphore, #tpu.memory_space<semaphore_mem>>)
      %dma_wait3A_54 = arith.constant 0 : i32
      %dma_wait3A_55 = tpu.memref_slice %arg8[%mul3A_2, %dma_wait3A_54] : memref<10112x128xf32, #tpu.memory_space<vmem_shared>> -> memref<632x128xf32, #tpu.memory_space<vmem_shared>>
      %dma_wait3A_56 = arith.constant 0 : i32
      %dma_wait3A_57 = tpu.memref_slice %arg4[%mul3A_2, %dma_wait3A_56] : memref<10112x128xf32, #tpu.memory_space<hbm>> -> memref<632x128xf32, #tpu.memory_space<hbm>>
      tpu.wait_dma2 semaphore(%run_scoped3A_49 : memref<!tpu.dma_semaphore, #tpu.memory_space<semaphore_mem>>) src(%dma_wait3A_57 : memref<632x128xf32, #tpu.memory_space<hbm>>) dst(%dma_wait3A_55 : memref<632x128xf32, #tpu.memory_space<vmem_shared>>)
      tpu.yield
    }) : () -> ()
    %barrier3A = arith.constant 0 : index
    tpu.barrier barrier_id(%barrier3A)
    "tpu.region"() ({
      %run_scoped3A_49 = tpu.sem_alloc : memref<!tpu.dma_semaphore, #tpu.memory_space<semaphore_mem>>
      %dma_start3A_50 = arith.constant 0 : i32
      %dma_start3A_51 = arith.constant 0 : i32
      %dma_start3A_52 = arith.constant 0 : i32
      %dma_start3A_53 = tpu.memref_slice %arg2[%add3A, %dma_start3A_50, %dma_start3A_51, %dma_start3A_52] : memref<32x79x2x128xi32, #tpu.memory_space<hbm>> -> memref<1x79x2x128xi32, #tpu.memory_space<hbm>>
      %dma_start3A_54 = tpu.memref_squeeze %dma_start3A_53 : memref<1x79x2x128xi32, #tpu.memory_space<hbm>> -> memref<79x2x128xi32, #tpu.memory_space<hbm>>
      %dma_start3A_55 = arith.constant 0 : i32
      %dma_start3A_56 = arith.constant 0 : i32
      %dma_start3A_57 = arith.constant 0 : i32
      %dma_start3A_58 = tpu.memref_slice %dma_start3A_54[%dma_start3A_55, %dma_start3A_56, %dma_start3A_57] : memref<79x2x128xi32, #tpu.memory_space<hbm>> -> memref<40x2x128xi32, #tpu.memory_space<hbm>>
      %dma_start3A_59 = arith.constant 0 : i32
      %dma_start3A_60 = arith.constant 0 : i32
      %dma_start3A_61 = arith.constant 0 : i32
      %dma_start3A_62 = tpu.memref_slice %arg2[%add3A, %dma_start3A_59, %dma_start3A_60, %dma_start3A_61] : memref<32x79x2x128xi32, #tpu.memory_space<hbm>> -> memref<1x79x2x128xi32, #tpu.memory_space<hbm>>
      %dma_start3A_63 = tpu.memref_squeeze %dma_start3A_62 : memref<1x79x2x128xi32, #tpu.memory_space<hbm>> -> memref<79x2x128xi32, #tpu.memory_space<hbm>>
      %dma_start3A_64 = arith.constant 0 : i32
      %dma_start3A_65 = arith.constant 0 : i32
      %dma_start3A_66 = arith.constant 0 : i32
      %dma_start3A_67 = tpu.memref_slice %dma_start3A_63[%dma_start3A_64, %dma_start3A_65, %dma_start3A_66] : memref<79x2x128xi32, #tpu.memory_space<hbm>> -> memref<40x2x128xi32, #tpu.memory_space<hbm>>
      tpu.enqueue_dma source(%dma_start3A_67 : memref<40x2x128xi32, #tpu.memory_space<hbm>>) target(%arg6 : memref<40x2x128xi32, #tpu.memory_space<vmem>>) target_semaphore(%run_scoped3A_49 : memref<!tpu.dma_semaphore, #tpu.memory_space<semaphore_mem>>)
      %dma_wait3A_68 = arith.constant 0 : i32
      %dma_wait3A_69 = arith.constant 0 : i32
      %dma_wait3A_70 = arith.constant 0 : i32
      %dma_wait3A_71 = tpu.memref_slice %arg2[%add3A, %dma_wait3A_68, %dma_wait3A_69, %dma_wait3A_70] : memref<32x79x2x128xi32, #tpu.memory_space<hbm>> -> memref<1x79x2x128xi32, #tpu.memory_space<hbm>>
      %dma_wait3A_72 = tpu.memref_squeeze %dma_wait3A_71 : memref<1x79x2x128xi32, #tpu.memory_space<hbm>> -> memref<79x2x128xi32, #tpu.memory_space<hbm>>
      %dma_wait3A_73 = arith.constant 0 : i32
      %dma_wait3A_74 = arith.constant 0 : i32
      %dma_wait3A_75 = arith.constant 0 : i32
      %dma_wait3A_76 = tpu.memref_slice %dma_wait3A_72[%dma_wait3A_73, %dma_wait3A_74, %dma_wait3A_75] : memref<79x2x128xi32, #tpu.memory_space<hbm>> -> memref<40x2x128xi32, #tpu.memory_space<hbm>>
      %dma_wait3A_77 = arith.constant 0 : i32
      %dma_wait3A_78 = arith.constant 0 : i32
      %dma_wait3A_79 = arith.constant 0 : i32
      %dma_wait3A_80 = tpu.memref_slice %arg2[%add3A, %dma_wait3A_77, %dma_wait3A_78, %dma_wait3A_79] : memref<32x79x2x128xi32, #tpu.memory_space<hbm>> -> memref<1x79x2x128xi32, #tpu.memory_space<hbm>>
      %dma_wait3A_81 = tpu.memref_squeeze %dma_wait3A_80 : memref<1x79x2x128xi32, #tpu.memory_space<hbm>> -> memref<79x2x128xi32, #tpu.memory_space<hbm>>
      %dma_wait3A_82 = arith.constant 0 : i32
      %dma_wait3A_83 = arith.constant 0 : i32
      %dma_wait3A_84 = arith.constant 0 : i32
      %dma_wait3A_85 = tpu.memref_slice %dma_wait3A_81[%dma_wait3A_82, %dma_wait3A_83, %dma_wait3A_84] : memref<79x2x128xi32, #tpu.memory_space<hbm>> -> memref<40x2x128xi32, #tpu.memory_space<hbm>>
      tpu.wait_dma2 semaphore(%run_scoped3A_49 : memref<!tpu.dma_semaphore, #tpu.memory_space<semaphore_mem>>) src(%dma_wait3A_85 : memref<40x2x128xi32, #tpu.memory_space<hbm>>) dst(%arg6 : memref<40x2x128xi32, #tpu.memory_space<vmem>>)
      tpu.yield
    }) : () -> ()
    %scan3A = arith.constant 0 : i32
    %scan3A_3 = arith.constant 0 : i32
    %scan3A_4 = arith.constant 20 : i32
    %scan3A_5 = arith.addi %scan3A_3, %scan3A_4 : i32
    %scan3A_6 = arith.constant 1 : i32
    scf.for %scan3A_49 = %scan3A_3 to %scan3A_5 step %scan3A_6  : i32 {
      %mul3A_50 = arith.constant 2 : i32
      %mul3A_51 = arith.muli %mul3A_50, %scan3A_49 : i32
      %dma_start3A_52 = arith.constant 0 : i32
      %dma_start3A_53 = arith.constant 0 : i32
      %dma_start3A_54 = arith.constant 0 : i32
      %dma_start3A_55 = arith.constant 0 : i32
      %dma_start3A_56 = tpu.memref_slice %arg7[%dma_start3A_53, %dma_start3A_54, %dma_start3A_55] : memref<2x128x128xf32, #tpu.memory_space<vmem>> -> memref<1x128x128xf32, #tpu.memory_space<vmem>>
      %dma_start3A_57 = tpu.memref_squeeze %dma_start3A_56 : memref<1x128x128xf32, #tpu.memory_space<vmem>> -> memref<128x128xf32, #tpu.memory_space<vmem>>
      %dma_start3A_58 = arith.constant 0 : i32
      %dma_start3A_59 = arith.constant 0 : i32
      %dma_start3A_60 = tpu.memref_slice %arg6[%mul3A_51, %dma_start3A_58, %dma_start3A_59] : memref<40x2x128xi32, #tpu.memory_space<vmem>> -> memref<1x2x128xi32, #tpu.memory_space<vmem>>
      %dma_start3A_61 = tpu.memref_squeeze %dma_start3A_60 : memref<1x2x128xi32, #tpu.memory_space<vmem>> -> memref<2x128xi32, #tpu.memory_space<vmem>>
      %dma_start3A_62 = arith.constant 0 : i32
      %dma_start3A_63 = tpu.memref_slice %dma_start3A_61[%dma_start3A_52, %dma_start3A_62] : memref<2x128xi32, #tpu.memory_space<vmem>> -> memref<1x128xi32, #tpu.memory_space<vmem>>
      %dma_start3A_64 = tpu.memref_squeeze %dma_start3A_63 : memref<1x128xi32, #tpu.memory_space<vmem>> -> memref<128xi32, #tpu.memory_space<vmem>>
      %dma_start3A_65 = arith.constant 0 : i32
      %dma_start3A_66 = arith.constant 0 : i32
      %dma_start3A_67 = tpu.memref_slice %arg3[%dma_start3A_65, %dma_start3A_66] : memref<10000x128xf32, #tpu.memory_space<hbm>> -> memref<10000x128xf32, #tpu.memory_space<hbm>>
      tpu.enqueue_indirect_dma source(%dma_start3A_67 : memref<10000x128xf32, #tpu.memory_space<hbm>>) target(%dma_start3A_57 : memref<128x128xf32, #tpu.memory_space<vmem>>) offsets(%dma_start3A_64 : memref<128xi32, #tpu.memory_space<vmem>>) semaphore(%arg9 : memref<!tpu.dma_semaphore, #tpu.memory_space<semaphore_mem>>)
      %add3A_68 = arith.constant 1 : i32
      %add3A_69 = arith.addi %mul3A_51, %add3A_68 : i32
      %dma_start3A_70 = arith.constant 0 : i32
      %dma_start3A_71 = arith.constant 1 : i32
      %dma_start3A_72 = arith.constant 0 : i32
      %dma_start3A_73 = arith.constant 0 : i32
      %dma_start3A_74 = tpu.memref_slice %arg7[%dma_start3A_71, %dma_start3A_72, %dma_start3A_73] : memref<2x128x128xf32, #tpu.memory_space<vmem>> -> memref<1x128x128xf32, #tpu.memory_space<vmem>>
      %dma_start3A_75 = tpu.memref_squeeze %dma_start3A_74 : memref<1x128x128xf32, #tpu.memory_space<vmem>> -> memref<128x128xf32, #tpu.memory_space<vmem>>
      %dma_start3A_76 = arith.constant 0 : i32
      %dma_start3A_77 = arith.constant 0 : i32
      %dma_start3A_78 = tpu.memref_slice %arg6[%add3A_69, %dma_start3A_76, %dma_start3A_77] : memref<40x2x128xi32, #tpu.memory_space<vmem>> -> memref<1x2x128xi32, #tpu.memory_space<vmem>>
      %dma_start3A_79 = tpu.memref_squeeze %dma_start3A_78 : memref<1x2x128xi32, #tpu.memory_space<vmem>> -> memref<2x128xi32, #tpu.memory_space<vmem>>
      %dma_start3A_80 = arith.constant 0 : i32
      %dma_start3A_81 = tpu.memref_slice %dma_start3A_79[%dma_start3A_70, %dma_start3A_80] : memref<2x128xi32, #tpu.memory_space<vmem>> -> memref<1x128xi32, #tpu.memory_space<vmem>>
      %dma_start3A_82 = tpu.memref_squeeze %dma_start3A_81 : memref<1x128xi32, #tpu.memory_space<vmem>> -> memref<128xi32, #tpu.memory_space<vmem>>
      %dma_start3A_83 = arith.constant 0 : i32
      %dma_start3A_84 = arith.constant 0 : i32
      %dma_start3A_85 = tpu.memref_slice %arg3[%dma_start3A_83, %dma_start3A_84] : memref<10000x128xf32, #tpu.memory_space<hbm>> -> memref<10000x128xf32, #tpu.memory_space<hbm>>
      tpu.enqueue_indirect_dma source(%dma_start3A_85 : memref<10000x128xf32, #tpu.memory_space<hbm>>) target(%dma_start3A_75 : memref<128x128xf32, #tpu.memory_space<vmem>>) offsets(%dma_start3A_82 : memref<128xi32, #tpu.memory_space<vmem>>) semaphore(%arg10 : memref<!tpu.dma_semaphore, #tpu.memory_space<semaphore_mem>>)
      %dma_wait3A_86 = arith.constant 0 : i32
      %dma_wait3A_87 = arith.constant 0 : i32
      %dma_wait3A_88 = arith.constant 0 : i32
      %dma_wait3A_89 = arith.constant 0 : i32
      %dma_wait3A_90 = tpu.memref_slice %arg7[%dma_wait3A_87, %dma_wait3A_88, %dma_wait3A_89] : memref<2x128x128xf32, #tpu.memory_space<vmem>> -> memref<1x128x128xf32, #tpu.memory_space<vmem>>
      %dma_wait3A_91 = tpu.memref_squeeze %dma_wait3A_90 : memref<1x128x128xf32, #tpu.memory_space<vmem>> -> memref<128x128xf32, #tpu.memory_space<vmem>>
      %dma_wait3A_92 = arith.constant 0 : i32
      %dma_wait3A_93 = arith.constant 0 : i32
      %dma_wait3A_94 = tpu.memref_slice %arg6[%mul3A_51, %dma_wait3A_92, %dma_wait3A_93] : memref<40x2x128xi32, #tpu.memory_space<vmem>> -> memref<1x2x128xi32, #tpu.memory_space<vmem>>
      %dma_wait3A_95 = tpu.memref_squeeze %dma_wait3A_94 : memref<1x2x128xi32, #tpu.memory_space<vmem>> -> memref<2x128xi32, #tpu.memory_space<vmem>>
      %dma_wait3A_96 = arith.constant 0 : i32
      %dma_wait3A_97 = tpu.memref_slice %dma_wait3A_95[%dma_wait3A_86, %dma_wait3A_96] : memref<2x128xi32, #tpu.memory_space<vmem>> -> memref<1x128xi32, #tpu.memory_space<vmem>>
      %dma_wait3A_98 = tpu.memref_squeeze %dma_wait3A_97 : memref<1x128xi32, #tpu.memory_space<vmem>> -> memref<128xi32, #tpu.memory_space<vmem>>
      %dma_wait3A_99 = arith.constant 0 : i32
      %dma_wait3A_100 = arith.constant 0 : i32
      %dma_wait3A_101 = tpu.memref_slice %arg3[%dma_wait3A_99, %dma_wait3A_100] : memref<10000x128xf32, #tpu.memory_space<hbm>> -> memref<10000x128xf32, #tpu.memory_space<hbm>>
      tpu.wait_indirect_dma semaphore(%arg9 : memref<!tpu.dma_semaphore, #tpu.memory_space<semaphore_mem>>) src(%dma_wait3A_101 : memref<10000x128xf32, #tpu.memory_space<hbm>>) dst(%dma_wait3A_91 : memref<128x128xf32, #tpu.memory_space<vmem>>)
      %run_scoped3A_102 = arith.constant 0 : i32
      %run_scoped3A_103 = arith.constant 1 : i32
      "tpu.region"() ({
        %run_scoped3A_124 = tpu.sem_alloc : memref<!tpu.dma_semaphore, #tpu.memory_space<semaphore_mem>>
        %dma_start3A_125 = arith.constant 0 : i32
        %dma_start3A_126 = arith.constant 0 : i32
        %dma_start3A_127 = tpu.memref_slice %arg7[%run_scoped3A_102, %dma_start3A_125, %dma_start3A_126] : memref<2x128x128xf32, #tpu.memory_space<vmem>> -> memref<1x128x128xf32, #tpu.memory_space<vmem>>
        %dma_start3A_128 = tpu.memref_squeeze %dma_start3A_127 : memref<1x128x128xf32, #tpu.memory_space<vmem>> -> memref<128x128xf32, #tpu.memory_space<vmem>>
        %dma_start3A_129 = arith.constant 0 : i32
        %dma_start3A_130 = arith.constant 0 : i32
        %dma_start3A_131 = tpu.memref_slice %arg6[%mul3A_51, %dma_start3A_129, %dma_start3A_130] : memref<40x2x128xi32, #tpu.memory_space<vmem>> -> memref<1x2x128xi32, #tpu.memory_space<vmem>>
        %dma_start3A_132 = tpu.memref_squeeze %dma_start3A_131 : memref<1x2x128xi32, #tpu.memory_space<vmem>> -> memref<2x128xi32, #tpu.memory_space<vmem>>
        %dma_start3A_133 = arith.constant 0 : i32
        %dma_start3A_134 = tpu.memref_slice %dma_start3A_132[%run_scoped3A_103, %dma_start3A_133] : memref<2x128xi32, #tpu.memory_space<vmem>> -> memref<1x128xi32, #tpu.memory_space<vmem>>
        %dma_start3A_135 = tpu.memref_squeeze %dma_start3A_134 : memref<1x128xi32, #tpu.memory_space<vmem>> -> memref<128xi32, #tpu.memory_space<vmem>>
        %dma_start3A_136 = arith.constant 0 : i32
        %dma_start3A_137 = arith.constant 0 : i32
        %dma_start3A_138 = tpu.memref_slice %arg8[%dma_start3A_136, %dma_start3A_137] : memref<10112x128xf32, #tpu.memory_space<vmem_shared>> -> memref<10112x128xf32, #tpu.memory_space<vmem_shared>>
        tpu.enqueue_indirect_dma source(%dma_start3A_128 : memref<128x128xf32, #tpu.memory_space<vmem>>) target(%dma_start3A_138 : memref<10112x128xf32, #tpu.memory_space<vmem_shared>>) offsets(%dma_start3A_135 : memref<128xi32, #tpu.memory_space<vmem>>) semaphore(%run_scoped3A_124 : memref<!tpu.dma_semaphore, #tpu.memory_space<semaphore_mem>>) {add = true}
        %dma_wait3A_139 = arith.constant 0 : i32
        %dma_wait3A_140 = arith.constant 0 : i32
        %dma_wait3A_141 = tpu.memref_slice %arg7[%run_scoped3A_102, %dma_wait3A_139, %dma_wait3A_140] : memref<2x128x128xf32, #tpu.memory_space<vmem>> -> memref<1x128x128xf32, #tpu.memory_space<vmem>>
        %dma_wait3A_142 = tpu.memref_squeeze %dma_wait3A_141 : memref<1x128x128xf32, #tpu.memory_space<vmem>> -> memref<128x128xf32, #tpu.memory_space<vmem>>
        %dma_wait3A_143 = arith.constant 0 : i32
        %dma_wait3A_144 = arith.constant 0 : i32
        %dma_wait3A_145 = tpu.memref_slice %arg6[%mul3A_51, %dma_wait3A_143, %dma_wait3A_144] : memref<40x2x128xi32, #tpu.memory_space<vmem>> -> memref<1x2x128xi32, #tpu.memory_space<vmem>>
        %dma_wait3A_146 = tpu.memref_squeeze %dma_wait3A_145 : memref<1x2x128xi32, #tpu.memory_space<vmem>> -> memref<2x128xi32, #tpu.memory_space<vmem>>
        %dma_wait3A_147 = arith.constant 0 : i32
        %dma_wait3A_148 = tpu.memref_slice %dma_wait3A_146[%run_scoped3A_103, %dma_wait3A_147] : memref<2x128xi32, #tpu.memory_space<vmem>> -> memref<1x128xi32, #tpu.memory_space<vmem>>
        %dma_wait3A_149 = tpu.memref_squeeze %dma_wait3A_148 : memref<1x128xi32, #tpu.memory_space<vmem>> -> memref<128xi32, #tpu.memory_space<vmem>>
        %dma_wait3A_150 = arith.constant 0 : i32
        %dma_wait3A_151 = arith.constant 0 : i32
        %dma_wait3A_152 = tpu.memref_slice %arg8[%dma_wait3A_150, %dma_wait3A_151] : memref<10112x128xf32, #tpu.memory_space<vmem_shared>> -> memref<10112x128xf32, #tpu.memory_space<vmem_shared>>
        tpu.wait_indirect_dma semaphore(%run_scoped3A_124 : memref<!tpu.dma_semaphore, #tpu.memory_space<semaphore_mem>>) src(%dma_wait3A_142 : memref<128x128xf32, #tpu.memory_space<vmem>>) dst(%dma_wait3A_152 : memref<10112x128xf32, #tpu.memory_space<vmem_shared>>)
        tpu.yield
      }) : () -> ()
      %dma_wait3A_104 = arith.constant 0 : i32
      %dma_wait3A_105 = arith.constant 1 : i32
      %dma_wait3A_106 = arith.constant 0 : i32
      %dma_wait3A_107 = arith.constant 0 : i32
      %dma_wait3A_108 = tpu.memref_slice %arg7[%dma_wait3A_105, %dma_wait3A_106, %dma_wait3A_107] : memref<2x128x128xf32, #tpu.memory_space<vmem>> -> memref<1x128x128xf32, #tpu.memory_space<vmem>>
      %dma_wait3A_109 = tpu.memref_squeeze %dma_wait3A_108 : memref<1x128x128xf32, #tpu.memory_space<vmem>> -> memref<128x128xf32, #tpu.memory_space<vmem>>
      %dma_wait3A_110 = arith.constant 0 : i32
      %dma_wait3A_111 = arith.constant 0 : i32
      %dma_wait3A_112 = tpu.memref_slice %arg6[%add3A_69, %dma_wait3A_110, %dma_wait3A_111] : memref<40x2x128xi32, #tpu.memory_space<vmem>> -> memref<1x2x128xi32, #tpu.memory_space<vmem>>
      %dma_wait3A_113 = tpu.memref_squeeze %dma_wait3A_112 : memref<1x2x128xi32, #tpu.memory_space<vmem>> -> memref<2x128xi32, #tpu.memory_space<vmem>>
      %dma_wait3A_114 = arith.constant 0 : i32
      %dma_wait3A_115 = tpu.memref_slice %dma_wait3A_113[%dma_wait3A_104, %dma_wait3A_114] : memref<2x128xi32, #tpu.memory_space<vmem>> -> memref<1x128xi32, #tpu.memory_space<vmem>>
      %dma_wait3A_116 = tpu.memref_squeeze %dma_wait3A_115 : memref<1x128xi32, #tpu.memory_space<vmem>> -> memref<128xi32, #tpu.memory_space<vmem>>
      %dma_wait3A_117 = arith.constant 0 : i32
      %dma_wait3A_118 = arith.constant 0 : i32
      %dma_wait3A_119 = tpu.memref_slice %arg3[%dma_wait3A_117, %dma_wait3A_118] : memref<10000x128xf32, #tpu.memory_space<hbm>> -> memref<10000x128xf32, #tpu.memory_space<hbm>>
      tpu.wait_indirect_dma semaphore(%arg10 : memref<!tpu.dma_semaphore, #tpu.memory_space<semaphore_mem>>) src(%dma_wait3A_119 : memref<10000x128xf32, #tpu.memory_space<hbm>>) dst(%dma_wait3A_109 : memref<128x128xf32, #tpu.memory_space<vmem>>)
      %add3A_120 = arith.constant 1 : i32
      %add3A_121 = arith.addi %mul3A_51, %add3A_120 : i32
      %run_scoped3A_122 = arith.constant 1 : i32
      %run_scoped3A_123 = arith.constant 1 : i32
      "tpu.region"() ({
        %run_scoped3A_124 = tpu.sem_alloc : memref<!tpu.dma_semaphore, #tpu.memory_space<semaphore_mem>>
        %dma_start3A_125 = arith.constant 0 : i32
        %dma_start3A_126 = arith.constant 0 : i32
        %dma_start3A_127 = tpu.memref_slice %arg7[%run_scoped3A_122, %dma_start3A_125, %dma_start3A_126] : memref<2x128x128xf32, #tpu.memory_space<vmem>> -> memref<1x128x128xf32, #tpu.memory_space<vmem>>
        %dma_start3A_128 = tpu.memref_squeeze %dma_start3A_127 : memref<1x128x128xf32, #tpu.memory_space<vmem>> -> memref<128x128xf32, #tpu.memory_space<vmem>>
        %dma_start3A_129 = arith.constant 0 : i32
        %dma_start3A_130 = arith.constant 0 : i32
        %dma_start3A_131 = tpu.memref_slice %arg6[%add3A_121, %dma_start3A_129, %dma_start3A_130] : memref<40x2x128xi32, #tpu.memory_space<vmem>> -> memref<1x2x128xi32, #tpu.memory_space<vmem>>
        %dma_start3A_132 = tpu.memref_squeeze %dma_start3A_131 : memref<1x2x128xi32, #tpu.memory_space<vmem>> -> memref<2x128xi32, #tpu.memory_space<vmem>>
        %dma_start3A_133 = arith.constant 0 : i32
        %dma_start3A_134 = tpu.memref_slice %dma_start3A_132[%run_scoped3A_123, %dma_start3A_133] : memref<2x128xi32, #tpu.memory_space<vmem>> -> memref<1x128xi32, #tpu.memory_space<vmem>>
        %dma_start3A_135 = tpu.memref_squeeze %dma_start3A_134 : memref<1x128xi32, #tpu.memory_space<vmem>> -> memref<128xi32, #tpu.memory_space<vmem>>
        %dma_start3A_136 = arith.constant 0 : i32
        %dma_start3A_137 = arith.constant 0 : i32
        %dma_start3A_138 = tpu.memref_slice %arg8[%dma_start3A_136, %dma_start3A_137] : memref<10112x128xf32, #tpu.memory_space<vmem_shared>> -> memref<10112x128xf32, #tpu.memory_space<vmem_shared>>
        tpu.enqueue_indirect_dma source(%dma_start3A_128 : memref<128x128xf32, #tpu.memory_space<vmem>>) target(%dma_start3A_138 : memref<10112x128xf32, #tpu.memory_space<vmem_shared>>) offsets(%dma_start3A_135 : memref<128xi32, #tpu.memory_space<vmem>>) semaphore(%run_scoped3A_124 : memref<!tpu.dma_semaphore, #tpu.memory_space<semaphore_mem>>) {add = true}
        %dma_wait3A_139 = arith.constant 0 : i32
        %dma_wait3A_140 = arith.constant 0 : i32
        %dma_wait3A_141 = tpu.memref_slice %arg7[%run_scoped3A_122, %dma_wait3A_139, %dma_wait3A_140] : memref<2x128x128xf32, #tpu.memory_space<vmem>> -> memref<1x128x128xf32, #tpu.memory_space<vmem>>
        %dma_wait3A_142 = tpu.memref_squeeze %dma_wait3A_141 : memref<1x128x128xf32, #tpu.memory_space<vmem>> -> memref<128x128xf32, #tpu.memory_space<vmem>>
        %dma_wait3A_143 = arith.constant 0 : i32
        %dma_wait3A_144 = arith.constant 0 : i32
        %dma_wait3A_145 = tpu.memref_slice %arg6[%add3A_121, %dma_wait3A_143, %dma_wait3A_144] : memref<40x2x128xi32, #tpu.memory_space<vmem>> -> memref<1x2x128xi32, #tpu.memory_space<vmem>>
        %dma_wait3A_146 = tpu.memref_squeeze %dma_wait3A_145 : memref<1x2x128xi32, #tpu.memory_space<vmem>> -> memref<2x128xi32, #tpu.memory_space<vmem>>
        %dma_wait3A_147 = arith.constant 0 : i32
        %dma_wait3A_148 = tpu.memref_slice %dma_wait3A_146[%run_scoped3A_123, %dma_wait3A_147] : memref<2x128xi32, #tpu.memory_space<vmem>> -> memref<1x128xi32, #tpu.memory_space<vmem>>
        %dma_wait3A_149 = tpu.memref_squeeze %dma_wait3A_148 : memref<1x128xi32, #tpu.memory_space<vmem>> -> memref<128xi32, #tpu.memory_space<vmem>>
        %dma_wait3A_150 = arith.constant 0 : i32
        %dma_wait3A_151 = arith.constant 0 : i32
        %dma_wait3A_152 = tpu.memref_slice %arg8[%dma_wait3A_150, %dma_wait3A_151] : memref<10112x128xf32, #tpu.memory_space<vmem_shared>> -> memref<10112x128xf32, #tpu.memory_space<vmem_shared>>
        tpu.wait_indirect_dma semaphore(%run_scoped3A_124 : memref<!tpu.dma_semaphore, #tpu.memory_space<semaphore_mem>>) src(%dma_wait3A_142 : memref<128x128xf32, #tpu.memory_space<vmem>>) dst(%dma_wait3A_152 : memref<10112x128xf32, #tpu.memory_space<vmem_shared>>)
        tpu.yield
      }) : () -> ()
    }
    %scan3A_7 = arith.constant 20 : i32
    "tpu.region"() ({
      %run_scoped3A_49 = tpu.sem_alloc : memref<!tpu.dma_semaphore, #tpu.memory_space<semaphore_mem>>
      %dma_start3A_50 = arith.constant 0 : i32
      %dma_start3A_51 = arith.constant 0 : i32
      %dma_start3A_52 = arith.constant 0 : i32
      %dma_start3A_53 = tpu.memref_slice %arg6[%dma_start3A_50, %dma_start3A_51, %dma_start3A_52] : memref<40x2x128xi32, #tpu.memory_space<vmem>> -> memref<39x2x128xi32, #tpu.memory_space<vmem>>
      %dma_start3A_54 = arith.constant 0 : i32
      %dma_start3A_55 = arith.constant 0 : i32
      %dma_start3A_56 = arith.constant 0 : i32
      %dma_start3A_57 = tpu.memref_slice %arg2[%add3A, %dma_start3A_54, %dma_start3A_55, %dma_start3A_56] : memref<32x79x2x128xi32, #tpu.memory_space<hbm>> -> memref<1x79x2x128xi32, #tpu.memory_space<hbm>>
      %dma_start3A_58 = tpu.memref_squeeze %dma_start3A_57 : memref<1x79x2x128xi32, #tpu.memory_space<hbm>> -> memref<79x2x128xi32, #tpu.memory_space<hbm>>
      %dma_start3A_59 = arith.constant 40 : i32
      %dma_start3A_60 = arith.constant 0 : i32
      %dma_start3A_61 = arith.constant 0 : i32
      %dma_start3A_62 = tpu.memref_slice %dma_start3A_58[%dma_start3A_59, %dma_start3A_60, %dma_start3A_61] : memref<79x2x128xi32, #tpu.memory_space<hbm>> -> memref<39x2x128xi32, #tpu.memory_space<hbm>>
      %dma_start3A_63 = arith.constant 0 : i32
      %dma_start3A_64 = arith.constant 0 : i32
      %dma_start3A_65 = arith.constant 0 : i32
      %dma_start3A_66 = tpu.memref_slice %arg6[%dma_start3A_63, %dma_start3A_64, %dma_start3A_65] : memref<40x2x128xi32, #tpu.memory_space<vmem>> -> memref<39x2x128xi32, #tpu.memory_space<vmem>>
      %dma_start3A_67 = arith.constant 0 : i32
      %dma_start3A_68 = arith.constant 0 : i32
      %dma_start3A_69 = arith.constant 0 : i32
      %dma_start3A_70 = tpu.memref_slice %arg2[%add3A, %dma_start3A_67, %dma_start3A_68, %dma_start3A_69] : memref<32x79x2x128xi32, #tpu.memory_space<hbm>> -> memref<1x79x2x128xi32, #tpu.memory_space<hbm>>
      %dma_start3A_71 = tpu.memref_squeeze %dma_start3A_70 : memref<1x79x2x128xi32, #tpu.memory_space<hbm>> -> memref<79x2x128xi32, #tpu.memory_space<hbm>>
      %dma_start3A_72 = arith.constant 40 : i32
      %dma_start3A_73 = arith.constant 0 : i32
      %dma_start3A_74 = arith.constant 0 : i32
      %dma_start3A_75 = tpu.memref_slice %dma_start3A_71[%dma_start3A_72, %dma_start3A_73, %dma_start3A_74] : memref<79x2x128xi32, #tpu.memory_space<hbm>> -> memref<39x2x128xi32, #tpu.memory_space<hbm>>
      tpu.enqueue_dma source(%dma_start3A_75 : memref<39x2x128xi32, #tpu.memory_space<hbm>>) target(%dma_start3A_66 : memref<39x2x128xi32, #tpu.memory_space<vmem>>) target_semaphore(%run_scoped3A_49 : memref<!tpu.dma_semaphore, #tpu.memory_space<semaphore_mem>>)
      %dma_wait3A_76 = arith.constant 0 : i32
      %dma_wait3A_77 = arith.constant 0 : i32
      %dma_wait3A_78 = arith.constant 0 : i32
      %dma_wait3A_79 = tpu.memref_slice %arg6[%dma_wait3A_76, %dma_wait3A_77, %dma_wait3A_78] : memref<40x2x128xi32, #tpu.memory_space<vmem>> -> memref<39x2x128xi32, #tpu.memory_space<vmem>>
      %dma_wait3A_80 = arith.constant 0 : i32
      %dma_wait3A_81 = arith.constant 0 : i32
      %dma_wait3A_82 = arith.constant 0 : i32
      %dma_wait3A_83 = tpu.memref_slice %arg2[%add3A, %dma_wait3A_80, %dma_wait3A_81, %dma_wait3A_82] : memref<32x79x2x128xi32, #tpu.memory_space<hbm>> -> memref<1x79x2x128xi32, #tpu.memory_space<hbm>>
      %dma_wait3A_84 = tpu.memref_squeeze %dma_wait3A_83 : memref<1x79x2x128xi32, #tpu.memory_space<hbm>> -> memref<79x2x128xi32, #tpu.memory_space<hbm>>
      %dma_wait3A_85 = arith.constant 40 : i32
      %dma_wait3A_86 = arith.constant 0 : i32
      %dma_wait3A_87 = arith.constant 0 : i32
      %dma_wait3A_88 = tpu.memref_slice %dma_wait3A_84[%dma_wait3A_85, %dma_wait3A_86, %dma_wait3A_87] : memref<79x2x128xi32, #tpu.memory_space<hbm>> -> memref<39x2x128xi32, #tpu.memory_space<hbm>>
      %dma_wait3A_89 = arith.constant 0 : i32
      %dma_wait3A_90 = arith.constant 0 : i32
      %dma_wait3A_91 = arith.constant 0 : i32
      %dma_wait3A_92 = tpu.memref_slice %arg6[%dma_wait3A_89, %dma_wait3A_90, %dma_wait3A_91] : memref<40x2x128xi32, #tpu.memory_space<vmem>> -> memref<39x2x128xi32, #tpu.memory_space<vmem>>
      %dma_wait3A_93 = arith.constant 0 : i32
      %dma_wait3A_94 = arith.constant 0 : i32
      %dma_wait3A_95 = arith.constant 0 : i32
      %dma_wait3A_96 = tpu.memref_slice %arg2[%add3A, %dma_wait3A_93, %dma_wait3A_94, %dma_wait3A_95] : memref<32x79x2x128xi32, #tpu.memory_space<hbm>> -> memref<1x79x2x128xi32, #tpu.memory_space<hbm>>
      %dma_wait3A_97 = tpu.memref_squeeze %dma_wait3A_96 : memref<1x79x2x128xi32, #tpu.memory_space<hbm>> -> memref<79x2x128xi32, #tpu.memory_space<hbm>>
      %dma_wait3A_98 = arith.constant 40 : i32
      %dma_wait3A_99 = arith.constant 0 : i32
      %dma_wait3A_100 = arith.constant 0 : i32
      %dma_wait3A_101 = tpu.memref_slice %dma_wait3A_97[%dma_wait3A_98, %dma_wait3A_99, %dma_wait3A_100] : memref<79x2x128xi32, #tpu.memory_space<hbm>> -> memref<39x2x128xi32, #tpu.memory_space<hbm>>
      tpu.wait_dma2 semaphore(%run_scoped3A_49 : memref<!tpu.dma_semaphore, #tpu.memory_space<semaphore_mem>>) src(%dma_wait3A_101 : memref<39x2x128xi32, #tpu.memory_space<hbm>>) dst(%dma_wait3A_92 : memref<39x2x128xi32, #tpu.memory_space<vmem>>)
      tpu.yield
    }) : () -> ()
    %scan3A_8 = arith.constant 0 : i32
    %scan3A_9 = arith.constant 0 : i32
    %scan3A_10 = arith.constant 19 : i32
    %scan3A_11 = arith.addi %scan3A_9, %scan3A_10 : i32
    %scan3A_12 = arith.constant 1 : i32
    scf.for %scan3A_49 = %scan3A_9 to %scan3A_11 step %scan3A_12  : i32 {
      %mul3A_50 = arith.constant 2 : i32
      %mul3A_51 = arith.muli %mul3A_50, %scan3A_49 : i32
      %dma_start3A_52 = arith.constant 0 : i32
      %dma_start3A_53 = arith.constant 0 : i32
      %dma_start3A_54 = arith.constant 0 : i32
      %dma_start3A_55 = arith.constant 0 : i32
      %dma_start3A_56 = tpu.memref_slice %arg7[%dma_start3A_53, %dma_start3A_54, %dma_start3A_55] : memref<2x128x128xf32, #tpu.memory_space<vmem>> -> memref<1x128x128xf32, #tpu.memory_space<vmem>>
      %dma_start3A_57 = tpu.memref_squeeze %dma_start3A_56 : memref<1x128x128xf32, #tpu.memory_space<vmem>> -> memref<128x128xf32, #tpu.memory_space<vmem>>
      %dma_start3A_58 = arith.constant 0 : i32
      %dma_start3A_59 = arith.constant 0 : i32
      %dma_start3A_60 = tpu.memref_slice %arg6[%mul3A_51, %dma_start3A_58, %dma_start3A_59] : memref<40x2x128xi32, #tpu.memory_space<vmem>> -> memref<1x2x128xi32, #tpu.memory_space<vmem>>
      %dma_start3A_61 = tpu.memref_squeeze %dma_start3A_60 : memref<1x2x128xi32, #tpu.memory_space<vmem>> -> memref<2x128xi32, #tpu.memory_space<vmem>>
      %dma_start3A_62 = arith.constant 0 : i32
      %dma_start3A_63 = tpu.memref_slice %dma_start3A_61[%dma_start3A_52, %dma_start3A_62] : memref<2x128xi32, #tpu.memory_space<vmem>> -> memref<1x128xi32, #tpu.memory_space<vmem>>
      %dma_start3A_64 = tpu.memref_squeeze %dma_start3A_63 : memref<1x128xi32, #tpu.memory_space<vmem>> -> memref<128xi32, #tpu.memory_space<vmem>>
      %dma_start3A_65 = arith.constant 0 : i32
      %dma_start3A_66 = arith.constant 0 : i32
      %dma_start3A_67 = tpu.memref_slice %arg3[%dma_start3A_65, %dma_start3A_66] : memref<10000x128xf32, #tpu.memory_space<hbm>> -> memref<10000x128xf32, #tpu.memory_space<hbm>>
      tpu.enqueue_indirect_dma source(%dma_start3A_67 : memref<10000x128xf32, #tpu.memory_space<hbm>>) target(%dma_start3A_57 : memref<128x128xf32, #tpu.memory_space<vmem>>) offsets(%dma_start3A_64 : memref<128xi32, #tpu.memory_space<vmem>>) semaphore(%arg9 : memref<!tpu.dma_semaphore, #tpu.memory_space<semaphore_mem>>)
      %add3A_68 = arith.constant 1 : i32
      %add3A_69 = arith.addi %mul3A_51, %add3A_68 : i32
      %dma_start3A_70 = arith.constant 0 : i32
      %dma_start3A_71 = arith.constant 1 : i32
      %dma_start3A_72 = arith.constant 0 : i32
      %dma_start3A_73 = arith.constant 0 : i32
      %dma_start3A_74 = tpu.memref_slice %arg7[%dma_start3A_71, %dma_start3A_72, %dma_start3A_73] : memref<2x128x128xf32, #tpu.memory_space<vmem>> -> memref<1x128x128xf32, #tpu.memory_space<vmem>>
      %dma_start3A_75 = tpu.memref_squeeze %dma_start3A_74 : memref<1x128x128xf32, #tpu.memory_space<vmem>> -> memref<128x128xf32, #tpu.memory_space<vmem>>
      %dma_start3A_76 = arith.constant 0 : i32
      %dma_start3A_77 = arith.constant 0 : i32
      %dma_start3A_78 = tpu.memref_slice %arg6[%add3A_69, %dma_start3A_76, %dma_start3A_77] : memref<40x2x128xi32, #tpu.memory_space<vmem>> -> memref<1x2x128xi32, #tpu.memory_space<vmem>>
      %dma_start3A_79 = tpu.memref_squeeze %dma_start3A_78 : memref<1x2x128xi32, #tpu.memory_space<vmem>> -> memref<2x128xi32, #tpu.memory_space<vmem>>
      %dma_start3A_80 = arith.constant 0 : i32
      %dma_start3A_81 = tpu.memref_slice %dma_start3A_79[%dma_start3A_70, %dma_start3A_80] : memref<2x128xi32, #tpu.memory_space<vmem>> -> memref<1x128xi32, #tpu.memory_space<vmem>>
      %dma_start3A_82 = tpu.memref_squeeze %dma_start3A_81 : memref<1x128xi32, #tpu.memory_space<vmem>> -> memref<128xi32, #tpu.memory_space<vmem>>
      %dma_start3A_83 = arith.constant 0 : i32
      %dma_start3A_84 = arith.constant 0 : i32
      %dma_start3A_85 = tpu.memref_slice %arg3[%dma_start3A_83, %dma_start3A_84] : memref<10000x128xf32, #tpu.memory_space<hbm>> -> memref<10000x128xf32, #tpu.memory_space<hbm>>
      tpu.enqueue_indirect_dma source(%dma_start3A_85 : memref<10000x128xf32, #tpu.memory_space<hbm>>) target(%dma_start3A_75 : memref<128x128xf32, #tpu.memory_space<vmem>>) offsets(%dma_start3A_82 : memref<128xi32, #tpu.memory_space<vmem>>) semaphore(%arg10 : memref<!tpu.dma_semaphore, #tpu.memory_space<semaphore_mem>>)
      %dma_wait3A_86 = arith.constant 0 : i32
      %dma_wait3A_87 = arith.constant 0 : i32
      %dma_wait3A_88 = arith.constant 0 : i32
      %dma_wait3A_89 = arith.constant 0 : i32
      %dma_wait3A_90 = tpu.memref_slice %arg7[%dma_wait3A_87, %dma_wait3A_88, %dma_wait3A_89] : memref<2x128x128xf32, #tpu.memory_space<vmem>> -> memref<1x128x128xf32, #tpu.memory_space<vmem>>
      %dma_wait3A_91 = tpu.memref_squeeze %dma_wait3A_90 : memref<1x128x128xf32, #tpu.memory_space<vmem>> -> memref<128x128xf32, #tpu.memory_space<vmem>>
      %dma_wait3A_92 = arith.constant 0 : i32
      %dma_wait3A_93 = arith.constant 0 : i32
      %dma_wait3A_94 = tpu.memref_slice %arg6[%mul3A_51, %dma_wait3A_92, %dma_wait3A_93] : memref<40x2x128xi32, #tpu.memory_space<vmem>> -> memref<1x2x128xi32, #tpu.memory_space<vmem>>
      %dma_wait3A_95 = tpu.memref_squeeze %dma_wait3A_94 : memref<1x2x128xi32, #tpu.memory_space<vmem>> -> memref<2x128xi32, #tpu.memory_space<vmem>>
      %dma_wait3A_96 = arith.constant 0 : i32
      %dma_wait3A_97 = tpu.memref_slice %dma_wait3A_95[%dma_wait3A_86, %dma_wait3A_96] : memref<2x128xi32, #tpu.memory_space<vmem>> -> memref<1x128xi32, #tpu.memory_space<vmem>>
      %dma_wait3A_98 = tpu.memref_squeeze %dma_wait3A_97 : memref<1x128xi32, #tpu.memory_space<vmem>> -> memref<128xi32, #tpu.memory_space<vmem>>
      %dma_wait3A_99 = arith.constant 0 : i32
      %dma_wait3A_100 = arith.constant 0 : i32
      %dma_wait3A_101 = tpu.memref_slice %arg3[%dma_wait3A_99, %dma_wait3A_100] : memref<10000x128xf32, #tpu.memory_space<hbm>> -> memref<10000x128xf32, #tpu.memory_space<hbm>>
      tpu.wait_indirect_dma semaphore(%arg9 : memref<!tpu.dma_semaphore, #tpu.memory_space<semaphore_mem>>) src(%dma_wait3A_101 : memref<10000x128xf32, #tpu.memory_space<hbm>>) dst(%dma_wait3A_91 : memref<128x128xf32, #tpu.memory_space<vmem>>)
      %run_scoped3A_102 = arith.constant 0 : i32
      %run_scoped3A_103 = arith.constant 1 : i32
      "tpu.region"() ({
        %run_scoped3A_124 = tpu.sem_alloc : memref<!tpu.dma_semaphore, #tpu.memory_space<semaphore_mem>>
        %dma_start3A_125 = arith.constant 0 : i32
        %dma_start3A_126 = arith.constant 0 : i32
        %dma_start3A_127 = tpu.memref_slice %arg7[%run_scoped3A_102, %dma_start3A_125, %dma_start3A_126] : memref<2x128x128xf32, #tpu.memory_space<vmem>> -> memref<1x128x128xf32, #tpu.memory_space<vmem>>
        %dma_start3A_128 = tpu.memref_squeeze %dma_start3A_127 : memref<1x128x128xf32, #tpu.memory_space<vmem>> -> memref<128x128xf32, #tpu.memory_space<vmem>>
        %dma_start3A_129 = arith.constant 0 : i32
        %dma_start3A_130 = arith.constant 0 : i32
        %dma_start3A_131 = tpu.memref_slice %arg6[%mul3A_51, %dma_start3A_129, %dma_start3A_130] : memref<40x2x128xi32, #tpu.memory_space<vmem>> -> memref<1x2x128xi32, #tpu.memory_space<vmem>>
        %dma_start3A_132 = tpu.memref_squeeze %dma_start3A_131 : memref<1x2x128xi32, #tpu.memory_space<vmem>> -> memref<2x128xi32, #tpu.memory_space<vmem>>
        %dma_start3A_133 = arith.constant 0 : i32
        %dma_start3A_134 = tpu.memref_slice %dma_start3A_132[%run_scoped3A_103, %dma_start3A_133] : memref<2x128xi32, #tpu.memory_space<vmem>> -> memref<1x128xi32, #tpu.memory_space<vmem>>
        %dma_start3A_135 = tpu.memref_squeeze %dma_start3A_134 : memref<1x128xi32, #tpu.memory_space<vmem>> -> memref<128xi32, #tpu.memory_space<vmem>>
        %dma_start3A_136 = arith.constant 0 : i32
        %dma_start3A_137 = arith.constant 0 : i32
        %dma_start3A_138 = tpu.memref_slice %arg8[%dma_start3A_136, %dma_start3A_137] : memref<10112x128xf32, #tpu.memory_space<vmem_shared>> -> memref<10112x128xf32, #tpu.memory_space<vmem_shared>>
        tpu.enqueue_indirect_dma source(%dma_start3A_128 : memref<128x128xf32, #tpu.memory_space<vmem>>) target(%dma_start3A_138 : memref<10112x128xf32, #tpu.memory_space<vmem_shared>>) offsets(%dma_start3A_135 : memref<128xi32, #tpu.memory_space<vmem>>) semaphore(%run_scoped3A_124 : memref<!tpu.dma_semaphore, #tpu.memory_space<semaphore_mem>>) {add = true}
        %dma_wait3A_139 = arith.constant 0 : i32
        %dma_wait3A_140 = arith.constant 0 : i32
        %dma_wait3A_141 = tpu.memref_slice %arg7[%run_scoped3A_102, %dma_wait3A_139, %dma_wait3A_140] : memref<2x128x128xf32, #tpu.memory_space<vmem>> -> memref<1x128x128xf32, #tpu.memory_space<vmem>>
        %dma_wait3A_142 = tpu.memref_squeeze %dma_wait3A_141 : memref<1x128x128xf32, #tpu.memory_space<vmem>> -> memref<128x128xf32, #tpu.memory_space<vmem>>
        %dma_wait3A_143 = arith.constant 0 : i32
        %dma_wait3A_144 = arith.constant 0 : i32
        %dma_wait3A_145 = tpu.memref_slice %arg6[%mul3A_51, %dma_wait3A_143, %dma_wait3A_144] : memref<40x2x128xi32, #tpu.memory_space<vmem>> -> memref<1x2x128xi32, #tpu.memory_space<vmem>>
        %dma_wait3A_146 = tpu.memref_squeeze %dma_wait3A_145 : memref<1x2x128xi32, #tpu.memory_space<vmem>> -> memref<2x128xi32, #tpu.memory_space<vmem>>
        %dma_wait3A_147 = arith.constant 0 : i32
        %dma_wait3A_148 = tpu.memref_slice %dma_wait3A_146[%run_scoped3A_103, %dma_wait3A_147] : memref<2x128xi32, #tpu.memory_space<vmem>> -> memref<1x128xi32, #tpu.memory_space<vmem>>
        %dma_wait3A_149 = tpu.memref_squeeze %dma_wait3A_148 : memref<1x128xi32, #tpu.memory_space<vmem>> -> memref<128xi32, #tpu.memory_space<vmem>>
        %dma_wait3A_150 = arith.constant 0 : i32
        %dma_wait3A_151 = arith.constant 0 : i32
        %dma_wait3A_152 = tpu.memref_slice %arg8[%dma_wait3A_150, %dma_wait3A_151] : memref<10112x128xf32, #tpu.memory_space<vmem_shared>> -> memref<10112x128xf32, #tpu.memory_space<vmem_shared>>
        tpu.wait_indirect_dma semaphore(%run_scoped3A_124 : memref<!tpu.dma_semaphore, #tpu.memory_space<semaphore_mem>>) src(%dma_wait3A_142 : memref<128x128xf32, #tpu.memory_space<vmem>>) dst(%dma_wait3A_152 : memref<10112x128xf32, #tpu.memory_space<vmem_shared>>)
        tpu.yield
      }) : () -> ()
      %dma_wait3A_104 = arith.constant 0 : i32
      %dma_wait3A_105 = arith.constant 1 : i32
      %dma_wait3A_106 = arith.constant 0 : i32
      %dma_wait3A_107 = arith.constant 0 : i32
      %dma_wait3A_108 = tpu.memref_slice %arg7[%dma_wait3A_105, %dma_wait3A_106, %dma_wait3A_107] : memref<2x128x128xf32, #tpu.memory_space<vmem>> -> memref<1x128x128xf32, #tpu.memory_space<vmem>>
      %dma_wait3A_109 = tpu.memref_squeeze %dma_wait3A_108 : memref<1x128x128xf32, #tpu.memory_space<vmem>> -> memref<128x128xf32, #tpu.memory_space<vmem>>
      %dma_wait3A_110 = arith.constant 0 : i32
      %dma_wait3A_111 = arith.constant 0 : i32
      %dma_wait3A_112 = tpu.memref_slice %arg6[%add3A_69, %dma_wait3A_110, %dma_wait3A_111] : memref<40x2x128xi32, #tpu.memory_space<vmem>> -> memref<1x2x128xi32, #tpu.memory_space<vmem>>
      %dma_wait3A_113 = tpu.memref_squeeze %dma_wait3A_112 : memref<1x2x128xi32, #tpu.memory_space<vmem>> -> memref<2x128xi32, #tpu.memory_space<vmem>>
      %dma_wait3A_114 = arith.constant 0 : i32
      %dma_wait3A_115 = tpu.memref_slice %dma_wait3A_113[%dma_wait3A_104, %dma_wait3A_114] : memref<2x128xi32, #tpu.memory_space<vmem>> -> memref<1x128xi32, #tpu.memory_space<vmem>>
      %dma_wait3A_116 = tpu.memref_squeeze %dma_wait3A_115 : memref<1x128xi32, #tpu.memory_space<vmem>> -> memref<128xi32, #tpu.memory_space<vmem>>
      %dma_wait3A_117 = arith.constant 0 : i32
      %dma_wait3A_118 = arith.constant 0 : i32
      %dma_wait3A_119 = tpu.memref_slice %arg3[%dma_wait3A_117, %dma_wait3A_118] : memref<10000x128xf32, #tpu.memory_space<hbm>> -> memref<10000x128xf32, #tpu.memory_space<hbm>>
      tpu.wait_indirect_dma semaphore(%arg10 : memref<!tpu.dma_semaphore, #tpu.memory_space<semaphore_mem>>) src(%dma_wait3A_119 : memref<10000x128xf32, #tpu.memory_space<hbm>>) dst(%dma_wait3A_109 : memref<128x128xf32, #tpu.memory_space<vmem>>)
      %add3A_120 = arith.constant 1 : i32
      %add3A_121 = arith.addi %mul3A_51, %add3A_120 : i32
      %run_scoped3A_122 = arith.constant 1 : i32
      %run_scoped3A_123 = arith.constant 1 : i32
      "tpu.region"() ({
        %run_scoped3A_124 = tpu.sem_alloc : memref<!tpu.dma_semaphore, #tpu.memory_space<semaphore_mem>>
        %dma_start3A_125 = arith.constant 0 : i32
        %dma_start3A_126 = arith.constant 0 : i32
        %dma_start3A_127 = tpu.memref_slice %arg7[%run_scoped3A_122, %dma_start3A_125, %dma_start3A_126] : memref<2x128x128xf32, #tpu.memory_space<vmem>> -> memref<1x128x128xf32, #tpu.memory_space<vmem>>
        %dma_start3A_128 = tpu.memref_squeeze %dma_start3A_127 : memref<1x128x128xf32, #tpu.memory_space<vmem>> -> memref<128x128xf32, #tpu.memory_space<vmem>>
        %dma_start3A_129 = arith.constant 0 : i32
        %dma_start3A_130 = arith.constant 0 : i32
        %dma_start3A_131 = tpu.memref_slice %arg6[%add3A_121, %dma_start3A_129, %dma_start3A_130] : memref<40x2x128xi32, #tpu.memory_space<vmem>> -> memref<1x2x128xi32, #tpu.memory_space<vmem>>
        %dma_start3A_132 = tpu.memref_squeeze %dma_start3A_131 : memref<1x2x128xi32, #tpu.memory_space<vmem>> -> memref<2x128xi32, #tpu.memory_space<vmem>>
        %dma_start3A_133 = arith.constant 0 : i32
        %dma_start3A_134 = tpu.memref_slice %dma_start3A_132[%run_scoped3A_123, %dma_start3A_133] : memref<2x128xi32, #tpu.memory_space<vmem>> -> memref<1x128xi32, #tpu.memory_space<vmem>>
        %dma_start3A_135 = tpu.memref_squeeze %dma_start3A_134 : memref<1x128xi32, #tpu.memory_space<vmem>> -> memref<128xi32, #tpu.memory_space<vmem>>
        %dma_start3A_136 = arith.constant 0 : i32
        %dma_start3A_137 = arith.constant 0 : i32
        %dma_start3A_138 = tpu.memref_slice %arg8[%dma_start3A_136, %dma_start3A_137] : memref<10112x128xf32, #tpu.memory_space<vmem_shared>> -> memref<10112x128xf32, #tpu.memory_space<vmem_shared>>
        tpu.enqueue_indirect_dma source(%dma_start3A_128 : memref<128x128xf32, #tpu.memory_space<vmem>>) target(%dma_start3A_138 : memref<10112x128xf32, #tpu.memory_space<vmem_shared>>) offsets(%dma_start3A_135 : memref<128xi32, #tpu.memory_space<vmem>>) semaphore(%run_scoped3A_124 : memref<!tpu.dma_semaphore, #tpu.memory_space<semaphore_mem>>) {add = true}
        %dma_wait3A_139 = arith.constant 0 : i32
        %dma_wait3A_140 = arith.constant 0 : i32
        %dma_wait3A_141 = tpu.memref_slice %arg7[%run_scoped3A_122, %dma_wait3A_139, %dma_wait3A_140] : memref<2x128x128xf32, #tpu.memory_space<vmem>> -> memref<1x128x128xf32, #tpu.memory_space<vmem>>
        %dma_wait3A_142 = tpu.memref_squeeze %dma_wait3A_141 : memref<1x128x128xf32, #tpu.memory_space<vmem>> -> memref<128x128xf32, #tpu.memory_space<vmem>>
        %dma_wait3A_143 = arith.constant 0 : i32
        %dma_wait3A_144 = arith.constant 0 : i32
        %dma_wait3A_145 = tpu.memref_slice %arg6[%add3A_121, %dma_wait3A_143, %dma_wait3A_144] : memref<40x2x128xi32, #tpu.memory_space<vmem>> -> memref<1x2x128xi32, #tpu.memory_space<vmem>>
        %dma_wait3A_146 = tpu.memref_squeeze %dma_wait3A_145 : memref<1x2x128xi32, #tpu.memory_space<vmem>> -> memref<2x128xi32, #tpu.memory_space<vmem>>
        %dma_wait3A_147 = arith.constant 0 : i32
        %dma_wait3A_148 = tpu.memref_slice %dma_wait3A_146[%run_scoped3A_123, %dma_wait3A_147] : memref<2x128xi32, #tpu.memory_space<vmem>> -> memref<1x128xi32, #tpu.memory_space<vmem>>
        %dma_wait3A_149 = tpu.memref_squeeze %dma_wait3A_148 : memref<1x128xi32, #tpu.memory_space<vmem>> -> memref<128xi32, #tpu.memory_space<vmem>>
        %dma_wait3A_150 = arith.constant 0 : i32
        %dma_wait3A_151 = arith.constant 0 : i32
        %dma_wait3A_152 = tpu.memref_slice %arg8[%dma_wait3A_150, %dma_wait3A_151] : memref<10112x128xf32, #tpu.memory_space<vmem_shared>> -> memref<10112x128xf32, #tpu.memory_space<vmem_shared>>
        tpu.wait_indirect_dma semaphore(%run_scoped3A_124 : memref<!tpu.dma_semaphore, #tpu.memory_space<semaphore_mem>>) src(%dma_wait3A_142 : memref<128x128xf32, #tpu.memory_space<vmem>>) dst(%dma_wait3A_152 : memref<10112x128xf32, #tpu.memory_space<vmem_shared>>)
        tpu.yield
      }) : () -> ()
    }
    %scan3A_13 = arith.constant 19 : i32
    %dma_start3A = arith.constant 38 : i32
    %dma_start3A_14 = arith.constant 0 : i32
    %dma_start3A_15 = arith.constant 0 : i32
    %dma_start3A_16 = arith.constant 0 : i32
    %dma_start3A_17 = arith.constant 0 : i32
    %dma_start3A_18 = tpu.memref_slice %arg7[%dma_start3A_15, %dma_start3A_16, %dma_start3A_17] : memref<2x128x128xf32, #tpu.memory_space<vmem>> -> memref<1x128x128xf32, #tpu.memory_space<vmem>>
    %dma_start3A_19 = tpu.memref_squeeze %dma_start3A_18 : memref<1x128x128xf32, #tpu.memory_space<vmem>> -> memref<128x128xf32, #tpu.memory_space<vmem>>
    %dma_start3A_20 = arith.constant 0 : i32
    %dma_start3A_21 = arith.constant 0 : i32
    %dma_start3A_22 = tpu.memref_slice %arg6[%dma_start3A, %dma_start3A_20, %dma_start3A_21] : memref<40x2x128xi32, #tpu.memory_space<vmem>> -> memref<1x2x128xi32, #tpu.memory_space<vmem>>
    %dma_start3A_23 = tpu.memref_squeeze %dma_start3A_22 : memref<1x2x128xi32, #tpu.memory_space<vmem>> -> memref<2x128xi32, #tpu.memory_space<vmem>>
    %dma_start3A_24 = arith.constant 0 : i32
    %dma_start3A_25 = tpu.memref_slice %dma_start3A_23[%dma_start3A_14, %dma_start3A_24] : memref<2x128xi32, #tpu.memory_space<vmem>> -> memref<1x128xi32, #tpu.memory_space<vmem>>
    %dma_start3A_26 = tpu.memref_squeeze %dma_start3A_25 : memref<1x128xi32, #tpu.memory_space<vmem>> -> memref<128xi32, #tpu.memory_space<vmem>>
    %dma_start3A_27 = arith.constant 0 : i32
    %dma_start3A_28 = arith.constant 0 : i32
    %dma_start3A_29 = tpu.memref_slice %arg3[%dma_start3A_27, %dma_start3A_28] : memref<10000x128xf32, #tpu.memory_space<hbm>> -> memref<10000x128xf32, #tpu.memory_space<hbm>>
    tpu.enqueue_indirect_dma source(%dma_start3A_29 : memref<10000x128xf32, #tpu.memory_space<hbm>>) target(%dma_start3A_19 : memref<128x128xf32, #tpu.memory_space<vmem>>) offsets(%dma_start3A_26 : memref<128xi32, #tpu.memory_space<vmem>>) semaphore(%arg9 : memref<!tpu.dma_semaphore, #tpu.memory_space<semaphore_mem>>)
    %dma_wait3A = arith.constant 38 : i32
    %dma_wait3A_30 = arith.constant 0 : i32
    %dma_wait3A_31 = arith.constant 0 : i32
    %dma_wait3A_32 = arith.constant 0 : i32
    %dma_wait3A_33 = arith.constant 0 : i32
    %dma_wait3A_34 = tpu.memref_slice %arg7[%dma_wait3A_31, %dma_wait3A_32, %dma_wait3A_33] : memref<2x128x128xf32, #tpu.memory_space<vmem>> -> memref<1x128x128xf32, #tpu.memory_space<vmem>>
    %dma_wait3A_35 = tpu.memref_squeeze %dma_wait3A_34 : memref<1x128x128xf32, #tpu.memory_space<vmem>> -> memref<128x128xf32, #tpu.memory_space<vmem>>
    %dma_wait3A_36 = arith.constant 0 : i32
    %dma_wait3A_37 = arith.constant 0 : i32
    %dma_wait3A_38 = tpu.memref_slice %arg6[%dma_wait3A, %dma_wait3A_36, %dma_wait3A_37] : memref<40x2x128xi32, #tpu.memory_space<vmem>> -> memref<1x2x128xi32, #tpu.memory_space<vmem>>
    %dma_wait3A_39 = tpu.memref_squeeze %dma_wait3A_38 : memref<1x2x128xi32, #tpu.memory_space<vmem>> -> memref<2x128xi32, #tpu.memory_space<vmem>>
    %dma_wait3A_40 = arith.constant 0 : i32
    %dma_wait3A_41 = tpu.memref_slice %dma_wait3A_39[%dma_wait3A_30, %dma_wait3A_40] : memref<2x128xi32, #tpu.memory_space<vmem>> -> memref<1x128xi32, #tpu.memory_space<vmem>>
    %dma_wait3A_42 = tpu.memref_squeeze %dma_wait3A_41 : memref<1x128xi32, #tpu.memory_space<vmem>> -> memref<128xi32, #tpu.memory_space<vmem>>
    %dma_wait3A_43 = arith.constant 0 : i32
    %dma_wait3A_44 = arith.constant 0 : i32
    %dma_wait3A_45 = tpu.memref_slice %arg3[%dma_wait3A_43, %dma_wait3A_44] : memref<10000x128xf32, #tpu.memory_space<hbm>> -> memref<10000x128xf32, #tpu.memory_space<hbm>>
    tpu.wait_indirect_dma semaphore(%arg9 : memref<!tpu.dma_semaphore, #tpu.memory_space<semaphore_mem>>) src(%dma_wait3A_45 : memref<10000x128xf32, #tpu.memory_space<hbm>>) dst(%dma_wait3A_35 : memref<128x128xf32, #tpu.memory_space<vmem>>)
    %run_scoped3A = arith.constant 0 : i32
    %run_scoped3A_46 = arith.constant 38 : i32
    %run_scoped3A_47 = arith.constant 1 : i32
    "tpu.region"() ({
      %run_scoped3A_49 = tpu.sem_alloc : memref<!tpu.dma_semaphore, #tpu.memory_space<semaphore_mem>>
      %dma_start3A_50 = arith.constant 0 : i32
      %dma_start3A_51 = arith.constant 0 : i32
      %dma_start3A_52 = tpu.memref_slice %arg7[%run_scoped3A, %dma_start3A_50, %dma_start3A_51] : memref<2x128x128xf32, #tpu.memory_space<vmem>> -> memref<1x128x128xf32, #tpu.memory_space<vmem>>
      %dma_start3A_53 = tpu.memref_squeeze %dma_start3A_52 : memref<1x128x128xf32, #tpu.memory_space<vmem>> -> memref<128x128xf32, #tpu.memory_space<vmem>>
      %dma_start3A_54 = arith.constant 0 : i32
      %dma_start3A_55 = arith.constant 0 : i32
      %dma_start3A_56 = tpu.memref_slice %arg6[%run_scoped3A_46, %dma_start3A_54, %dma_start3A_55] : memref<40x2x128xi32, #tpu.memory_space<vmem>> -> memref<1x2x128xi32, #tpu.memory_space<vmem>>
      %dma_start3A_57 = tpu.memref_squeeze %dma_start3A_56 : memref<1x2x128xi32, #tpu.memory_space<vmem>> -> memref<2x128xi32, #tpu.memory_space<vmem>>
      %dma_start3A_58 = arith.constant 0 : i32
      %dma_start3A_59 = tpu.memref_slice %dma_start3A_57[%run_scoped3A_47, %dma_start3A_58] : memref<2x128xi32, #tpu.memory_space<vmem>> -> memref<1x128xi32, #tpu.memory_space<vmem>>
      %dma_start3A_60 = tpu.memref_squeeze %dma_start3A_59 : memref<1x128xi32, #tpu.memory_space<vmem>> -> memref<128xi32, #tpu.memory_space<vmem>>
      %dma_start3A_61 = arith.constant 0 : i32
      %dma_start3A_62 = arith.constant 0 : i32
      %dma_start3A_63 = tpu.memref_slice %arg8[%dma_start3A_61, %dma_start3A_62] : memref<10112x128xf32, #tpu.memory_space<vmem_shared>> -> memref<10112x128xf32, #tpu.memory_space<vmem_shared>>
      tpu.enqueue_indirect_dma source(%dma_start3A_53 : memref<128x128xf32, #tpu.memory_space<vmem>>) target(%dma_start3A_63 : memref<10112x128xf32, #tpu.memory_space<vmem_shared>>) offsets(%dma_start3A_60 : memref<128xi32, #tpu.memory_space<vmem>>) semaphore(%run_scoped3A_49 : memref<!tpu.dma_semaphore, #tpu.memory_space<semaphore_mem>>) {add = true}
      %dma_wait3A_64 = arith.constant 0 : i32
      %dma_wait3A_65 = arith.constant 0 : i32
      %dma_wait3A_66 = tpu.memref_slice %arg7[%run_scoped3A, %dma_wait3A_64, %dma_wait3A_65] : memref<2x128x128xf32, #tpu.memory_space<vmem>> -> memref<1x128x128xf32, #tpu.memory_space<vmem>>
      %dma_wait3A_67 = tpu.memref_squeeze %dma_wait3A_66 : memref<1x128x128xf32, #tpu.memory_space<vmem>> -> memref<128x128xf32, #tpu.memory_space<vmem>>
      %dma_wait3A_68 = arith.constant 0 : i32
      %dma_wait3A_69 = arith.constant 0 : i32
      %dma_wait3A_70 = tpu.memref_slice %arg6[%run_scoped3A_46, %dma_wait3A_68, %dma_wait3A_69] : memref<40x2x128xi32, #tpu.memory_space<vmem>> -> memref<1x2x128xi32, #tpu.memory_space<vmem>>
      %dma_wait3A_71 = tpu.memref_squeeze %dma_wait3A_70 : memref<1x2x128xi32, #tpu.memory_space<vmem>> -> memref<2x128xi32, #tpu.memory_space<vmem>>
      %dma_wait3A_72 = arith.constant 0 : i32
      %dma_wait3A_73 = tpu.memref_slice %dma_wait3A_71[%run_scoped3A_47, %dma_wait3A_72] : memref<2x128xi32, #tpu.memory_space<vmem>> -> memref<1x128xi32, #tpu.memory_space<vmem>>
      %dma_wait3A_74 = tpu.memref_squeeze %dma_wait3A_73 : memref<1x128xi32, #tpu.memory_space<vmem>> -> memref<128xi32, #tpu.memory_space<vmem>>
      %dma_wait3A_75 = arith.constant 0 : i32
      %dma_wait3A_76 = arith.constant 0 : i32
      %dma_wait3A_77 = tpu.memref_slice %arg8[%dma_wait3A_75, %dma_wait3A_76] : memref<10112x128xf32, #tpu.memory_space<vmem_shared>> -> memref<10112x128xf32, #tpu.memory_space<vmem_shared>>
      tpu.wait_indirect_dma semaphore(%run_scoped3A_49 : memref<!tpu.dma_semaphore, #tpu.memory_space<semaphore_mem>>) src(%dma_wait3A_67 : memref<128x128xf32, #tpu.memory_space<vmem>>) dst(%dma_wait3A_77 : memref<10112x128xf32, #tpu.memory_space<vmem_shared>>)
      tpu.yield
    }) : () -> ()
    %barrier3A_48 = arith.constant 0 : index
    tpu.barrier barrier_id(%barrier3A_48)
    "tpu.region"() ({
      %run_scoped3A_49 = tpu.sem_alloc : memref<!tpu.dma_semaphore, #tpu.memory_space<semaphore_mem>>
      %dma_start3A_50 = arith.constant 0 : i32
      %dma_start3A_51 = arith.constant 0 : i32
      %dma_start3A_52 = tpu.memref_slice %arg5[%arg0, %dma_start3A_50, %dma_start3A_51] : memref<2x10112x128xf32, #tpu.memory_space<hbm>> -> memref<1x10112x128xf32, #tpu.memory_space<hbm>>
      %dma_start3A_53 = tpu.memref_squeeze %dma_start3A_52 : memref<1x10112x128xf32, #tpu.memory_space<hbm>> -> memref<10112x128xf32, #tpu.memory_space<hbm>>
      %dma_start3A_54 = arith.constant 0 : i32
      %dma_start3A_55 = tpu.memref_slice %dma_start3A_53[%mul3A_2, %dma_start3A_54] : memref<10112x128xf32, #tpu.memory_space<hbm>> -> memref<632x128xf32, #tpu.memory_space<hbm>>
      %dma_start3A_56 = arith.constant 0 : i32
      %dma_start3A_57 = tpu.memref_slice %arg8[%mul3A_2, %dma_start3A_56] : memref<10112x128xf32, #tpu.memory_space<vmem_shared>> -> memref<632x128xf32, #tpu.memory_space<vmem_shared>>
      tpu.enqueue_dma source(%dma_start3A_57 : memref<632x128xf32, #tpu.memory_space<vmem_shared>>) target(%dma_start3A_55 : memref<632x128xf32, #tpu.memory_space<hbm>>) target_semaphore(%run_scoped3A_49 : memref<!tpu.dma_semaphore, #tpu.memory_space<semaphore_mem>>)
      %dma_wait3A_58 = arith.constant 0 : i32
      %dma_wait3A_59 = arith.constant 0 : i32
      %dma_wait3A_60 = tpu.memref_slice %arg5[%arg0, %dma_wait3A_58, %dma_wait3A_59] : memref<2x10112x128xf32, #tpu.memory_space<hbm>> -> memref<1x10112x128xf32, #tpu.memory_space<hbm>>
      %dma_wait3A_61 = tpu.memref_squeeze %dma_wait3A_60 : memref<1x10112x128xf32, #tpu.memory_space<hbm>> -> memref<10112x128xf32, #tpu.memory_space<hbm>>
      %dma_wait3A_62 = arith.constant 0 : i32
      %dma_wait3A_63 = tpu.memref_slice %dma_wait3A_61[%mul3A_2, %dma_wait3A_62] : memref<10112x128xf32, #tpu.memory_space<hbm>> -> memref<632x128xf32, #tpu.memory_space<hbm>>
      %dma_wait3A_64 = arith.constant 0 : i32
      %dma_wait3A_65 = tpu.memref_slice %arg8[%mul3A_2, %dma_wait3A_64] : memref<10112x128xf32, #tpu.memory_space<vmem_shared>> -> memref<632x128xf32, #tpu.memory_space<vmem_shared>>
      tpu.wait_dma2 semaphore(%run_scoped3A_49 : memref<!tpu.dma_semaphore, #tpu.memory_space<semaphore_mem>>) src(%dma_wait3A_65 : memref<632x128xf32, #tpu.memory_space<vmem_shared>>) dst(%dma_wait3A_63 : memref<632x128xf32, #tpu.memory_space<hbm>>)
      tpu.yield
    }) : () -> ()
    return
  }
}

#map = affine_map<(d0, d1) -> (0, 0, 0)>
#map1 = affine_map<(d0, d1) -> (0, 0)>
module attributes {stable_mosaic.version = 14 : i64} {
  func.func @_deg_body(%arg0: i32, %arg1: i32, %arg2: memref<32x79x128xi32, #tpu.memory_space<hbm>>, %arg3: memref<128x128xf32, #tpu.memory_space<hbm>>, %arg4: memref<10112x128xf32, #tpu.memory_space<hbm>>, %arg5: memref<2x10112x128xf32, #tpu.memory_space<hbm>>, %arg6: memref<79x128xi32, #tpu.memory_space<vmem>>, %arg7: memref<128x128xf32, #tpu.memory_space<vmem>>, %arg8: memref<10112x128xf32, #tpu.memory_space<vmem_shared>>, %arg9: memref<!tpu.dma_semaphore, #tpu.memory_space<semaphore_mem>>, %arg10: memref<!tpu.dma_semaphore, #tpu.memory_space<semaphore_mem>>) attributes {dimension_semantics = [#tpu.dimension_semantics<core_parallel>, #tpu.dimension_semantics<subcore_parallel>], iteration_bounds = array<i64: 2, 16>, scalar_prefetch = 0 : i64, scratch_operands = 5 : i64, tpu.core_type = #tpu.core_type<sc_vector_subcore>, window_params = [{transform_indices = #map}, {transform_indices = #map1}, {transform_indices = #map1}, {transform_indices = #map}]} {
    %mul3A = arith.constant 2 : i32
    %mul3A_0 = arith.muli %arg1, %mul3A : i32
    %add3A = arith.addi %mul3A_0, %arg0 : i32
    "tpu.region"() ({
      %run_scoped3A = tpu.sem_alloc : memref<!tpu.dma_semaphore, #tpu.memory_space<semaphore_mem>>
      %dma_start3A_21 = arith.constant 0 : i32
      %dma_start3A_22 = arith.constant 0 : i32
      %dma_start3A_23 = tpu.memref_slice %arg2[%add3A, %dma_start3A_21, %dma_start3A_22] : memref<32x79x128xi32, #tpu.memory_space<hbm>> -> memref<1x79x128xi32, #tpu.memory_space<hbm>>
      %dma_start3A_24 = tpu.memref_squeeze %dma_start3A_23 : memref<1x79x128xi32, #tpu.memory_space<hbm>> -> memref<79x128xi32, #tpu.memory_space<hbm>>
      %dma_start3A_25 = arith.constant 0 : i32
      %dma_start3A_26 = arith.constant 0 : i32
      %dma_start3A_27 = tpu.memref_slice %arg2[%add3A, %dma_start3A_25, %dma_start3A_26] : memref<32x79x128xi32, #tpu.memory_space<hbm>> -> memref<1x79x128xi32, #tpu.memory_space<hbm>>
      %dma_start3A_28 = tpu.memref_squeeze %dma_start3A_27 : memref<1x79x128xi32, #tpu.memory_space<hbm>> -> memref<79x128xi32, #tpu.memory_space<hbm>>
      tpu.enqueue_dma source(%dma_start3A_28 : memref<79x128xi32, #tpu.memory_space<hbm>>) target(%arg6 : memref<79x128xi32, #tpu.memory_space<vmem>>) target_semaphore(%run_scoped3A : memref<!tpu.dma_semaphore, #tpu.memory_space<semaphore_mem>>)
      %dma_wait3A_29 = arith.constant 0 : i32
      %dma_wait3A_30 = arith.constant 0 : i32
      %dma_wait3A_31 = tpu.memref_slice %arg2[%add3A, %dma_wait3A_29, %dma_wait3A_30] : memref<32x79x128xi32, #tpu.memory_space<hbm>> -> memref<1x79x128xi32, #tpu.memory_space<hbm>>
      %dma_wait3A_32 = tpu.memref_squeeze %dma_wait3A_31 : memref<1x79x128xi32, #tpu.memory_space<hbm>> -> memref<79x128xi32, #tpu.memory_space<hbm>>
      %dma_wait3A_33 = arith.constant 0 : i32
      %dma_wait3A_34 = arith.constant 0 : i32
      %dma_wait3A_35 = tpu.memref_slice %arg2[%add3A, %dma_wait3A_33, %dma_wait3A_34] : memref<32x79x128xi32, #tpu.memory_space<hbm>> -> memref<1x79x128xi32, #tpu.memory_space<hbm>>
      %dma_wait3A_36 = tpu.memref_squeeze %dma_wait3A_35 : memref<1x79x128xi32, #tpu.memory_space<hbm>> -> memref<79x128xi32, #tpu.memory_space<hbm>>
      tpu.wait_dma2 semaphore(%run_scoped3A : memref<!tpu.dma_semaphore, #tpu.memory_space<semaphore_mem>>) src(%dma_wait3A_36 : memref<79x128xi32, #tpu.memory_space<hbm>>) dst(%arg6 : memref<79x128xi32, #tpu.memory_space<vmem>>)
      tpu.yield
    }) : () -> ()
    "tpu.region"() ({
      %run_scoped3A = tpu.sem_alloc : memref<!tpu.dma_semaphore, #tpu.memory_space<semaphore_mem>>
      tpu.enqueue_dma source(%arg3 : memref<128x128xf32, #tpu.memory_space<hbm>>) target(%arg7 : memref<128x128xf32, #tpu.memory_space<vmem>>) target_semaphore(%run_scoped3A : memref<!tpu.dma_semaphore, #tpu.memory_space<semaphore_mem>>)
      tpu.wait_dma2 semaphore(%run_scoped3A : memref<!tpu.dma_semaphore, #tpu.memory_space<semaphore_mem>>) src(%arg3 : memref<128x128xf32, #tpu.memory_space<hbm>>) dst(%arg7 : memref<128x128xf32, #tpu.memory_space<vmem>>)
      tpu.yield
    }) : () -> ()
    %mul3A_1 = arith.constant 632 : i32
    %mul3A_2 = arith.muli %arg1, %mul3A_1 : i32
    "tpu.region"() ({
      %run_scoped3A = tpu.sem_alloc : memref<!tpu.dma_semaphore, #tpu.memory_space<semaphore_mem>>
      %dma_start3A_21 = arith.constant 0 : i32
      %dma_start3A_22 = tpu.memref_slice %arg8[%mul3A_2, %dma_start3A_21] : memref<10112x128xf32, #tpu.memory_space<vmem_shared>> -> memref<632x128xf32, #tpu.memory_space<vmem_shared>>
      %dma_start3A_23 = arith.constant 0 : i32
      %dma_start3A_24 = tpu.memref_slice %arg4[%mul3A_2, %dma_start3A_23] : memref<10112x128xf32, #tpu.memory_space<hbm>> -> memref<632x128xf32, #tpu.memory_space<hbm>>
      tpu.enqueue_dma source(%dma_start3A_24 : memref<632x128xf32, #tpu.memory_space<hbm>>) target(%dma_start3A_22 : memref<632x128xf32, #tpu.memory_space<vmem_shared>>) target_semaphore(%run_scoped3A : memref<!tpu.dma_semaphore, #tpu.memory_space<semaphore_mem>>)
      %dma_wait3A_25 = arith.constant 0 : i32
      %dma_wait3A_26 = tpu.memref_slice %arg8[%mul3A_2, %dma_wait3A_25] : memref<10112x128xf32, #tpu.memory_space<vmem_shared>> -> memref<632x128xf32, #tpu.memory_space<vmem_shared>>
      %dma_wait3A_27 = arith.constant 0 : i32
      %dma_wait3A_28 = tpu.memref_slice %arg4[%mul3A_2, %dma_wait3A_27] : memref<10112x128xf32, #tpu.memory_space<hbm>> -> memref<632x128xf32, #tpu.memory_space<hbm>>
      tpu.wait_dma2 semaphore(%run_scoped3A : memref<!tpu.dma_semaphore, #tpu.memory_space<semaphore_mem>>) src(%dma_wait3A_28 : memref<632x128xf32, #tpu.memory_space<hbm>>) dst(%dma_wait3A_26 : memref<632x128xf32, #tpu.memory_space<vmem_shared>>)
      tpu.yield
    }) : () -> ()
    %barrier3A = arith.constant 0 : index
    tpu.barrier barrier_id(%barrier3A)
    %scan3A = arith.constant 0 : i32
    %scan3A_3 = arith.constant 0 : i32
    %scan3A_4 = arith.constant 39 : i32
    %scan3A_5 = arith.addi %scan3A_3, %scan3A_4 : i32
    %scan3A_6 = arith.constant 1 : i32
    scf.for %scan3A_21 = %scan3A_3 to %scan3A_5 step %scan3A_6  : i32 {
      %mul3A_22 = arith.constant 2 : i32
      %mul3A_23 = arith.muli %mul3A_22, %scan3A_21 : i32
      %dma_start3A_24 = arith.constant 0 : i32
      %dma_start3A_25 = tpu.memref_slice %arg6[%mul3A_23, %dma_start3A_24] : memref<79x128xi32, #tpu.memory_space<vmem>> -> memref<1x128xi32, #tpu.memory_space<vmem>>
      %dma_start3A_26 = tpu.memref_squeeze %dma_start3A_25 : memref<1x128xi32, #tpu.memory_space<vmem>> -> memref<128xi32, #tpu.memory_space<vmem>>
      %dma_start3A_27 = arith.constant 0 : i32
      %dma_start3A_28 = arith.constant 0 : i32
      %dma_start3A_29 = tpu.memref_slice %arg8[%dma_start3A_27, %dma_start3A_28] : memref<10112x128xf32, #tpu.memory_space<vmem_shared>> -> memref<10112x128xf32, #tpu.memory_space<vmem_shared>>
      tpu.enqueue_indirect_dma source(%arg7 : memref<128x128xf32, #tpu.memory_space<vmem>>) target(%dma_start3A_29 : memref<10112x128xf32, #tpu.memory_space<vmem_shared>>) offsets(%dma_start3A_26 : memref<128xi32, #tpu.memory_space<vmem>>) semaphore(%arg9 : memref<!tpu.dma_semaphore, #tpu.memory_space<semaphore_mem>>) {add = true}
      %mul3A_30 = arith.constant 2 : i32
      %mul3A_31 = arith.muli %mul3A_30, %scan3A_21 : i32
      %add3A_32 = arith.constant 1 : i32
      %add3A_33 = arith.addi %mul3A_31, %add3A_32 : i32
      %dma_start3A_34 = arith.constant 0 : i32
      %dma_start3A_35 = tpu.memref_slice %arg6[%add3A_33, %dma_start3A_34] : memref<79x128xi32, #tpu.memory_space<vmem>> -> memref<1x128xi32, #tpu.memory_space<vmem>>
      %dma_start3A_36 = tpu.memref_squeeze %dma_start3A_35 : memref<1x128xi32, #tpu.memory_space<vmem>> -> memref<128xi32, #tpu.memory_space<vmem>>
      %dma_start3A_37 = arith.constant 0 : i32
      %dma_start3A_38 = arith.constant 0 : i32
      %dma_start3A_39 = tpu.memref_slice %arg8[%dma_start3A_37, %dma_start3A_38] : memref<10112x128xf32, #tpu.memory_space<vmem_shared>> -> memref<10112x128xf32, #tpu.memory_space<vmem_shared>>
      tpu.enqueue_indirect_dma source(%arg7 : memref<128x128xf32, #tpu.memory_space<vmem>>) target(%dma_start3A_39 : memref<10112x128xf32, #tpu.memory_space<vmem_shared>>) offsets(%dma_start3A_36 : memref<128xi32, #tpu.memory_space<vmem>>) semaphore(%arg10 : memref<!tpu.dma_semaphore, #tpu.memory_space<semaphore_mem>>) {add = true}
      %dma_wait3A_40 = arith.constant 0 : i32
      %dma_wait3A_41 = tpu.memref_slice %arg6[%mul3A_23, %dma_wait3A_40] : memref<79x128xi32, #tpu.memory_space<vmem>> -> memref<1x128xi32, #tpu.memory_space<vmem>>
      %dma_wait3A_42 = tpu.memref_squeeze %dma_wait3A_41 : memref<1x128xi32, #tpu.memory_space<vmem>> -> memref<128xi32, #tpu.memory_space<vmem>>
      %dma_wait3A_43 = arith.constant 0 : i32
      %dma_wait3A_44 = arith.constant 0 : i32
      %dma_wait3A_45 = tpu.memref_slice %arg8[%dma_wait3A_43, %dma_wait3A_44] : memref<10112x128xf32, #tpu.memory_space<vmem_shared>> -> memref<10112x128xf32, #tpu.memory_space<vmem_shared>>
      tpu.wait_indirect_dma semaphore(%arg9 : memref<!tpu.dma_semaphore, #tpu.memory_space<semaphore_mem>>) src(%arg7 : memref<128x128xf32, #tpu.memory_space<vmem>>) dst(%dma_wait3A_45 : memref<10112x128xf32, #tpu.memory_space<vmem_shared>>)
      %dma_wait3A_46 = arith.constant 0 : i32
      %dma_wait3A_47 = tpu.memref_slice %arg6[%add3A_33, %dma_wait3A_46] : memref<79x128xi32, #tpu.memory_space<vmem>> -> memref<1x128xi32, #tpu.memory_space<vmem>>
      %dma_wait3A_48 = tpu.memref_squeeze %dma_wait3A_47 : memref<1x128xi32, #tpu.memory_space<vmem>> -> memref<128xi32, #tpu.memory_space<vmem>>
      %dma_wait3A_49 = arith.constant 0 : i32
      %dma_wait3A_50 = arith.constant 0 : i32
      %dma_wait3A_51 = tpu.memref_slice %arg8[%dma_wait3A_49, %dma_wait3A_50] : memref<10112x128xf32, #tpu.memory_space<vmem_shared>> -> memref<10112x128xf32, #tpu.memory_space<vmem_shared>>
      tpu.wait_indirect_dma semaphore(%arg10 : memref<!tpu.dma_semaphore, #tpu.memory_space<semaphore_mem>>) src(%arg7 : memref<128x128xf32, #tpu.memory_space<vmem>>) dst(%dma_wait3A_51 : memref<10112x128xf32, #tpu.memory_space<vmem_shared>>)
    }
    %scan3A_7 = arith.constant 39 : i32
    %dma_start3A = arith.constant 78 : i32
    %dma_start3A_8 = arith.constant 0 : i32
    %dma_start3A_9 = tpu.memref_slice %arg6[%dma_start3A, %dma_start3A_8] : memref<79x128xi32, #tpu.memory_space<vmem>> -> memref<1x128xi32, #tpu.memory_space<vmem>>
    %dma_start3A_10 = tpu.memref_squeeze %dma_start3A_9 : memref<1x128xi32, #tpu.memory_space<vmem>> -> memref<128xi32, #tpu.memory_space<vmem>>
    %dma_start3A_11 = arith.constant 0 : i32
    %dma_start3A_12 = arith.constant 0 : i32
    %dma_start3A_13 = tpu.memref_slice %arg8[%dma_start3A_11, %dma_start3A_12] : memref<10112x128xf32, #tpu.memory_space<vmem_shared>> -> memref<10112x128xf32, #tpu.memory_space<vmem_shared>>
    tpu.enqueue_indirect_dma source(%arg7 : memref<128x128xf32, #tpu.memory_space<vmem>>) target(%dma_start3A_13 : memref<10112x128xf32, #tpu.memory_space<vmem_shared>>) offsets(%dma_start3A_10 : memref<128xi32, #tpu.memory_space<vmem>>) semaphore(%arg9 : memref<!tpu.dma_semaphore, #tpu.memory_space<semaphore_mem>>) {add = true}
    %dma_wait3A = arith.constant 78 : i32
    %dma_wait3A_14 = arith.constant 0 : i32
    %dma_wait3A_15 = tpu.memref_slice %arg6[%dma_wait3A, %dma_wait3A_14] : memref<79x128xi32, #tpu.memory_space<vmem>> -> memref<1x128xi32, #tpu.memory_space<vmem>>
    %dma_wait3A_16 = tpu.memref_squeeze %dma_wait3A_15 : memref<1x128xi32, #tpu.memory_space<vmem>> -> memref<128xi32, #tpu.memory_space<vmem>>
    %dma_wait3A_17 = arith.constant 0 : i32
    %dma_wait3A_18 = arith.constant 0 : i32
    %dma_wait3A_19 = tpu.memref_slice %arg8[%dma_wait3A_17, %dma_wait3A_18] : memref<10112x128xf32, #tpu.memory_space<vmem_shared>> -> memref<10112x128xf32, #tpu.memory_space<vmem_shared>>
    tpu.wait_indirect_dma semaphore(%arg9 : memref<!tpu.dma_semaphore, #tpu.memory_space<semaphore_mem>>) src(%arg7 : memref<128x128xf32, #tpu.memory_space<vmem>>) dst(%dma_wait3A_19 : memref<10112x128xf32, #tpu.memory_space<vmem_shared>>)
    %barrier3A_20 = arith.constant 0 : index
    tpu.barrier barrier_id(%barrier3A_20)
    "tpu.region"() ({
      %run_scoped3A = tpu.sem_alloc : memref<!tpu.dma_semaphore, #tpu.memory_space<semaphore_mem>>
      %dma_start3A_21 = arith.constant 0 : i32
      %dma_start3A_22 = arith.constant 0 : i32
      %dma_start3A_23 = tpu.memref_slice %arg5[%arg0, %dma_start3A_21, %dma_start3A_22] : memref<2x10112x128xf32, #tpu.memory_space<hbm>> -> memref<1x10112x128xf32, #tpu.memory_space<hbm>>
      %dma_start3A_24 = tpu.memref_squeeze %dma_start3A_23 : memref<1x10112x128xf32, #tpu.memory_space<hbm>> -> memref<10112x128xf32, #tpu.memory_space<hbm>>
      %dma_start3A_25 = arith.constant 0 : i32
      %dma_start3A_26 = tpu.memref_slice %dma_start3A_24[%mul3A_2, %dma_start3A_25] : memref<10112x128xf32, #tpu.memory_space<hbm>> -> memref<632x128xf32, #tpu.memory_space<hbm>>
      %dma_start3A_27 = arith.constant 0 : i32
      %dma_start3A_28 = tpu.memref_slice %arg8[%mul3A_2, %dma_start3A_27] : memref<10112x128xf32, #tpu.memory_space<vmem_shared>> -> memref<632x128xf32, #tpu.memory_space<vmem_shared>>
      tpu.enqueue_dma source(%dma_start3A_28 : memref<632x128xf32, #tpu.memory_space<vmem_shared>>) target(%dma_start3A_26 : memref<632x128xf32, #tpu.memory_space<hbm>>) target_semaphore(%run_scoped3A : memref<!tpu.dma_semaphore, #tpu.memory_space<semaphore_mem>>)
      %dma_wait3A_29 = arith.constant 0 : i32
      %dma_wait3A_30 = arith.constant 0 : i32
      %dma_wait3A_31 = tpu.memref_slice %arg5[%arg0, %dma_wait3A_29, %dma_wait3A_30] : memref<2x10112x128xf32, #tpu.memory_space<hbm>> -> memref<1x10112x128xf32, #tpu.memory_space<hbm>>
      %dma_wait3A_32 = tpu.memref_squeeze %dma_wait3A_31 : memref<1x10112x128xf32, #tpu.memory_space<hbm>> -> memref<10112x128xf32, #tpu.memory_space<hbm>>
      %dma_wait3A_33 = arith.constant 0 : i32
      %dma_wait3A_34 = tpu.memref_slice %dma_wait3A_32[%mul3A_2, %dma_wait3A_33] : memref<10112x128xf32, #tpu.memory_space<hbm>> -> memref<632x128xf32, #tpu.memory_space<hbm>>
      %dma_wait3A_35 = arith.constant 0 : i32
      %dma_wait3A_36 = tpu.memref_slice %arg8[%mul3A_2, %dma_wait3A_35] : memref<10112x128xf32, #tpu.memory_space<vmem_shared>> -> memref<632x128xf32, #tpu.memory_space<vmem_shared>>
      tpu.wait_dma2 semaphore(%run_scoped3A : memref<!tpu.dma_semaphore, #tpu.memory_space<semaphore_mem>>) src(%dma_wait3A_36 : memref<632x128xf32, #tpu.memory_space<vmem_shared>>) dst(%dma_wait3A_34 : memref<632x128xf32, #tpu.memory_space<hbm>>)
      tpu.yield
    }) : () -> ()
    return
  }
}

#map = affine_map<(d0, d1) -> (0, 0, 0, 0)>
#map1 = affine_map<(d0, d1) -> (0, 0)>
#map2 = affine_map<(d0, d1) -> (0, 0, 0)>
module attributes {stable_mosaic.version = 14 : i64} {
  func.func @_spmm_body(%arg0: i32, %arg1: i32, %arg2: memref<32x79x2x128xi32, #tpu.memory_space<hbm>>, %arg3: memref<10000x128xf32, #tpu.memory_space<hbm>>, %arg4: memref<10112x128xf32, #tpu.memory_space<hbm>>, %arg5: memref<2x10112x128xf32, #tpu.memory_space<hbm>>, %arg6: memref<40x2x128xi32, #tpu.memory_space<vmem>>, %arg7: memref<2x128x128xf32, #tpu.memory_space<vmem>>, %arg8: memref<10112x128xf32, #tpu.memory_space<vmem_shared>>, %arg9: memref<!tpu.dma_semaphore, #tpu.memory_space<semaphore_mem>>, %arg10: memref<!tpu.dma_semaphore, #tpu.memory_space<semaphore_mem>>) attributes {dimension_semantics = [#tpu.dimension_semantics<core_parallel>, #tpu.dimension_semantics<subcore_parallel>], iteration_bounds = array<i64: 2, 16>, scalar_prefetch = 0 : i64, scratch_operands = 5 : i64, tpu.core_type = #tpu.core_type<sc_vector_subcore>, window_params = [{transform_indices = #map}, {transform_indices = #map1}, {transform_indices = #map1}, {transform_indices = #map2}]} {
    %mul3A = arith.constant 2 : i32
    %mul3A_0 = arith.muli %arg1, %mul3A : i32
    %add3A = arith.addi %mul3A_0, %arg0 : i32
    %mul3A_1 = arith.constant 632 : i32
    %mul3A_2 = arith.muli %arg1, %mul3A_1 : i32
    "tpu.region"() ({
      %run_scoped3A_49 = tpu.sem_alloc : memref<!tpu.dma_semaphore, #tpu.memory_space<semaphore_mem>>
      %dma_start3A_50 = arith.constant 0 : i32
      %dma_start3A_51 = tpu.memref_slice %arg8[%mul3A_2, %dma_start3A_50] : memref<10112x128xf32, #tpu.memory_space<vmem_shared>> -> memref<632x128xf32, #tpu.memory_space<vmem_shared>>
      %dma_start3A_52 = arith.constant 0 : i32
      %dma_start3A_53 = tpu.memref_slice %arg4[%mul3A_2, %dma_start3A_52] : memref<10112x128xf32, #tpu.memory_space<hbm>> -> memref<632x128xf32, #tpu.memory_space<hbm>>
      tpu.enqueue_dma source(%dma_start3A_53 : memref<632x128xf32, #tpu.memory_space<hbm>>) target(%dma_start3A_51 : memref<632x128xf32, #tpu.memory_space<vmem_shared>>) target_semaphore(%run_scoped3A_49 : memref<!tpu.dma_semaphore, #tpu.memory_space<semaphore_mem>>)
      %dma_wait3A_54 = arith.constant 0 : i32
      %dma_wait3A_55 = tpu.memref_slice %arg8[%mul3A_2, %dma_wait3A_54] : memref<10112x128xf32, #tpu.memory_space<vmem_shared>> -> memref<632x128xf32, #tpu.memory_space<vmem_shared>>
      %dma_wait3A_56 = arith.constant 0 : i32
      %dma_wait3A_57 = tpu.memref_slice %arg4[%mul3A_2, %dma_wait3A_56] : memref<10112x128xf32, #tpu.memory_space<hbm>> -> memref<632x128xf32, #tpu.memory_space<hbm>>
      tpu.wait_dma2 semaphore(%run_scoped3A_49 : memref<!tpu.dma_semaphore, #tpu.memory_space<semaphore_mem>>) src(%dma_wait3A_57 : memref<632x128xf32, #tpu.memory_space<hbm>>) dst(%dma_wait3A_55 : memref<632x128xf32, #tpu.memory_space<vmem_shared>>)
      tpu.yield
    }) : () -> ()
    %barrier3A = arith.constant 0 : index
    tpu.barrier barrier_id(%barrier3A)
    "tpu.region"() ({
      %run_scoped3A_49 = tpu.sem_alloc : memref<!tpu.dma_semaphore, #tpu.memory_space<semaphore_mem>>
      %dma_start3A_50 = arith.constant 0 : i32
      %dma_start3A_51 = arith.constant 0 : i32
      %dma_start3A_52 = arith.constant 0 : i32
      %dma_start3A_53 = tpu.memref_slice %arg2[%add3A, %dma_start3A_50, %dma_start3A_51, %dma_start3A_52] : memref<32x79x2x128xi32, #tpu.memory_space<hbm>> -> memref<1x79x2x128xi32, #tpu.memory_space<hbm>>
      %dma_start3A_54 = tpu.memref_squeeze %dma_start3A_53 : memref<1x79x2x128xi32, #tpu.memory_space<hbm>> -> memref<79x2x128xi32, #tpu.memory_space<hbm>>
      %dma_start3A_55 = arith.constant 0 : i32
      %dma_start3A_56 = arith.constant 0 : i32
      %dma_start3A_57 = arith.constant 0 : i32
      %dma_start3A_58 = tpu.memref_slice %dma_start3A_54[%dma_start3A_55, %dma_start3A_56, %dma_start3A_57] : memref<79x2x128xi32, #tpu.memory_space<hbm>> -> memref<40x2x128xi32, #tpu.memory_space<hbm>>
      %dma_start3A_59 = arith.constant 0 : i32
      %dma_start3A_60 = arith.constant 0 : i32
      %dma_start3A_61 = arith.constant 0 : i32
      %dma_start3A_62 = tpu.memref_slice %arg2[%add3A, %dma_start3A_59, %dma_start3A_60, %dma_start3A_61] : memref<32x79x2x128xi32, #tpu.memory_space<hbm>> -> memref<1x79x2x128xi32, #tpu.memory_space<hbm>>
      %dma_start3A_63 = tpu.memref_squeeze %dma_start3A_62 : memref<1x79x2x128xi32, #tpu.memory_space<hbm>> -> memref<79x2x128xi32, #tpu.memory_space<hbm>>
      %dma_start3A_64 = arith.constant 0 : i32
      %dma_start3A_65 = arith.constant 0 : i32
      %dma_start3A_66 = arith.constant 0 : i32
      %dma_start3A_67 = tpu.memref_slice %dma_start3A_63[%dma_start3A_64, %dma_start3A_65, %dma_start3A_66] : memref<79x2x128xi32, #tpu.memory_space<hbm>> -> memref<40x2x128xi32, #tpu.memory_space<hbm>>
      tpu.enqueue_dma source(%dma_start3A_67 : memref<40x2x128xi32, #tpu.memory_space<hbm>>) target(%arg6 : memref<40x2x128xi32, #tpu.memory_space<vmem>>) target_semaphore(%run_scoped3A_49 : memref<!tpu.dma_semaphore, #tpu.memory_space<semaphore_mem>>)
      %dma_wait3A_68 = arith.constant 0 : i32
      %dma_wait3A_69 = arith.constant 0 : i32
      %dma_wait3A_70 = arith.constant 0 : i32
      %dma_wait3A_71 = tpu.memref_slice %arg2[%add3A, %dma_wait3A_68, %dma_wait3A_69, %dma_wait3A_70] : memref<32x79x2x128xi32, #tpu.memory_space<hbm>> -> memref<1x79x2x128xi32, #tpu.memory_space<hbm>>
      %dma_wait3A_72 = tpu.memref_squeeze %dma_wait3A_71 : memref<1x79x2x128xi32, #tpu.memory_space<hbm>> -> memref<79x2x128xi32, #tpu.memory_space<hbm>>
      %dma_wait3A_73 = arith.constant 0 : i32
      %dma_wait3A_74 = arith.constant 0 : i32
      %dma_wait3A_75 = arith.constant 0 : i32
      %dma_wait3A_76 = tpu.memref_slice %dma_wait3A_72[%dma_wait3A_73, %dma_wait3A_74, %dma_wait3A_75] : memref<79x2x128xi32, #tpu.memory_space<hbm>> -> memref<40x2x128xi32, #tpu.memory_space<hbm>>
      %dma_wait3A_77 = arith.constant 0 : i32
      %dma_wait3A_78 = arith.constant 0 : i32
      %dma_wait3A_79 = arith.constant 0 : i32
      %dma_wait3A_80 = tpu.memref_slice %arg2[%add3A, %dma_wait3A_77, %dma_wait3A_78, %dma_wait3A_79] : memref<32x79x2x128xi32, #tpu.memory_space<hbm>> -> memref<1x79x2x128xi32, #tpu.memory_space<hbm>>
      %dma_wait3A_81 = tpu.memref_squeeze %dma_wait3A_80 : memref<1x79x2x128xi32, #tpu.memory_space<hbm>> -> memref<79x2x128xi32, #tpu.memory_space<hbm>>
      %dma_wait3A_82 = arith.constant 0 : i32
      %dma_wait3A_83 = arith.constant 0 : i32
      %dma_wait3A_84 = arith.constant 0 : i32
      %dma_wait3A_85 = tpu.memref_slice %dma_wait3A_81[%dma_wait3A_82, %dma_wait3A_83, %dma_wait3A_84] : memref<79x2x128xi32, #tpu.memory_space<hbm>> -> memref<40x2x128xi32, #tpu.memory_space<hbm>>
      tpu.wait_dma2 semaphore(%run_scoped3A_49 : memref<!tpu.dma_semaphore, #tpu.memory_space<semaphore_mem>>) src(%dma_wait3A_85 : memref<40x2x128xi32, #tpu.memory_space<hbm>>) dst(%arg6 : memref<40x2x128xi32, #tpu.memory_space<vmem>>)
      tpu.yield
    }) : () -> ()
    %scan3A = arith.constant 0 : i32
    %scan3A_3 = arith.constant 0 : i32
    %scan3A_4 = arith.constant 20 : i32
    %scan3A_5 = arith.addi %scan3A_3, %scan3A_4 : i32
    %scan3A_6 = arith.constant 1 : i32
    scf.for %scan3A_49 = %scan3A_3 to %scan3A_5 step %scan3A_6  : i32 {
      %mul3A_50 = arith.constant 2 : i32
      %mul3A_51 = arith.muli %mul3A_50, %scan3A_49 : i32
      %dma_start3A_52 = arith.constant 0 : i32
      %dma_start3A_53 = arith.constant 0 : i32
      %dma_start3A_54 = arith.constant 0 : i32
      %dma_start3A_55 = arith.constant 0 : i32
      %dma_start3A_56 = tpu.memref_slice %arg7[%dma_start3A_53, %dma_start3A_54, %dma_start3A_55] : memref<2x128x128xf32, #tpu.memory_space<vmem>> -> memref<1x128x128xf32, #tpu.memory_space<vmem>>
      %dma_start3A_57 = tpu.memref_squeeze %dma_start3A_56 : memref<1x128x128xf32, #tpu.memory_space<vmem>> -> memref<128x128xf32, #tpu.memory_space<vmem>>
      %dma_start3A_58 = arith.constant 0 : i32
      %dma_start3A_59 = arith.constant 0 : i32
      %dma_start3A_60 = tpu.memref_slice %arg6[%mul3A_51, %dma_start3A_58, %dma_start3A_59] : memref<40x2x128xi32, #tpu.memory_space<vmem>> -> memref<1x2x128xi32, #tpu.memory_space<vmem>>
      %dma_start3A_61 = tpu.memref_squeeze %dma_start3A_60 : memref<1x2x128xi32, #tpu.memory_space<vmem>> -> memref<2x128xi32, #tpu.memory_space<vmem>>
      %dma_start3A_62 = arith.constant 0 : i32
      %dma_start3A_63 = tpu.memref_slice %dma_start3A_61[%dma_start3A_52, %dma_start3A_62] : memref<2x128xi32, #tpu.memory_space<vmem>> -> memref<1x128xi32, #tpu.memory_space<vmem>>
      %dma_start3A_64 = tpu.memref_squeeze %dma_start3A_63 : memref<1x128xi32, #tpu.memory_space<vmem>> -> memref<128xi32, #tpu.memory_space<vmem>>
      %dma_start3A_65 = arith.constant 0 : i32
      %dma_start3A_66 = arith.constant 0 : i32
      %dma_start3A_67 = tpu.memref_slice %arg3[%dma_start3A_65, %dma_start3A_66] : memref<10000x128xf32, #tpu.memory_space<hbm>> -> memref<10000x128xf32, #tpu.memory_space<hbm>>
      tpu.enqueue_indirect_dma source(%dma_start3A_67 : memref<10000x128xf32, #tpu.memory_space<hbm>>) target(%dma_start3A_57 : memref<128x128xf32, #tpu.memory_space<vmem>>) offsets(%dma_start3A_64 : memref<128xi32, #tpu.memory_space<vmem>>) semaphore(%arg9 : memref<!tpu.dma_semaphore, #tpu.memory_space<semaphore_mem>>)
      %add3A_68 = arith.constant 1 : i32
      %add3A_69 = arith.addi %mul3A_51, %add3A_68 : i32
      %dma_start3A_70 = arith.constant 0 : i32
      %dma_start3A_71 = arith.constant 1 : i32
      %dma_start3A_72 = arith.constant 0 : i32
      %dma_start3A_73 = arith.constant 0 : i32
      %dma_start3A_74 = tpu.memref_slice %arg7[%dma_start3A_71, %dma_start3A_72, %dma_start3A_73] : memref<2x128x128xf32, #tpu.memory_space<vmem>> -> memref<1x128x128xf32, #tpu.memory_space<vmem>>
      %dma_start3A_75 = tpu.memref_squeeze %dma_start3A_74 : memref<1x128x128xf32, #tpu.memory_space<vmem>> -> memref<128x128xf32, #tpu.memory_space<vmem>>
      %dma_start3A_76 = arith.constant 0 : i32
      %dma_start3A_77 = arith.constant 0 : i32
      %dma_start3A_78 = tpu.memref_slice %arg6[%add3A_69, %dma_start3A_76, %dma_start3A_77] : memref<40x2x128xi32, #tpu.memory_space<vmem>> -> memref<1x2x128xi32, #tpu.memory_space<vmem>>
      %dma_start3A_79 = tpu.memref_squeeze %dma_start3A_78 : memref<1x2x128xi32, #tpu.memory_space<vmem>> -> memref<2x128xi32, #tpu.memory_space<vmem>>
      %dma_start3A_80 = arith.constant 0 : i32
      %dma_start3A_81 = tpu.memref_slice %dma_start3A_79[%dma_start3A_70, %dma_start3A_80] : memref<2x128xi32, #tpu.memory_space<vmem>> -> memref<1x128xi32, #tpu.memory_space<vmem>>
      %dma_start3A_82 = tpu.memref_squeeze %dma_start3A_81 : memref<1x128xi32, #tpu.memory_space<vmem>> -> memref<128xi32, #tpu.memory_space<vmem>>
      %dma_start3A_83 = arith.constant 0 : i32
      %dma_start3A_84 = arith.constant 0 : i32
      %dma_start3A_85 = tpu.memref_slice %arg3[%dma_start3A_83, %dma_start3A_84] : memref<10000x128xf32, #tpu.memory_space<hbm>> -> memref<10000x128xf32, #tpu.memory_space<hbm>>
      tpu.enqueue_indirect_dma source(%dma_start3A_85 : memref<10000x128xf32, #tpu.memory_space<hbm>>) target(%dma_start3A_75 : memref<128x128xf32, #tpu.memory_space<vmem>>) offsets(%dma_start3A_82 : memref<128xi32, #tpu.memory_space<vmem>>) semaphore(%arg10 : memref<!tpu.dma_semaphore, #tpu.memory_space<semaphore_mem>>)
      %dma_wait3A_86 = arith.constant 0 : i32
      %dma_wait3A_87 = arith.constant 0 : i32
      %dma_wait3A_88 = arith.constant 0 : i32
      %dma_wait3A_89 = arith.constant 0 : i32
      %dma_wait3A_90 = tpu.memref_slice %arg7[%dma_wait3A_87, %dma_wait3A_88, %dma_wait3A_89] : memref<2x128x128xf32, #tpu.memory_space<vmem>> -> memref<1x128x128xf32, #tpu.memory_space<vmem>>
      %dma_wait3A_91 = tpu.memref_squeeze %dma_wait3A_90 : memref<1x128x128xf32, #tpu.memory_space<vmem>> -> memref<128x128xf32, #tpu.memory_space<vmem>>
      %dma_wait3A_92 = arith.constant 0 : i32
      %dma_wait3A_93 = arith.constant 0 : i32
      %dma_wait3A_94 = tpu.memref_slice %arg6[%mul3A_51, %dma_wait3A_92, %dma_wait3A_93] : memref<40x2x128xi32, #tpu.memory_space<vmem>> -> memref<1x2x128xi32, #tpu.memory_space<vmem>>
      %dma_wait3A_95 = tpu.memref_squeeze %dma_wait3A_94 : memref<1x2x128xi32, #tpu.memory_space<vmem>> -> memref<2x128xi32, #tpu.memory_space<vmem>>
      %dma_wait3A_96 = arith.constant 0 : i32
      %dma_wait3A_97 = tpu.memref_slice %dma_wait3A_95[%dma_wait3A_86, %dma_wait3A_96] : memref<2x128xi32, #tpu.memory_space<vmem>> -> memref<1x128xi32, #tpu.memory_space<vmem>>
      %dma_wait3A_98 = tpu.memref_squeeze %dma_wait3A_97 : memref<1x128xi32, #tpu.memory_space<vmem>> -> memref<128xi32, #tpu.memory_space<vmem>>
      %dma_wait3A_99 = arith.constant 0 : i32
      %dma_wait3A_100 = arith.constant 0 : i32
      %dma_wait3A_101 = tpu.memref_slice %arg3[%dma_wait3A_99, %dma_wait3A_100] : memref<10000x128xf32, #tpu.memory_space<hbm>> -> memref<10000x128xf32, #tpu.memory_space<hbm>>
      tpu.wait_indirect_dma semaphore(%arg9 : memref<!tpu.dma_semaphore, #tpu.memory_space<semaphore_mem>>) src(%dma_wait3A_101 : memref<10000x128xf32, #tpu.memory_space<hbm>>) dst(%dma_wait3A_91 : memref<128x128xf32, #tpu.memory_space<vmem>>)
      %run_scoped3A_102 = arith.constant 0 : i32
      %run_scoped3A_103 = arith.constant 1 : i32
      "tpu.region"() ({
        %run_scoped3A_124 = tpu.sem_alloc : memref<!tpu.dma_semaphore, #tpu.memory_space<semaphore_mem>>
        %dma_start3A_125 = arith.constant 0 : i32
        %dma_start3A_126 = arith.constant 0 : i32
        %dma_start3A_127 = tpu.memref_slice %arg7[%run_scoped3A_102, %dma_start3A_125, %dma_start3A_126] : memref<2x128x128xf32, #tpu.memory_space<vmem>> -> memref<1x128x128xf32, #tpu.memory_space<vmem>>
        %dma_start3A_128 = tpu.memref_squeeze %dma_start3A_127 : memref<1x128x128xf32, #tpu.memory_space<vmem>> -> memref<128x128xf32, #tpu.memory_space<vmem>>
        %dma_start3A_129 = arith.constant 0 : i32
        %dma_start3A_130 = arith.constant 0 : i32
        %dma_start3A_131 = tpu.memref_slice %arg6[%mul3A_51, %dma_start3A_129, %dma_start3A_130] : memref<40x2x128xi32, #tpu.memory_space<vmem>> -> memref<1x2x128xi32, #tpu.memory_space<vmem>>
        %dma_start3A_132 = tpu.memref_squeeze %dma_start3A_131 : memref<1x2x128xi32, #tpu.memory_space<vmem>> -> memref<2x128xi32, #tpu.memory_space<vmem>>
        %dma_start3A_133 = arith.constant 0 : i32
        %dma_start3A_134 = tpu.memref_slice %dma_start3A_132[%run_scoped3A_103, %dma_start3A_133] : memref<2x128xi32, #tpu.memory_space<vmem>> -> memref<1x128xi32, #tpu.memory_space<vmem>>
        %dma_start3A_135 = tpu.memref_squeeze %dma_start3A_134 : memref<1x128xi32, #tpu.memory_space<vmem>> -> memref<128xi32, #tpu.memory_space<vmem>>
        %dma_start3A_136 = arith.constant 0 : i32
        %dma_start3A_137 = arith.constant 0 : i32
        %dma_start3A_138 = tpu.memref_slice %arg8[%dma_start3A_136, %dma_start3A_137] : memref<10112x128xf32, #tpu.memory_space<vmem_shared>> -> memref<10112x128xf32, #tpu.memory_space<vmem_shared>>
        tpu.enqueue_indirect_dma source(%dma_start3A_128 : memref<128x128xf32, #tpu.memory_space<vmem>>) target(%dma_start3A_138 : memref<10112x128xf32, #tpu.memory_space<vmem_shared>>) offsets(%dma_start3A_135 : memref<128xi32, #tpu.memory_space<vmem>>) semaphore(%run_scoped3A_124 : memref<!tpu.dma_semaphore, #tpu.memory_space<semaphore_mem>>) {add = true}
        %dma_wait3A_139 = arith.constant 0 : i32
        %dma_wait3A_140 = arith.constant 0 : i32
        %dma_wait3A_141 = tpu.memref_slice %arg7[%run_scoped3A_102, %dma_wait3A_139, %dma_wait3A_140] : memref<2x128x128xf32, #tpu.memory_space<vmem>> -> memref<1x128x128xf32, #tpu.memory_space<vmem>>
        %dma_wait3A_142 = tpu.memref_squeeze %dma_wait3A_141 : memref<1x128x128xf32, #tpu.memory_space<vmem>> -> memref<128x128xf32, #tpu.memory_space<vmem>>
        %dma_wait3A_143 = arith.constant 0 : i32
        %dma_wait3A_144 = arith.constant 0 : i32
        %dma_wait3A_145 = tpu.memref_slice %arg6[%mul3A_51, %dma_wait3A_143, %dma_wait3A_144] : memref<40x2x128xi32, #tpu.memory_space<vmem>> -> memref<1x2x128xi32, #tpu.memory_space<vmem>>
        %dma_wait3A_146 = tpu.memref_squeeze %dma_wait3A_145 : memref<1x2x128xi32, #tpu.memory_space<vmem>> -> memref<2x128xi32, #tpu.memory_space<vmem>>
        %dma_wait3A_147 = arith.constant 0 : i32
        %dma_wait3A_148 = tpu.memref_slice %dma_wait3A_146[%run_scoped3A_103, %dma_wait3A_147] : memref<2x128xi32, #tpu.memory_space<vmem>> -> memref<1x128xi32, #tpu.memory_space<vmem>>
        %dma_wait3A_149 = tpu.memref_squeeze %dma_wait3A_148 : memref<1x128xi32, #tpu.memory_space<vmem>> -> memref<128xi32, #tpu.memory_space<vmem>>
        %dma_wait3A_150 = arith.constant 0 : i32
        %dma_wait3A_151 = arith.constant 0 : i32
        %dma_wait3A_152 = tpu.memref_slice %arg8[%dma_wait3A_150, %dma_wait3A_151] : memref<10112x128xf32, #tpu.memory_space<vmem_shared>> -> memref<10112x128xf32, #tpu.memory_space<vmem_shared>>
        tpu.wait_indirect_dma semaphore(%run_scoped3A_124 : memref<!tpu.dma_semaphore, #tpu.memory_space<semaphore_mem>>) src(%dma_wait3A_142 : memref<128x128xf32, #tpu.memory_space<vmem>>) dst(%dma_wait3A_152 : memref<10112x128xf32, #tpu.memory_space<vmem_shared>>)
        tpu.yield
      }) : () -> ()
      %dma_wait3A_104 = arith.constant 0 : i32
      %dma_wait3A_105 = arith.constant 1 : i32
      %dma_wait3A_106 = arith.constant 0 : i32
      %dma_wait3A_107 = arith.constant 0 : i32
      %dma_wait3A_108 = tpu.memref_slice %arg7[%dma_wait3A_105, %dma_wait3A_106, %dma_wait3A_107] : memref<2x128x128xf32, #tpu.memory_space<vmem>> -> memref<1x128x128xf32, #tpu.memory_space<vmem>>
      %dma_wait3A_109 = tpu.memref_squeeze %dma_wait3A_108 : memref<1x128x128xf32, #tpu.memory_space<vmem>> -> memref<128x128xf32, #tpu.memory_space<vmem>>
      %dma_wait3A_110 = arith.constant 0 : i32
      %dma_wait3A_111 = arith.constant 0 : i32
      %dma_wait3A_112 = tpu.memref_slice %arg6[%add3A_69, %dma_wait3A_110, %dma_wait3A_111] : memref<40x2x128xi32, #tpu.memory_space<vmem>> -> memref<1x2x128xi32, #tpu.memory_space<vmem>>
      %dma_wait3A_113 = tpu.memref_squeeze %dma_wait3A_112 : memref<1x2x128xi32, #tpu.memory_space<vmem>> -> memref<2x128xi32, #tpu.memory_space<vmem>>
      %dma_wait3A_114 = arith.constant 0 : i32
      %dma_wait3A_115 = tpu.memref_slice %dma_wait3A_113[%dma_wait3A_104, %dma_wait3A_114] : memref<2x128xi32, #tpu.memory_space<vmem>> -> memref<1x128xi32, #tpu.memory_space<vmem>>
      %dma_wait3A_116 = tpu.memref_squeeze %dma_wait3A_115 : memref<1x128xi32, #tpu.memory_space<vmem>> -> memref<128xi32, #tpu.memory_space<vmem>>
      %dma_wait3A_117 = arith.constant 0 : i32
      %dma_wait3A_118 = arith.constant 0 : i32
      %dma_wait3A_119 = tpu.memref_slice %arg3[%dma_wait3A_117, %dma_wait3A_118] : memref<10000x128xf32, #tpu.memory_space<hbm>> -> memref<10000x128xf32, #tpu.memory_space<hbm>>
      tpu.wait_indirect_dma semaphore(%arg10 : memref<!tpu.dma_semaphore, #tpu.memory_space<semaphore_mem>>) src(%dma_wait3A_119 : memref<10000x128xf32, #tpu.memory_space<hbm>>) dst(%dma_wait3A_109 : memref<128x128xf32, #tpu.memory_space<vmem>>)
      %add3A_120 = arith.constant 1 : i32
      %add3A_121 = arith.addi %mul3A_51, %add3A_120 : i32
      %run_scoped3A_122 = arith.constant 1 : i32
      %run_scoped3A_123 = arith.constant 1 : i32
      "tpu.region"() ({
        %run_scoped3A_124 = tpu.sem_alloc : memref<!tpu.dma_semaphore, #tpu.memory_space<semaphore_mem>>
        %dma_start3A_125 = arith.constant 0 : i32
        %dma_start3A_126 = arith.constant 0 : i32
        %dma_start3A_127 = tpu.memref_slice %arg7[%run_scoped3A_122, %dma_start3A_125, %dma_start3A_126] : memref<2x128x128xf32, #tpu.memory_space<vmem>> -> memref<1x128x128xf32, #tpu.memory_space<vmem>>
        %dma_start3A_128 = tpu.memref_squeeze %dma_start3A_127 : memref<1x128x128xf32, #tpu.memory_space<vmem>> -> memref<128x128xf32, #tpu.memory_space<vmem>>
        %dma_start3A_129 = arith.constant 0 : i32
        %dma_start3A_130 = arith.constant 0 : i32
        %dma_start3A_131 = tpu.memref_slice %arg6[%add3A_121, %dma_start3A_129, %dma_start3A_130] : memref<40x2x128xi32, #tpu.memory_space<vmem>> -> memref<1x2x128xi32, #tpu.memory_space<vmem>>
        %dma_start3A_132 = tpu.memref_squeeze %dma_start3A_131 : memref<1x2x128xi32, #tpu.memory_space<vmem>> -> memref<2x128xi32, #tpu.memory_space<vmem>>
        %dma_start3A_133 = arith.constant 0 : i32
        %dma_start3A_134 = tpu.memref_slice %dma_start3A_132[%run_scoped3A_123, %dma_start3A_133] : memref<2x128xi32, #tpu.memory_space<vmem>> -> memref<1x128xi32, #tpu.memory_space<vmem>>
        %dma_start3A_135 = tpu.memref_squeeze %dma_start3A_134 : memref<1x128xi32, #tpu.memory_space<vmem>> -> memref<128xi32, #tpu.memory_space<vmem>>
        %dma_start3A_136 = arith.constant 0 : i32
        %dma_start3A_137 = arith.constant 0 : i32
        %dma_start3A_138 = tpu.memref_slice %arg8[%dma_start3A_136, %dma_start3A_137] : memref<10112x128xf32, #tpu.memory_space<vmem_shared>> -> memref<10112x128xf32, #tpu.memory_space<vmem_shared>>
        tpu.enqueue_indirect_dma source(%dma_start3A_128 : memref<128x128xf32, #tpu.memory_space<vmem>>) target(%dma_start3A_138 : memref<10112x128xf32, #tpu.memory_space<vmem_shared>>) offsets(%dma_start3A_135 : memref<128xi32, #tpu.memory_space<vmem>>) semaphore(%run_scoped3A_124 : memref<!tpu.dma_semaphore, #tpu.memory_space<semaphore_mem>>) {add = true}
        %dma_wait3A_139 = arith.constant 0 : i32
        %dma_wait3A_140 = arith.constant 0 : i32
        %dma_wait3A_141 = tpu.memref_slice %arg7[%run_scoped3A_122, %dma_wait3A_139, %dma_wait3A_140] : memref<2x128x128xf32, #tpu.memory_space<vmem>> -> memref<1x128x128xf32, #tpu.memory_space<vmem>>
        %dma_wait3A_142 = tpu.memref_squeeze %dma_wait3A_141 : memref<1x128x128xf32, #tpu.memory_space<vmem>> -> memref<128x128xf32, #tpu.memory_space<vmem>>
        %dma_wait3A_143 = arith.constant 0 : i32
        %dma_wait3A_144 = arith.constant 0 : i32
        %dma_wait3A_145 = tpu.memref_slice %arg6[%add3A_121, %dma_wait3A_143, %dma_wait3A_144] : memref<40x2x128xi32, #tpu.memory_space<vmem>> -> memref<1x2x128xi32, #tpu.memory_space<vmem>>
        %dma_wait3A_146 = tpu.memref_squeeze %dma_wait3A_145 : memref<1x2x128xi32, #tpu.memory_space<vmem>> -> memref<2x128xi32, #tpu.memory_space<vmem>>
        %dma_wait3A_147 = arith.constant 0 : i32
        %dma_wait3A_148 = tpu.memref_slice %dma_wait3A_146[%run_scoped3A_123, %dma_wait3A_147] : memref<2x128xi32, #tpu.memory_space<vmem>> -> memref<1x128xi32, #tpu.memory_space<vmem>>
        %dma_wait3A_149 = tpu.memref_squeeze %dma_wait3A_148 : memref<1x128xi32, #tpu.memory_space<vmem>> -> memref<128xi32, #tpu.memory_space<vmem>>
        %dma_wait3A_150 = arith.constant 0 : i32
        %dma_wait3A_151 = arith.constant 0 : i32
        %dma_wait3A_152 = tpu.memref_slice %arg8[%dma_wait3A_150, %dma_wait3A_151] : memref<10112x128xf32, #tpu.memory_space<vmem_shared>> -> memref<10112x128xf32, #tpu.memory_space<vmem_shared>>
        tpu.wait_indirect_dma semaphore(%run_scoped3A_124 : memref<!tpu.dma_semaphore, #tpu.memory_space<semaphore_mem>>) src(%dma_wait3A_142 : memref<128x128xf32, #tpu.memory_space<vmem>>) dst(%dma_wait3A_152 : memref<10112x128xf32, #tpu.memory_space<vmem_shared>>)
        tpu.yield
      }) : () -> ()
    }
    %scan3A_7 = arith.constant 20 : i32
    "tpu.region"() ({
      %run_scoped3A_49 = tpu.sem_alloc : memref<!tpu.dma_semaphore, #tpu.memory_space<semaphore_mem>>
      %dma_start3A_50 = arith.constant 0 : i32
      %dma_start3A_51 = arith.constant 0 : i32
      %dma_start3A_52 = arith.constant 0 : i32
      %dma_start3A_53 = tpu.memref_slice %arg6[%dma_start3A_50, %dma_start3A_51, %dma_start3A_52] : memref<40x2x128xi32, #tpu.memory_space<vmem>> -> memref<39x2x128xi32, #tpu.memory_space<vmem>>
      %dma_start3A_54 = arith.constant 0 : i32
      %dma_start3A_55 = arith.constant 0 : i32
      %dma_start3A_56 = arith.constant 0 : i32
      %dma_start3A_57 = tpu.memref_slice %arg2[%add3A, %dma_start3A_54, %dma_start3A_55, %dma_start3A_56] : memref<32x79x2x128xi32, #tpu.memory_space<hbm>> -> memref<1x79x2x128xi32, #tpu.memory_space<hbm>>
      %dma_start3A_58 = tpu.memref_squeeze %dma_start3A_57 : memref<1x79x2x128xi32, #tpu.memory_space<hbm>> -> memref<79x2x128xi32, #tpu.memory_space<hbm>>
      %dma_start3A_59 = arith.constant 40 : i32
      %dma_start3A_60 = arith.constant 0 : i32
      %dma_start3A_61 = arith.constant 0 : i32
      %dma_start3A_62 = tpu.memref_slice %dma_start3A_58[%dma_start3A_59, %dma_start3A_60, %dma_start3A_61] : memref<79x2x128xi32, #tpu.memory_space<hbm>> -> memref<39x2x128xi32, #tpu.memory_space<hbm>>
      %dma_start3A_63 = arith.constant 0 : i32
      %dma_start3A_64 = arith.constant 0 : i32
      %dma_start3A_65 = arith.constant 0 : i32
      %dma_start3A_66 = tpu.memref_slice %arg6[%dma_start3A_63, %dma_start3A_64, %dma_start3A_65] : memref<40x2x128xi32, #tpu.memory_space<vmem>> -> memref<39x2x128xi32, #tpu.memory_space<vmem>>
      %dma_start3A_67 = arith.constant 0 : i32
      %dma_start3A_68 = arith.constant 0 : i32
      %dma_start3A_69 = arith.constant 0 : i32
      %dma_start3A_70 = tpu.memref_slice %arg2[%add3A, %dma_start3A_67, %dma_start3A_68, %dma_start3A_69] : memref<32x79x2x128xi32, #tpu.memory_space<hbm>> -> memref<1x79x2x128xi32, #tpu.memory_space<hbm>>
      %dma_start3A_71 = tpu.memref_squeeze %dma_start3A_70 : memref<1x79x2x128xi32, #tpu.memory_space<hbm>> -> memref<79x2x128xi32, #tpu.memory_space<hbm>>
      %dma_start3A_72 = arith.constant 40 : i32
      %dma_start3A_73 = arith.constant 0 : i32
      %dma_start3A_74 = arith.constant 0 : i32
      %dma_start3A_75 = tpu.memref_slice %dma_start3A_71[%dma_start3A_72, %dma_start3A_73, %dma_start3A_74] : memref<79x2x128xi32, #tpu.memory_space<hbm>> -> memref<39x2x128xi32, #tpu.memory_space<hbm>>
      tpu.enqueue_dma source(%dma_start3A_75 : memref<39x2x128xi32, #tpu.memory_space<hbm>>) target(%dma_start3A_66 : memref<39x2x128xi32, #tpu.memory_space<vmem>>) target_semaphore(%run_scoped3A_49 : memref<!tpu.dma_semaphore, #tpu.memory_space<semaphore_mem>>)
      %dma_wait3A_76 = arith.constant 0 : i32
      %dma_wait3A_77 = arith.constant 0 : i32
      %dma_wait3A_78 = arith.constant 0 : i32
      %dma_wait3A_79 = tpu.memref_slice %arg6[%dma_wait3A_76, %dma_wait3A_77, %dma_wait3A_78] : memref<40x2x128xi32, #tpu.memory_space<vmem>> -> memref<39x2x128xi32, #tpu.memory_space<vmem>>
      %dma_wait3A_80 = arith.constant 0 : i32
      %dma_wait3A_81 = arith.constant 0 : i32
      %dma_wait3A_82 = arith.constant 0 : i32
      %dma_wait3A_83 = tpu.memref_slice %arg2[%add3A, %dma_wait3A_80, %dma_wait3A_81, %dma_wait3A_82] : memref<32x79x2x128xi32, #tpu.memory_space<hbm>> -> memref<1x79x2x128xi32, #tpu.memory_space<hbm>>
      %dma_wait3A_84 = tpu.memref_squeeze %dma_wait3A_83 : memref<1x79x2x128xi32, #tpu.memory_space<hbm>> -> memref<79x2x128xi32, #tpu.memory_space<hbm>>
      %dma_wait3A_85 = arith.constant 40 : i32
      %dma_wait3A_86 = arith.constant 0 : i32
      %dma_wait3A_87 = arith.constant 0 : i32
      %dma_wait3A_88 = tpu.memref_slice %dma_wait3A_84[%dma_wait3A_85, %dma_wait3A_86, %dma_wait3A_87] : memref<79x2x128xi32, #tpu.memory_space<hbm>> -> memref<39x2x128xi32, #tpu.memory_space<hbm>>
      %dma_wait3A_89 = arith.constant 0 : i32
      %dma_wait3A_90 = arith.constant 0 : i32
      %dma_wait3A_91 = arith.constant 0 : i32
      %dma_wait3A_92 = tpu.memref_slice %arg6[%dma_wait3A_89, %dma_wait3A_90, %dma_wait3A_91] : memref<40x2x128xi32, #tpu.memory_space<vmem>> -> memref<39x2x128xi32, #tpu.memory_space<vmem>>
      %dma_wait3A_93 = arith.constant 0 : i32
      %dma_wait3A_94 = arith.constant 0 : i32
      %dma_wait3A_95 = arith.constant 0 : i32
      %dma_wait3A_96 = tpu.memref_slice %arg2[%add3A, %dma_wait3A_93, %dma_wait3A_94, %dma_wait3A_95] : memref<32x79x2x128xi32, #tpu.memory_space<hbm>> -> memref<1x79x2x128xi32, #tpu.memory_space<hbm>>
      %dma_wait3A_97 = tpu.memref_squeeze %dma_wait3A_96 : memref<1x79x2x128xi32, #tpu.memory_space<hbm>> -> memref<79x2x128xi32, #tpu.memory_space<hbm>>
      %dma_wait3A_98 = arith.constant 40 : i32
      %dma_wait3A_99 = arith.constant 0 : i32
      %dma_wait3A_100 = arith.constant 0 : i32
      %dma_wait3A_101 = tpu.memref_slice %dma_wait3A_97[%dma_wait3A_98, %dma_wait3A_99, %dma_wait3A_100] : memref<79x2x128xi32, #tpu.memory_space<hbm>> -> memref<39x2x128xi32, #tpu.memory_space<hbm>>
      tpu.wait_dma2 semaphore(%run_scoped3A_49 : memref<!tpu.dma_semaphore, #tpu.memory_space<semaphore_mem>>) src(%dma_wait3A_101 : memref<39x2x128xi32, #tpu.memory_space<hbm>>) dst(%dma_wait3A_92 : memref<39x2x128xi32, #tpu.memory_space<vmem>>)
      tpu.yield
    }) : () -> ()
    %scan3A_8 = arith.constant 0 : i32
    %scan3A_9 = arith.constant 0 : i32
    %scan3A_10 = arith.constant 19 : i32
    %scan3A_11 = arith.addi %scan3A_9, %scan3A_10 : i32
    %scan3A_12 = arith.constant 1 : i32
    scf.for %scan3A_49 = %scan3A_9 to %scan3A_11 step %scan3A_12  : i32 {
      %mul3A_50 = arith.constant 2 : i32
      %mul3A_51 = arith.muli %mul3A_50, %scan3A_49 : i32
      %dma_start3A_52 = arith.constant 0 : i32
      %dma_start3A_53 = arith.constant 0 : i32
      %dma_start3A_54 = arith.constant 0 : i32
      %dma_start3A_55 = arith.constant 0 : i32
      %dma_start3A_56 = tpu.memref_slice %arg7[%dma_start3A_53, %dma_start3A_54, %dma_start3A_55] : memref<2x128x128xf32, #tpu.memory_space<vmem>> -> memref<1x128x128xf32, #tpu.memory_space<vmem>>
      %dma_start3A_57 = tpu.memref_squeeze %dma_start3A_56 : memref<1x128x128xf32, #tpu.memory_space<vmem>> -> memref<128x128xf32, #tpu.memory_space<vmem>>
      %dma_start3A_58 = arith.constant 0 : i32
      %dma_start3A_59 = arith.constant 0 : i32
      %dma_start3A_60 = tpu.memref_slice %arg6[%mul3A_51, %dma_start3A_58, %dma_start3A_59] : memref<40x2x128xi32, #tpu.memory_space<vmem>> -> memref<1x2x128xi32, #tpu.memory_space<vmem>>
      %dma_start3A_61 = tpu.memref_squeeze %dma_start3A_60 : memref<1x2x128xi32, #tpu.memory_space<vmem>> -> memref<2x128xi32, #tpu.memory_space<vmem>>
      %dma_start3A_62 = arith.constant 0 : i32
      %dma_start3A_63 = tpu.memref_slice %dma_start3A_61[%dma_start3A_52, %dma_start3A_62] : memref<2x128xi32, #tpu.memory_space<vmem>> -> memref<1x128xi32, #tpu.memory_space<vmem>>
      %dma_start3A_64 = tpu.memref_squeeze %dma_start3A_63 : memref<1x128xi32, #tpu.memory_space<vmem>> -> memref<128xi32, #tpu.memory_space<vmem>>
      %dma_start3A_65 = arith.constant 0 : i32
      %dma_start3A_66 = arith.constant 0 : i32
      %dma_start3A_67 = tpu.memref_slice %arg3[%dma_start3A_65, %dma_start3A_66] : memref<10000x128xf32, #tpu.memory_space<hbm>> -> memref<10000x128xf32, #tpu.memory_space<hbm>>
      tpu.enqueue_indirect_dma source(%dma_start3A_67 : memref<10000x128xf32, #tpu.memory_space<hbm>>) target(%dma_start3A_57 : memref<128x128xf32, #tpu.memory_space<vmem>>) offsets(%dma_start3A_64 : memref<128xi32, #tpu.memory_space<vmem>>) semaphore(%arg9 : memref<!tpu.dma_semaphore, #tpu.memory_space<semaphore_mem>>)
      %add3A_68 = arith.constant 1 : i32
      %add3A_69 = arith.addi %mul3A_51, %add3A_68 : i32
      %dma_start3A_70 = arith.constant 0 : i32
      %dma_start3A_71 = arith.constant 1 : i32
      %dma_start3A_72 = arith.constant 0 : i32
      %dma_start3A_73 = arith.constant 0 : i32
      %dma_start3A_74 = tpu.memref_slice %arg7[%dma_start3A_71, %dma_start3A_72, %dma_start3A_73] : memref<2x128x128xf32, #tpu.memory_space<vmem>> -> memref<1x128x128xf32, #tpu.memory_space<vmem>>
      %dma_start3A_75 = tpu.memref_squeeze %dma_start3A_74 : memref<1x128x128xf32, #tpu.memory_space<vmem>> -> memref<128x128xf32, #tpu.memory_space<vmem>>
      %dma_start3A_76 = arith.constant 0 : i32
      %dma_start3A_77 = arith.constant 0 : i32
      %dma_start3A_78 = tpu.memref_slice %arg6[%add3A_69, %dma_start3A_76, %dma_start3A_77] : memref<40x2x128xi32, #tpu.memory_space<vmem>> -> memref<1x2x128xi32, #tpu.memory_space<vmem>>
      %dma_start3A_79 = tpu.memref_squeeze %dma_start3A_78 : memref<1x2x128xi32, #tpu.memory_space<vmem>> -> memref<2x128xi32, #tpu.memory_space<vmem>>
      %dma_start3A_80 = arith.constant 0 : i32
      %dma_start3A_81 = tpu.memref_slice %dma_start3A_79[%dma_start3A_70, %dma_start3A_80] : memref<2x128xi32, #tpu.memory_space<vmem>> -> memref<1x128xi32, #tpu.memory_space<vmem>>
      %dma_start3A_82 = tpu.memref_squeeze %dma_start3A_81 : memref<1x128xi32, #tpu.memory_space<vmem>> -> memref<128xi32, #tpu.memory_space<vmem>>
      %dma_start3A_83 = arith.constant 0 : i32
      %dma_start3A_84 = arith.constant 0 : i32
      %dma_start3A_85 = tpu.memref_slice %arg3[%dma_start3A_83, %dma_start3A_84] : memref<10000x128xf32, #tpu.memory_space<hbm>> -> memref<10000x128xf32, #tpu.memory_space<hbm>>
      tpu.enqueue_indirect_dma source(%dma_start3A_85 : memref<10000x128xf32, #tpu.memory_space<hbm>>) target(%dma_start3A_75 : memref<128x128xf32, #tpu.memory_space<vmem>>) offsets(%dma_start3A_82 : memref<128xi32, #tpu.memory_space<vmem>>) semaphore(%arg10 : memref<!tpu.dma_semaphore, #tpu.memory_space<semaphore_mem>>)
      %dma_wait3A_86 = arith.constant 0 : i32
      %dma_wait3A_87 = arith.constant 0 : i32
      %dma_wait3A_88 = arith.constant 0 : i32
      %dma_wait3A_89 = arith.constant 0 : i32
      %dma_wait3A_90 = tpu.memref_slice %arg7[%dma_wait3A_87, %dma_wait3A_88, %dma_wait3A_89] : memref<2x128x128xf32, #tpu.memory_space<vmem>> -> memref<1x128x128xf32, #tpu.memory_space<vmem>>
      %dma_wait3A_91 = tpu.memref_squeeze %dma_wait3A_90 : memref<1x128x128xf32, #tpu.memory_space<vmem>> -> memref<128x128xf32, #tpu.memory_space<vmem>>
      %dma_wait3A_92 = arith.constant 0 : i32
      %dma_wait3A_93 = arith.constant 0 : i32
      %dma_wait3A_94 = tpu.memref_slice %arg6[%mul3A_51, %dma_wait3A_92, %dma_wait3A_93] : memref<40x2x128xi32, #tpu.memory_space<vmem>> -> memref<1x2x128xi32, #tpu.memory_space<vmem>>
      %dma_wait3A_95 = tpu.memref_squeeze %dma_wait3A_94 : memref<1x2x128xi32, #tpu.memory_space<vmem>> -> memref<2x128xi32, #tpu.memory_space<vmem>>
      %dma_wait3A_96 = arith.constant 0 : i32
      %dma_wait3A_97 = tpu.memref_slice %dma_wait3A_95[%dma_wait3A_86, %dma_wait3A_96] : memref<2x128xi32, #tpu.memory_space<vmem>> -> memref<1x128xi32, #tpu.memory_space<vmem>>
      %dma_wait3A_98 = tpu.memref_squeeze %dma_wait3A_97 : memref<1x128xi32, #tpu.memory_space<vmem>> -> memref<128xi32, #tpu.memory_space<vmem>>
      %dma_wait3A_99 = arith.constant 0 : i32
      %dma_wait3A_100 = arith.constant 0 : i32
      %dma_wait3A_101 = tpu.memref_slice %arg3[%dma_wait3A_99, %dma_wait3A_100] : memref<10000x128xf32, #tpu.memory_space<hbm>> -> memref<10000x128xf32, #tpu.memory_space<hbm>>
      tpu.wait_indirect_dma semaphore(%arg9 : memref<!tpu.dma_semaphore, #tpu.memory_space<semaphore_mem>>) src(%dma_wait3A_101 : memref<10000x128xf32, #tpu.memory_space<hbm>>) dst(%dma_wait3A_91 : memref<128x128xf32, #tpu.memory_space<vmem>>)
      %run_scoped3A_102 = arith.constant 0 : i32
      %run_scoped3A_103 = arith.constant 1 : i32
      "tpu.region"() ({
        %run_scoped3A_124 = tpu.sem_alloc : memref<!tpu.dma_semaphore, #tpu.memory_space<semaphore_mem>>
        %dma_start3A_125 = arith.constant 0 : i32
        %dma_start3A_126 = arith.constant 0 : i32
        %dma_start3A_127 = tpu.memref_slice %arg7[%run_scoped3A_102, %dma_start3A_125, %dma_start3A_126] : memref<2x128x128xf32, #tpu.memory_space<vmem>> -> memref<1x128x128xf32, #tpu.memory_space<vmem>>
        %dma_start3A_128 = tpu.memref_squeeze %dma_start3A_127 : memref<1x128x128xf32, #tpu.memory_space<vmem>> -> memref<128x128xf32, #tpu.memory_space<vmem>>
        %dma_start3A_129 = arith.constant 0 : i32
        %dma_start3A_130 = arith.constant 0 : i32
        %dma_start3A_131 = tpu.memref_slice %arg6[%mul3A_51, %dma_start3A_129, %dma_start3A_130] : memref<40x2x128xi32, #tpu.memory_space<vmem>> -> memref<1x2x128xi32, #tpu.memory_space<vmem>>
        %dma_start3A_132 = tpu.memref_squeeze %dma_start3A_131 : memref<1x2x128xi32, #tpu.memory_space<vmem>> -> memref<2x128xi32, #tpu.memory_space<vmem>>
        %dma_start3A_133 = arith.constant 0 : i32
        %dma_start3A_134 = tpu.memref_slice %dma_start3A_132[%run_scoped3A_103, %dma_start3A_133] : memref<2x128xi32, #tpu.memory_space<vmem>> -> memref<1x128xi32, #tpu.memory_space<vmem>>
        %dma_start3A_135 = tpu.memref_squeeze %dma_start3A_134 : memref<1x128xi32, #tpu.memory_space<vmem>> -> memref<128xi32, #tpu.memory_space<vmem>>
        %dma_start3A_136 = arith.constant 0 : i32
        %dma_start3A_137 = arith.constant 0 : i32
        %dma_start3A_138 = tpu.memref_slice %arg8[%dma_start3A_136, %dma_start3A_137] : memref<10112x128xf32, #tpu.memory_space<vmem_shared>> -> memref<10112x128xf32, #tpu.memory_space<vmem_shared>>
        tpu.enqueue_indirect_dma source(%dma_start3A_128 : memref<128x128xf32, #tpu.memory_space<vmem>>) target(%dma_start3A_138 : memref<10112x128xf32, #tpu.memory_space<vmem_shared>>) offsets(%dma_start3A_135 : memref<128xi32, #tpu.memory_space<vmem>>) semaphore(%run_scoped3A_124 : memref<!tpu.dma_semaphore, #tpu.memory_space<semaphore_mem>>) {add = true}
        %dma_wait3A_139 = arith.constant 0 : i32
        %dma_wait3A_140 = arith.constant 0 : i32
        %dma_wait3A_141 = tpu.memref_slice %arg7[%run_scoped3A_102, %dma_wait3A_139, %dma_wait3A_140] : memref<2x128x128xf32, #tpu.memory_space<vmem>> -> memref<1x128x128xf32, #tpu.memory_space<vmem>>
        %dma_wait3A_142 = tpu.memref_squeeze %dma_wait3A_141 : memref<1x128x128xf32, #tpu.memory_space<vmem>> -> memref<128x128xf32, #tpu.memory_space<vmem>>
        %dma_wait3A_143 = arith.constant 0 : i32
        %dma_wait3A_144 = arith.constant 0 : i32
        %dma_wait3A_145 = tpu.memref_slice %arg6[%mul3A_51, %dma_wait3A_143, %dma_wait3A_144] : memref<40x2x128xi32, #tpu.memory_space<vmem>> -> memref<1x2x128xi32, #tpu.memory_space<vmem>>
        %dma_wait3A_146 = tpu.memref_squeeze %dma_wait3A_145 : memref<1x2x128xi32, #tpu.memory_space<vmem>> -> memref<2x128xi32, #tpu.memory_space<vmem>>
        %dma_wait3A_147 = arith.constant 0 : i32
        %dma_wait3A_148 = tpu.memref_slice %dma_wait3A_146[%run_scoped3A_103, %dma_wait3A_147] : memref<2x128xi32, #tpu.memory_space<vmem>> -> memref<1x128xi32, #tpu.memory_space<vmem>>
        %dma_wait3A_149 = tpu.memref_squeeze %dma_wait3A_148 : memref<1x128xi32, #tpu.memory_space<vmem>> -> memref<128xi32, #tpu.memory_space<vmem>>
        %dma_wait3A_150 = arith.constant 0 : i32
        %dma_wait3A_151 = arith.constant 0 : i32
        %dma_wait3A_152 = tpu.memref_slice %arg8[%dma_wait3A_150, %dma_wait3A_151] : memref<10112x128xf32, #tpu.memory_space<vmem_shared>> -> memref<10112x128xf32, #tpu.memory_space<vmem_shared>>
        tpu.wait_indirect_dma semaphore(%run_scoped3A_124 : memref<!tpu.dma_semaphore, #tpu.memory_space<semaphore_mem>>) src(%dma_wait3A_142 : memref<128x128xf32, #tpu.memory_space<vmem>>) dst(%dma_wait3A_152 : memref<10112x128xf32, #tpu.memory_space<vmem_shared>>)
        tpu.yield
      }) : () -> ()
      %dma_wait3A_104 = arith.constant 0 : i32
      %dma_wait3A_105 = arith.constant 1 : i32
      %dma_wait3A_106 = arith.constant 0 : i32
      %dma_wait3A_107 = arith.constant 0 : i32
      %dma_wait3A_108 = tpu.memref_slice %arg7[%dma_wait3A_105, %dma_wait3A_106, %dma_wait3A_107] : memref<2x128x128xf32, #tpu.memory_space<vmem>> -> memref<1x128x128xf32, #tpu.memory_space<vmem>>
      %dma_wait3A_109 = tpu.memref_squeeze %dma_wait3A_108 : memref<1x128x128xf32, #tpu.memory_space<vmem>> -> memref<128x128xf32, #tpu.memory_space<vmem>>
      %dma_wait3A_110 = arith.constant 0 : i32
      %dma_wait3A_111 = arith.constant 0 : i32
      %dma_wait3A_112 = tpu.memref_slice %arg6[%add3A_69, %dma_wait3A_110, %dma_wait3A_111] : memref<40x2x128xi32, #tpu.memory_space<vmem>> -> memref<1x2x128xi32, #tpu.memory_space<vmem>>
      %dma_wait3A_113 = tpu.memref_squeeze %dma_wait3A_112 : memref<1x2x128xi32, #tpu.memory_space<vmem>> -> memref<2x128xi32, #tpu.memory_space<vmem>>
      %dma_wait3A_114 = arith.constant 0 : i32
      %dma_wait3A_115 = tpu.memref_slice %dma_wait3A_113[%dma_wait3A_104, %dma_wait3A_114] : memref<2x128xi32, #tpu.memory_space<vmem>> -> memref<1x128xi32, #tpu.memory_space<vmem>>
      %dma_wait3A_116 = tpu.memref_squeeze %dma_wait3A_115 : memref<1x128xi32, #tpu.memory_space<vmem>> -> memref<128xi32, #tpu.memory_space<vmem>>
      %dma_wait3A_117 = arith.constant 0 : i32
      %dma_wait3A_118 = arith.constant 0 : i32
      %dma_wait3A_119 = tpu.memref_slice %arg3[%dma_wait3A_117, %dma_wait3A_118] : memref<10000x128xf32, #tpu.memory_space<hbm>> -> memref<10000x128xf32, #tpu.memory_space<hbm>>
      tpu.wait_indirect_dma semaphore(%arg10 : memref<!tpu.dma_semaphore, #tpu.memory_space<semaphore_mem>>) src(%dma_wait3A_119 : memref<10000x128xf32, #tpu.memory_space<hbm>>) dst(%dma_wait3A_109 : memref<128x128xf32, #tpu.memory_space<vmem>>)
      %add3A_120 = arith.constant 1 : i32
      %add3A_121 = arith.addi %mul3A_51, %add3A_120 : i32
      %run_scoped3A_122 = arith.constant 1 : i32
      %run_scoped3A_123 = arith.constant 1 : i32
      "tpu.region"() ({
        %run_scoped3A_124 = tpu.sem_alloc : memref<!tpu.dma_semaphore, #tpu.memory_space<semaphore_mem>>
        %dma_start3A_125 = arith.constant 0 : i32
        %dma_start3A_126 = arith.constant 0 : i32
        %dma_start3A_127 = tpu.memref_slice %arg7[%run_scoped3A_122, %dma_start3A_125, %dma_start3A_126] : memref<2x128x128xf32, #tpu.memory_space<vmem>> -> memref<1x128x128xf32, #tpu.memory_space<vmem>>
        %dma_start3A_128 = tpu.memref_squeeze %dma_start3A_127 : memref<1x128x128xf32, #tpu.memory_space<vmem>> -> memref<128x128xf32, #tpu.memory_space<vmem>>
        %dma_start3A_129 = arith.constant 0 : i32
        %dma_start3A_130 = arith.constant 0 : i32
        %dma_start3A_131 = tpu.memref_slice %arg6[%add3A_121, %dma_start3A_129, %dma_start3A_130] : memref<40x2x128xi32, #tpu.memory_space<vmem>> -> memref<1x2x128xi32, #tpu.memory_space<vmem>>
        %dma_start3A_132 = tpu.memref_squeeze %dma_start3A_131 : memref<1x2x128xi32, #tpu.memory_space<vmem>> -> memref<2x128xi32, #tpu.memory_space<vmem>>
        %dma_start3A_133 = arith.constant 0 : i32
        %dma_start3A_134 = tpu.memref_slice %dma_start3A_132[%run_scoped3A_123, %dma_start3A_133] : memref<2x128xi32, #tpu.memory_space<vmem>> -> memref<1x128xi32, #tpu.memory_space<vmem>>
        %dma_start3A_135 = tpu.memref_squeeze %dma_start3A_134 : memref<1x128xi32, #tpu.memory_space<vmem>> -> memref<128xi32, #tpu.memory_space<vmem>>
        %dma_start3A_136 = arith.constant 0 : i32
        %dma_start3A_137 = arith.constant 0 : i32
        %dma_start3A_138 = tpu.memref_slice %arg8[%dma_start3A_136, %dma_start3A_137] : memref<10112x128xf32, #tpu.memory_space<vmem_shared>> -> memref<10112x128xf32, #tpu.memory_space<vmem_shared>>
        tpu.enqueue_indirect_dma source(%dma_start3A_128 : memref<128x128xf32, #tpu.memory_space<vmem>>) target(%dma_start3A_138 : memref<10112x128xf32, #tpu.memory_space<vmem_shared>>) offsets(%dma_start3A_135 : memref<128xi32, #tpu.memory_space<vmem>>) semaphore(%run_scoped3A_124 : memref<!tpu.dma_semaphore, #tpu.memory_space<semaphore_mem>>) {add = true}
        %dma_wait3A_139 = arith.constant 0 : i32
        %dma_wait3A_140 = arith.constant 0 : i32
        %dma_wait3A_141 = tpu.memref_slice %arg7[%run_scoped3A_122, %dma_wait3A_139, %dma_wait3A_140] : memref<2x128x128xf32, #tpu.memory_space<vmem>> -> memref<1x128x128xf32, #tpu.memory_space<vmem>>
        %dma_wait3A_142 = tpu.memref_squeeze %dma_wait3A_141 : memref<1x128x128xf32, #tpu.memory_space<vmem>> -> memref<128x128xf32, #tpu.memory_space<vmem>>
        %dma_wait3A_143 = arith.constant 0 : i32
        %dma_wait3A_144 = arith.constant 0 : i32
        %dma_wait3A_145 = tpu.memref_slice %arg6[%add3A_121, %dma_wait3A_143, %dma_wait3A_144] : memref<40x2x128xi32, #tpu.memory_space<vmem>> -> memref<1x2x128xi32, #tpu.memory_space<vmem>>
        %dma_wait3A_146 = tpu.memref_squeeze %dma_wait3A_145 : memref<1x2x128xi32, #tpu.memory_space<vmem>> -> memref<2x128xi32, #tpu.memory_space<vmem>>
        %dma_wait3A_147 = arith.constant 0 : i32
        %dma_wait3A_148 = tpu.memref_slice %dma_wait3A_146[%run_scoped3A_123, %dma_wait3A_147] : memref<2x128xi32, #tpu.memory_space<vmem>> -> memref<1x128xi32, #tpu.memory_space<vmem>>
        %dma_wait3A_149 = tpu.memref_squeeze %dma_wait3A_148 : memref<1x128xi32, #tpu.memory_space<vmem>> -> memref<128xi32, #tpu.memory_space<vmem>>
        %dma_wait3A_150 = arith.constant 0 : i32
        %dma_wait3A_151 = arith.constant 0 : i32
        %dma_wait3A_152 = tpu.memref_slice %arg8[%dma_wait3A_150, %dma_wait3A_151] : memref<10112x128xf32, #tpu.memory_space<vmem_shared>> -> memref<10112x128xf32, #tpu.memory_space<vmem_shared>>
        tpu.wait_indirect_dma semaphore(%run_scoped3A_124 : memref<!tpu.dma_semaphore, #tpu.memory_space<semaphore_mem>>) src(%dma_wait3A_142 : memref<128x128xf32, #tpu.memory_space<vmem>>) dst(%dma_wait3A_152 : memref<10112x128xf32, #tpu.memory_space<vmem_shared>>)
        tpu.yield
      }) : () -> ()
    }
    %scan3A_13 = arith.constant 19 : i32
    %dma_start3A = arith.constant 38 : i32
    %dma_start3A_14 = arith.constant 0 : i32
    %dma_start3A_15 = arith.constant 0 : i32
    %dma_start3A_16 = arith.constant 0 : i32
    %dma_start3A_17 = arith.constant 0 : i32
    %dma_start3A_18 = tpu.memref_slice %arg7[%dma_start3A_15, %dma_start3A_16, %dma_start3A_17] : memref<2x128x128xf32, #tpu.memory_space<vmem>> -> memref<1x128x128xf32, #tpu.memory_space<vmem>>
    %dma_start3A_19 = tpu.memref_squeeze %dma_start3A_18 : memref<1x128x128xf32, #tpu.memory_space<vmem>> -> memref<128x128xf32, #tpu.memory_space<vmem>>
    %dma_start3A_20 = arith.constant 0 : i32
    %dma_start3A_21 = arith.constant 0 : i32
    %dma_start3A_22 = tpu.memref_slice %arg6[%dma_start3A, %dma_start3A_20, %dma_start3A_21] : memref<40x2x128xi32, #tpu.memory_space<vmem>> -> memref<1x2x128xi32, #tpu.memory_space<vmem>>
    %dma_start3A_23 = tpu.memref_squeeze %dma_start3A_22 : memref<1x2x128xi32, #tpu.memory_space<vmem>> -> memref<2x128xi32, #tpu.memory_space<vmem>>
    %dma_start3A_24 = arith.constant 0 : i32
    %dma_start3A_25 = tpu.memref_slice %dma_start3A_23[%dma_start3A_14, %dma_start3A_24] : memref<2x128xi32, #tpu.memory_space<vmem>> -> memref<1x128xi32, #tpu.memory_space<vmem>>
    %dma_start3A_26 = tpu.memref_squeeze %dma_start3A_25 : memref<1x128xi32, #tpu.memory_space<vmem>> -> memref<128xi32, #tpu.memory_space<vmem>>
    %dma_start3A_27 = arith.constant 0 : i32
    %dma_start3A_28 = arith.constant 0 : i32
    %dma_start3A_29 = tpu.memref_slice %arg3[%dma_start3A_27, %dma_start3A_28] : memref<10000x128xf32, #tpu.memory_space<hbm>> -> memref<10000x128xf32, #tpu.memory_space<hbm>>
    tpu.enqueue_indirect_dma source(%dma_start3A_29 : memref<10000x128xf32, #tpu.memory_space<hbm>>) target(%dma_start3A_19 : memref<128x128xf32, #tpu.memory_space<vmem>>) offsets(%dma_start3A_26 : memref<128xi32, #tpu.memory_space<vmem>>) semaphore(%arg9 : memref<!tpu.dma_semaphore, #tpu.memory_space<semaphore_mem>>)
    %dma_wait3A = arith.constant 38 : i32
    %dma_wait3A_30 = arith.constant 0 : i32
    %dma_wait3A_31 = arith.constant 0 : i32
    %dma_wait3A_32 = arith.constant 0 : i32
    %dma_wait3A_33 = arith.constant 0 : i32
    %dma_wait3A_34 = tpu.memref_slice %arg7[%dma_wait3A_31, %dma_wait3A_32, %dma_wait3A_33] : memref<2x128x128xf32, #tpu.memory_space<vmem>> -> memref<1x128x128xf32, #tpu.memory_space<vmem>>
    %dma_wait3A_35 = tpu.memref_squeeze %dma_wait3A_34 : memref<1x128x128xf32, #tpu.memory_space<vmem>> -> memref<128x128xf32, #tpu.memory_space<vmem>>
    %dma_wait3A_36 = arith.constant 0 : i32
    %dma_wait3A_37 = arith.constant 0 : i32
    %dma_wait3A_38 = tpu.memref_slice %arg6[%dma_wait3A, %dma_wait3A_36, %dma_wait3A_37] : memref<40x2x128xi32, #tpu.memory_space<vmem>> -> memref<1x2x128xi32, #tpu.memory_space<vmem>>
    %dma_wait3A_39 = tpu.memref_squeeze %dma_wait3A_38 : memref<1x2x128xi32, #tpu.memory_space<vmem>> -> memref<2x128xi32, #tpu.memory_space<vmem>>
    %dma_wait3A_40 = arith.constant 0 : i32
    %dma_wait3A_41 = tpu.memref_slice %dma_wait3A_39[%dma_wait3A_30, %dma_wait3A_40] : memref<2x128xi32, #tpu.memory_space<vmem>> -> memref<1x128xi32, #tpu.memory_space<vmem>>
    %dma_wait3A_42 = tpu.memref_squeeze %dma_wait3A_41 : memref<1x128xi32, #tpu.memory_space<vmem>> -> memref<128xi32, #tpu.memory_space<vmem>>
    %dma_wait3A_43 = arith.constant 0 : i32
    %dma_wait3A_44 = arith.constant 0 : i32
    %dma_wait3A_45 = tpu.memref_slice %arg3[%dma_wait3A_43, %dma_wait3A_44] : memref<10000x128xf32, #tpu.memory_space<hbm>> -> memref<10000x128xf32, #tpu.memory_space<hbm>>
    tpu.wait_indirect_dma semaphore(%arg9 : memref<!tpu.dma_semaphore, #tpu.memory_space<semaphore_mem>>) src(%dma_wait3A_45 : memref<10000x128xf32, #tpu.memory_space<hbm>>) dst(%dma_wait3A_35 : memref<128x128xf32, #tpu.memory_space<vmem>>)
    %run_scoped3A = arith.constant 0 : i32
    %run_scoped3A_46 = arith.constant 38 : i32
    %run_scoped3A_47 = arith.constant 1 : i32
    "tpu.region"() ({
      %run_scoped3A_49 = tpu.sem_alloc : memref<!tpu.dma_semaphore, #tpu.memory_space<semaphore_mem>>
      %dma_start3A_50 = arith.constant 0 : i32
      %dma_start3A_51 = arith.constant 0 : i32
      %dma_start3A_52 = tpu.memref_slice %arg7[%run_scoped3A, %dma_start3A_50, %dma_start3A_51] : memref<2x128x128xf32, #tpu.memory_space<vmem>> -> memref<1x128x128xf32, #tpu.memory_space<vmem>>
      %dma_start3A_53 = tpu.memref_squeeze %dma_start3A_52 : memref<1x128x128xf32, #tpu.memory_space<vmem>> -> memref<128x128xf32, #tpu.memory_space<vmem>>
      %dma_start3A_54 = arith.constant 0 : i32
      %dma_start3A_55 = arith.constant 0 : i32
      %dma_start3A_56 = tpu.memref_slice %arg6[%run_scoped3A_46, %dma_start3A_54, %dma_start3A_55] : memref<40x2x128xi32, #tpu.memory_space<vmem>> -> memref<1x2x128xi32, #tpu.memory_space<vmem>>
      %dma_start3A_57 = tpu.memref_squeeze %dma_start3A_56 : memref<1x2x128xi32, #tpu.memory_space<vmem>> -> memref<2x128xi32, #tpu.memory_space<vmem>>
      %dma_start3A_58 = arith.constant 0 : i32
      %dma_start3A_59 = tpu.memref_slice %dma_start3A_57[%run_scoped3A_47, %dma_start3A_58] : memref<2x128xi32, #tpu.memory_space<vmem>> -> memref<1x128xi32, #tpu.memory_space<vmem>>
      %dma_start3A_60 = tpu.memref_squeeze %dma_start3A_59 : memref<1x128xi32, #tpu.memory_space<vmem>> -> memref<128xi32, #tpu.memory_space<vmem>>
      %dma_start3A_61 = arith.constant 0 : i32
      %dma_start3A_62 = arith.constant 0 : i32
      %dma_start3A_63 = tpu.memref_slice %arg8[%dma_start3A_61, %dma_start3A_62] : memref<10112x128xf32, #tpu.memory_space<vmem_shared>> -> memref<10112x128xf32, #tpu.memory_space<vmem_shared>>
      tpu.enqueue_indirect_dma source(%dma_start3A_53 : memref<128x128xf32, #tpu.memory_space<vmem>>) target(%dma_start3A_63 : memref<10112x128xf32, #tpu.memory_space<vmem_shared>>) offsets(%dma_start3A_60 : memref<128xi32, #tpu.memory_space<vmem>>) semaphore(%run_scoped3A_49 : memref<!tpu.dma_semaphore, #tpu.memory_space<semaphore_mem>>) {add = true}
      %dma_wait3A_64 = arith.constant 0 : i32
      %dma_wait3A_65 = arith.constant 0 : i32
      %dma_wait3A_66 = tpu.memref_slice %arg7[%run_scoped3A, %dma_wait3A_64, %dma_wait3A_65] : memref<2x128x128xf32, #tpu.memory_space<vmem>> -> memref<1x128x128xf32, #tpu.memory_space<vmem>>
      %dma_wait3A_67 = tpu.memref_squeeze %dma_wait3A_66 : memref<1x128x128xf32, #tpu.memory_space<vmem>> -> memref<128x128xf32, #tpu.memory_space<vmem>>
      %dma_wait3A_68 = arith.constant 0 : i32
      %dma_wait3A_69 = arith.constant 0 : i32
      %dma_wait3A_70 = tpu.memref_slice %arg6[%run_scoped3A_46, %dma_wait3A_68, %dma_wait3A_69] : memref<40x2x128xi32, #tpu.memory_space<vmem>> -> memref<1x2x128xi32, #tpu.memory_space<vmem>>
      %dma_wait3A_71 = tpu.memref_squeeze %dma_wait3A_70 : memref<1x2x128xi32, #tpu.memory_space<vmem>> -> memref<2x128xi32, #tpu.memory_space<vmem>>
      %dma_wait3A_72 = arith.constant 0 : i32
      %dma_wait3A_73 = tpu.memref_slice %dma_wait3A_71[%run_scoped3A_47, %dma_wait3A_72] : memref<2x128xi32, #tpu.memory_space<vmem>> -> memref<1x128xi32, #tpu.memory_space<vmem>>
      %dma_wait3A_74 = tpu.memref_squeeze %dma_wait3A_73 : memref<1x128xi32, #tpu.memory_space<vmem>> -> memref<128xi32, #tpu.memory_space<vmem>>
      %dma_wait3A_75 = arith.constant 0 : i32
      %dma_wait3A_76 = arith.constant 0 : i32
      %dma_wait3A_77 = tpu.memref_slice %arg8[%dma_wait3A_75, %dma_wait3A_76] : memref<10112x128xf32, #tpu.memory_space<vmem_shared>> -> memref<10112x128xf32, #tpu.memory_space<vmem_shared>>
      tpu.wait_indirect_dma semaphore(%run_scoped3A_49 : memref<!tpu.dma_semaphore, #tpu.memory_space<semaphore_mem>>) src(%dma_wait3A_67 : memref<128x128xf32, #tpu.memory_space<vmem>>) dst(%dma_wait3A_77 : memref<10112x128xf32, #tpu.memory_space<vmem_shared>>)
      tpu.yield
    }) : () -> ()
    %barrier3A_48 = arith.constant 0 : index
    tpu.barrier barrier_id(%barrier3A_48)
    "tpu.region"() ({
      %run_scoped3A_49 = tpu.sem_alloc : memref<!tpu.dma_semaphore, #tpu.memory_space<semaphore_mem>>
      %dma_start3A_50 = arith.constant 0 : i32
      %dma_start3A_51 = arith.constant 0 : i32
      %dma_start3A_52 = tpu.memref_slice %arg5[%arg0, %dma_start3A_50, %dma_start3A_51] : memref<2x10112x128xf32, #tpu.memory_space<hbm>> -> memref<1x10112x128xf32, #tpu.memory_space<hbm>>
      %dma_start3A_53 = tpu.memref_squeeze %dma_start3A_52 : memref<1x10112x128xf32, #tpu.memory_space<hbm>> -> memref<10112x128xf32, #tpu.memory_space<hbm>>
      %dma_start3A_54 = arith.constant 0 : i32
      %dma_start3A_55 = tpu.memref_slice %dma_start3A_53[%mul3A_2, %dma_start3A_54] : memref<10112x128xf32, #tpu.memory_space<hbm>> -> memref<632x128xf32, #tpu.memory_space<hbm>>
      %dma_start3A_56 = arith.constant 0 : i32
      %dma_start3A_57 = tpu.memref_slice %arg8[%mul3A_2, %dma_start3A_56] : memref<10112x128xf32, #tpu.memory_space<vmem_shared>> -> memref<632x128xf32, #tpu.memory_space<vmem_shared>>
      tpu.enqueue_dma source(%dma_start3A_57 : memref<632x128xf32, #tpu.memory_space<vmem_shared>>) target(%dma_start3A_55 : memref<632x128xf32, #tpu.memory_space<hbm>>) target_semaphore(%run_scoped3A_49 : memref<!tpu.dma_semaphore, #tpu.memory_space<semaphore_mem>>)
      %dma_wait3A_58 = arith.constant 0 : i32
      %dma_wait3A_59 = arith.constant 0 : i32
      %dma_wait3A_60 = tpu.memref_slice %arg5[%arg0, %dma_wait3A_58, %dma_wait3A_59] : memref<2x10112x128xf32, #tpu.memory_space<hbm>> -> memref<1x10112x128xf32, #tpu.memory_space<hbm>>
      %dma_wait3A_61 = tpu.memref_squeeze %dma_wait3A_60 : memref<1x10112x128xf32, #tpu.memory_space<hbm>> -> memref<10112x128xf32, #tpu.memory_space<hbm>>
      %dma_wait3A_62 = arith.constant 0 : i32
      %dma_wait3A_63 = tpu.memref_slice %dma_wait3A_61[%mul3A_2, %dma_wait3A_62] : memref<10112x128xf32, #tpu.memory_space<hbm>> -> memref<632x128xf32, #tpu.memory_space<hbm>>
      %dma_wait3A_64 = arith.constant 0 : i32
      %dma_wait3A_65 = tpu.memref_slice %arg8[%mul3A_2, %dma_wait3A_64] : memref<10112x128xf32, #tpu.memory_space<vmem_shared>> -> memref<632x128xf32, #tpu.memory_space<vmem_shared>>
      tpu.wait_dma2 semaphore(%run_scoped3A_49 : memref<!tpu.dma_semaphore, #tpu.memory_space<semaphore_mem>>) src(%dma_wait3A_65 : memref<632x128xf32, #tpu.memory_space<vmem_shared>>) dst(%dma_wait3A_63 : memref<632x128xf32, #tpu.memory_space<hbm>>)
      tpu.yield
    }) : () -> ()
    return
  }
}

module attributes {stable_mosaic.version = 14 : i64} {
  func.func @_enc_body(%arg0: i32, %arg1: memref<1000x128xf32, #tpu.memory_space<vmem>>, %arg2: memref<128x128xf32, #tpu.memory_space<vmem>>, %arg3: memref<1x128xf32, #tpu.memory_space<vmem>>, %arg4: memref<2x1000x128xf32, #tpu.memory_space<vmem>>, %arg5: memref<1000x128xf32, #tpu.memory_space<vmem>>, %arg6: memref<1000x128xf32, #tpu.memory_space<vmem>>) attributes {dimension_semantics = [#tpu.dimension_semantics<arbitrary>], iteration_bounds = array<i64: 10>, scalar_prefetch = 0 : i64, scratch_operands = 0 : i64, tpu.core_type = #tpu.core_type<tc>, window_params = [{transform_indices = @transform_0, window_bounds = array<i64: 1000, 128>}, {pipeline_mode = #tpu.pipeline_mode<synchronous>, transform_indices = @transform_1, window_bounds = array<i64: 128, 128>}, {pipeline_mode = #tpu.pipeline_mode<synchronous>, transform_indices = @transform_2, window_bounds = array<i64: 1, 128>}, {transform_indices = @transform_3, window_bounds = array<i64: 2, 1000, 128>}, {transform_indices = @transform_4, window_bounds = array<i64: 1000, 128>}, {transform_indices = @transform_5, window_bounds = array<i64: 1000, 128>}]} {
    %get3A = arith.constant 0 : index
    %get3A_0 = arith.constant 0 : index
    %get3A_1 = vector.load %arg1[%get3A, %get3A_0] : memref<1000x128xf32, #tpu.memory_space<vmem>>, vector<1000x128xf32>
    %get3A_2 = arith.constant 0 : index
    %get3A_3 = arith.constant 0 : index
    %get3A_4 = vector.load %arg2[%get3A_2, %get3A_3] : memref<128x128xf32, #tpu.memory_space<vmem>>, vector<128x128xf32>
    %dot_general3A = arith.constant dense<0.000000e+00> : vector<1000x128xf32>
    %dot_general3A_5 = tpu.matmul %get3A_1, %get3A_4, %dot_general3A {dimension_numbers = #tpu.dot_dimension_numbers<[1], [0], [0], [1], [0, 0, 1, 1], [], []>, transpose_lhs_hint = false} : vector<1000x128xf32>, vector<128x128xf32>, vector<1000x128xf32> -> vector<1000x128xf32>
    %get3A_6 = arith.constant 0 : index
    %get3A_7 = arith.constant 0 : index
    %get3A_8 = vector.load %arg3[%get3A_6, %get3A_7] : memref<1x128xf32, #tpu.memory_space<vmem>>, vector<1x128xf32>
    %add3A = vector.broadcast %get3A_8 : vector<1x128xf32> to vector<1000x128xf32>
    %add3A_9 = arith.addf %dot_general3A_5, %add3A : vector<1000x128xf32>
    %max3A = arith.constant 0.000000e+00 : f32
    %max3A_10 = vector.broadcast %max3A : f32 to vector<1000x128xf32>
    %max3A_11 = arith.maximumf %add3A_9, %max3A_10 : vector<1000x128xf32>
    %get3A_12 = arith.constant 0 : index
    %get3A_13 = arith.constant 0 : index
    %get3A_14 = arith.constant 0 : index
    %get3A_15 = vector.load %arg4[%get3A_12, %get3A_13, %get3A_14] : memref<2x1000x128xf32, #tpu.memory_space<vmem>>, vector<1x1000x128xf32>
    %get3A_16 = vector.shape_cast %get3A_15 : vector<1x1000x128xf32> to vector<1000x128xf32>
    %get3A_17 = arith.constant 1 : index
    %get3A_18 = arith.constant 0 : index
    %get3A_19 = arith.constant 0 : index
    %get3A_20 = vector.load %arg4[%get3A_17, %get3A_18, %get3A_19] : memref<2x1000x128xf32, #tpu.memory_space<vmem>>, vector<1x1000x128xf32>
    %get3A_21 = vector.shape_cast %get3A_20 : vector<1x1000x128xf32> to vector<1000x128xf32>
    %slice3A = vector.extract_strided_slice %get3A_16 {offsets = [0, 0], sizes = [1000, 1], strides = [1, 1]} : vector<1000x128xf32> to vector<1000x1xf32>
    %slice3A_22 = vector.extract_strided_slice %get3A_21 {offsets = [0, 0], sizes = [1000, 1], strides = [1, 1]} : vector<1000x128xf32> to vector<1000x1xf32>
    %add3A_23 = arith.addf %slice3A, %slice3A_22 : vector<1000x1xf32>
    %gt3A = arith.constant 0.000000e+00 : f32
    %gt3A_24 = vector.broadcast %gt3A : f32 to vector<1000x1xf32>
    %gt3A_25 = arith.cmpf ogt, %add3A_23, %gt3A_24 : vector<1000x1xf32>
    %rsqrt3A = math.rsqrt %add3A_23 : vector<1000x1xf32>
    %jit3A = arith.constant 0.000000e+00 : f32
    %broadcast_in_dim3A = vector.broadcast %jit3A : f32 to vector<1000x1xf32>
    %select_n3A = arith.select %gt3A_25, %rsqrt3A, %broadcast_in_dim3A : vector<1000x1xi1>, vector<1000x1xf32>
    %swap3A = arith.constant 0 : index
    %swap3A_26 = arith.constant 0 : index
    %swap3A_27 = vector.load %arg5[%swap3A, %swap3A_26] : memref<1000x128xf32, #tpu.memory_space<vmem>>, vector<1000x128xf32>
    tpu.vector_store %arg5[%swap3A, %swap3A_26], %max3A_11 {strides = array<i32>} : memref<1000x128xf32, #tpu.memory_space<vmem>>, vector<1000x128xf32>,
    %mul3A = vector.broadcast %select_n3A : vector<1000x1xf32> to vector<1000x128xf32>
    %mul3A_28 = arith.mulf %max3A_11, %mul3A : vector<1000x128xf32>
    %swap3A_29 = arith.constant 0 : index
    %swap3A_30 = arith.constant 0 : index
    %swap3A_31 = vector.load %arg6[%swap3A_29, %swap3A_30] : memref<1000x128xf32, #tpu.memory_space<vmem>>, vector<1000x128xf32>
    tpu.vector_store %arg6[%swap3A_29, %swap3A_30], %mul3A_28 {strides = array<i32>} : memref<1000x128xf32, #tpu.memory_space<vmem>>, vector<1000x128xf32>,
    return
  }
  func.func @transform_0(%arg0: i32) -> (i32, i32) {
    %c0_i32 = arith.constant 0 : i32
    %c0_i32_0 = arith.constant 0 : i32
    return %arg0, %c0_i32 : i32, i32
  }
  func.func @transform_1(%arg0: i32) -> (i32, i32) {
    %c0_i32 = arith.constant 0 : i32
    %c0_i32_0 = arith.constant 0 : i32
    %c0_i32_1 = arith.constant 0 : i32
    return %c0_i32, %c0_i32_0 : i32, i32
  }
  func.func @transform_2(%arg0: i32) -> (i32, i32) {
    %c0_i32 = arith.constant 0 : i32
    %c0_i32_0 = arith.constant 0 : i32
    %c0_i32_1 = arith.constant 0 : i32
    return %c0_i32, %c0_i32_0 : i32, i32
  }
  func.func @transform_3(%arg0: i32) -> (i32, i32, i32) {
    %c0_i32 = arith.constant 0 : i32
    %c0_i32_0 = arith.constant 0 : i32
    %c0_i32_1 = arith.constant 0 : i32
    return %c0_i32, %arg0, %c0_i32_0 : i32, i32, i32
  }
  func.func @transform_4(%arg0: i32) -> (i32, i32) {
    %c0_i32 = arith.constant 0 : i32
    %c0_i32_0 = arith.constant 0 : i32
    return %arg0, %c0_i32 : i32, i32
  }
  func.func @transform_5(%arg0: i32) -> (i32, i32) {
    %c0_i32 = arith.constant 0 : i32
    %c0_i32_0 = arith.constant 0 : i32
    return %arg0, %c0_i32 : i32, i32
  }
}

module attributes {stable_mosaic.version = 14 : i64} {
  func.func @_layer_body(%arg0: i32, %arg1: memref<2x1000x128xf32, #tpu.memory_space<vmem>>, %arg2: memref<2x1000x128xf32, #tpu.memory_space<vmem>>, %arg3: memref<1000x128xf32, #tpu.memory_space<vmem>>, %arg4: memref<128x128xf32, #tpu.memory_space<vmem>>, %arg5: memref<128x128xf32, #tpu.memory_space<vmem>>, %arg6: memref<1000x128xf32, #tpu.memory_space<vmem>>, %arg7: memref<1000x128xf32, #tpu.memory_space<vmem>>) attributes {dimension_semantics = [#tpu.dimension_semantics<arbitrary>], iteration_bounds = array<i64: 10>, scalar_prefetch = 0 : i64, scratch_operands = 0 : i64, tpu.core_type = #tpu.core_type<tc>, window_params = [{transform_indices = @transform_0, window_bounds = array<i64: 2, 1000, 128>}, {transform_indices = @transform_1, window_bounds = array<i64: 2, 1000, 128>}, {transform_indices = @transform_2, window_bounds = array<i64: 1000, 128>}, {pipeline_mode = #tpu.pipeline_mode<synchronous>, transform_indices = @transform_3, window_bounds = array<i64: 128, 128>}, {pipeline_mode = #tpu.pipeline_mode<synchronous>, transform_indices = @transform_4, window_bounds = array<i64: 128, 128>}, {transform_indices = @transform_5, window_bounds = array<i64: 1000, 128>}, {transform_indices = @transform_6, window_bounds = array<i64: 1000, 128>}]} {
    %get3A = arith.constant 0 : index
    %get3A_0 = arith.constant 0 : index
    %get3A_1 = arith.constant 0 : index
    %get3A_2 = vector.load %arg2[%get3A, %get3A_0, %get3A_1] : memref<2x1000x128xf32, #tpu.memory_space<vmem>>, vector<1x1000x128xf32>
    %get3A_3 = vector.shape_cast %get3A_2 : vector<1x1000x128xf32> to vector<1000x128xf32>
    %get3A_4 = arith.constant 1 : index
    %get3A_5 = arith.constant 0 : index
    %get3A_6 = arith.constant 0 : index
    %get3A_7 = vector.load %arg2[%get3A_4, %get3A_5, %get3A_6] : memref<2x1000x128xf32, #tpu.memory_space<vmem>>, vector<1x1000x128xf32>
    %get3A_8 = vector.shape_cast %get3A_7 : vector<1x1000x128xf32> to vector<1000x128xf32>
    %slice3A = vector.extract_strided_slice %get3A_3 {offsets = [0, 0], sizes = [1000, 1], strides = [1, 1]} : vector<1000x128xf32> to vector<1000x1xf32>
    %slice3A_9 = vector.extract_strided_slice %get3A_8 {offsets = [0, 0], sizes = [1000, 1], strides = [1, 1]} : vector<1000x128xf32> to vector<1000x1xf32>
    %add3A = arith.addf %slice3A, %slice3A_9 : vector<1000x1xf32>
    %gt3A = arith.constant 0.000000e+00 : f32
    %gt3A_10 = vector.broadcast %gt3A : f32 to vector<1000x1xf32>
    %gt3A_11 = arith.cmpf ogt, %add3A, %gt3A_10 : vector<1000x1xf32>
    %rsqrt3A = math.rsqrt %add3A : vector<1000x1xf32>
    %jit3A = arith.constant 0.000000e+00 : f32
    %broadcast_in_dim3A = vector.broadcast %jit3A : f32 to vector<1000x1xf32>
    %select_n3A = arith.select %gt3A_11, %rsqrt3A, %broadcast_in_dim3A : vector<1000x1xi1>, vector<1000x1xf32>
    %get3A_12 = arith.constant 0 : index
    %get3A_13 = arith.constant 0 : index
    %get3A_14 = vector.load %arg3[%get3A_12, %get3A_13] : memref<1000x128xf32, #tpu.memory_space<vmem>>, vector<1000x128xf32>
    %get3A_15 = arith.constant 0 : index
    %get3A_16 = arith.constant 0 : index
    %get3A_17 = arith.constant 0 : index
    %get3A_18 = vector.load %arg1[%get3A_15, %get3A_16, %get3A_17] : memref<2x1000x128xf32, #tpu.memory_space<vmem>>, vector<1x1000x128xf32>
    %get3A_19 = vector.shape_cast %get3A_18 : vector<1x1000x128xf32> to vector<1000x128xf32>
    %get3A_20 = arith.constant 1 : index
    %get3A_21 = arith.constant 0 : index
    %get3A_22 = arith.constant 0 : index
    %get3A_23 = vector.load %arg1[%get3A_20, %get3A_21, %get3A_22] : memref<2x1000x128xf32, #tpu.memory_space<vmem>>, vector<1x1000x128xf32>
    %get3A_24 = vector.shape_cast %get3A_23 : vector<1x1000x128xf32> to vector<1000x128xf32>
    %add3A_25 = arith.addf %get3A_19, %get3A_24 : vector<1000x128xf32>
    %mul3A = vector.broadcast %select_n3A : vector<1000x1xf32> to vector<1000x128xf32>
    %mul3A_26 = arith.mulf %add3A_25, %mul3A : vector<1000x128xf32>
    %get3A_27 = arith.constant 0 : index
    %get3A_28 = arith.constant 0 : index
    %get3A_29 = vector.load %arg4[%get3A_27, %get3A_28] : memref<128x128xf32, #tpu.memory_space<vmem>>, vector<128x128xf32>
    %dot_general3A = arith.constant dense<0.000000e+00> : vector<1000x128xf32>
    %dot_general3A_30 = tpu.matmul %mul3A_26, %get3A_29, %dot_general3A {dimension_numbers = #tpu.dot_dimension_numbers<[1], [0], [0], [1], [0, 0, 1, 1], [], []>, transpose_lhs_hint = false} : vector<1000x128xf32>, vector<128x128xf32>, vector<1000x128xf32> -> vector<1000x128xf32>
    %get3A_31 = arith.constant 0 : index
    %get3A_32 = arith.constant 0 : index
    %get3A_33 = vector.load %arg5[%get3A_31, %get3A_32] : memref<128x128xf32, #tpu.memory_space<vmem>>, vector<128x128xf32>
    %dot_general3A_34 = arith.constant dense<0.000000e+00> : vector<1000x128xf32>
    %dot_general3A_35 = tpu.matmul %get3A_14, %get3A_33, %dot_general3A_34 {dimension_numbers = #tpu.dot_dimension_numbers<[1], [0], [0], [1], [0, 0, 1, 1], [], []>, transpose_lhs_hint = false} : vector<1000x128xf32>, vector<128x128xf32>, vector<1000x128xf32> -> vector<1000x128xf32>
    %add3A_36 = arith.addf %dot_general3A_30, %dot_general3A_35 : vector<1000x128xf32>
    %add3A_37 = arith.addf %add3A_36, %get3A_14 : vector<1000x128xf32>
    %max3A = arith.constant 0.000000e+00 : f32
    %max3A_38 = vector.broadcast %max3A : f32 to vector<1000x128xf32>
    %max3A_39 = arith.maximumf %add3A_37, %max3A_38 : vector<1000x128xf32>
    %swap3A = arith.constant 0 : index
    %swap3A_40 = arith.constant 0 : index
    %swap3A_41 = vector.load %arg6[%swap3A, %swap3A_40] : memref<1000x128xf32, #tpu.memory_space<vmem>>, vector<1000x128xf32>
    tpu.vector_store %arg6[%swap3A, %swap3A_40], %max3A_39 {strides = array<i32>} : memref<1000x128xf32, #tpu.memory_space<vmem>>, vector<1000x128xf32>,
    %mul3A_42 = vector.broadcast %select_n3A : vector<1000x1xf32> to vector<1000x128xf32>
    %mul3A_43 = arith.mulf %max3A_39, %mul3A_42 : vector<1000x128xf32>
    %swap3A_44 = arith.constant 0 : index
    %swap3A_45 = arith.constant 0 : index
    %swap3A_46 = vector.load %arg7[%swap3A_44, %swap3A_45] : memref<1000x128xf32, #tpu.memory_space<vmem>>, vector<1000x128xf32>
    tpu.vector_store %arg7[%swap3A_44, %swap3A_45], %mul3A_43 {strides = array<i32>} : memref<1000x128xf32, #tpu.memory_space<vmem>>, vector<1000x128xf32>,
    return
  }
  func.func @transform_0(%arg0: i32) -> (i32, i32, i32) {
    %c0_i32 = arith.constant 0 : i32
    %c0_i32_0 = arith.constant 0 : i32
    %c0_i32_1 = arith.constant 0 : i32
    return %c0_i32, %arg0, %c0_i32_0 : i32, i32, i32
  }
  func.func @transform_1(%arg0: i32) -> (i32, i32, i32) {
    %c0_i32 = arith.constant 0 : i32
    %c0_i32_0 = arith.constant 0 : i32
    %c0_i32_1 = arith.constant 0 : i32
    return %c0_i32, %arg0, %c0_i32_0 : i32, i32, i32
  }
  func.func @transform_2(%arg0: i32) -> (i32, i32) {
    %c0_i32 = arith.constant 0 : i32
    %c0_i32_0 = arith.constant 0 : i32
    return %arg0, %c0_i32 : i32, i32
  }
  func.func @transform_3(%arg0: i32) -> (i32, i32) {
    %c0_i32 = arith.constant 0 : i32
    %c0_i32_0 = arith.constant 0 : i32
    %c0_i32_1 = arith.constant 0 : i32
    return %c0_i32, %c0_i32_0 : i32, i32
  }
  func.func @transform_4(%arg0: i32) -> (i32, i32) {
    %c0_i32 = arith.constant 0 : i32
    %c0_i32_0 = arith.constant 0 : i32
    %c0_i32_1 = arith.constant 0 : i32
    return %c0_i32, %c0_i32_0 : i32, i32
  }
  func.func @transform_5(%arg0: i32) -> (i32, i32) {
    %c0_i32 = arith.constant 0 : i32
    %c0_i32_0 = arith.constant 0 : i32
    return %arg0, %c0_i32 : i32, i32
  }
  func.func @transform_6(%arg0: i32) -> (i32, i32) {
    %c0_i32 = arith.constant 0 : i32
    %c0_i32_0 = arith.constant 0 : i32
    return %arg0, %c0_i32 : i32, i32
  }
}

module attributes {stable_mosaic.version = 14 : i64} {
  func.func @_layer_body(%arg0: i32, %arg1: memref<2x1000x128xf32, #tpu.memory_space<vmem>>, %arg2: memref<2x1000x128xf32, #tpu.memory_space<vmem>>, %arg3: memref<1000x128xf32, #tpu.memory_space<vmem>>, %arg4: memref<128x128xf32, #tpu.memory_space<vmem>>, %arg5: memref<128x128xf32, #tpu.memory_space<vmem>>, %arg6: memref<1000x128xf32, #tpu.memory_space<vmem>>, %arg7: memref<1000x128xf32, #tpu.memory_space<vmem>>) attributes {dimension_semantics = [#tpu.dimension_semantics<arbitrary>], iteration_bounds = array<i64: 10>, scalar_prefetch = 0 : i64, scratch_operands = 0 : i64, tpu.core_type = #tpu.core_type<tc>, window_params = [{transform_indices = @transform_0, window_bounds = array<i64: 2, 1000, 128>}, {transform_indices = @transform_1, window_bounds = array<i64: 2, 1000, 128>}, {transform_indices = @transform_2, window_bounds = array<i64: 1000, 128>}, {pipeline_mode = #tpu.pipeline_mode<synchronous>, transform_indices = @transform_3, window_bounds = array<i64: 128, 128>}, {pipeline_mode = #tpu.pipeline_mode<synchronous>, transform_indices = @transform_4, window_bounds = array<i64: 128, 128>}, {transform_indices = @transform_5, window_bounds = array<i64: 1000, 128>}, {transform_indices = @transform_6, window_bounds = array<i64: 1000, 128>}]} {
    %get3A = arith.constant 0 : index
    %get3A_0 = arith.constant 0 : index
    %get3A_1 = arith.constant 0 : index
    %get3A_2 = vector.load %arg2[%get3A, %get3A_0, %get3A_1] : memref<2x1000x128xf32, #tpu.memory_space<vmem>>, vector<1x1000x128xf32>
    %get3A_3 = vector.shape_cast %get3A_2 : vector<1x1000x128xf32> to vector<1000x128xf32>
    %get3A_4 = arith.constant 1 : index
    %get3A_5 = arith.constant 0 : index
    %get3A_6 = arith.constant 0 : index
    %get3A_7 = vector.load %arg2[%get3A_4, %get3A_5, %get3A_6] : memref<2x1000x128xf32, #tpu.memory_space<vmem>>, vector<1x1000x128xf32>
    %get3A_8 = vector.shape_cast %get3A_7 : vector<1x1000x128xf32> to vector<1000x128xf32>
    %slice3A = vector.extract_strided_slice %get3A_3 {offsets = [0, 0], sizes = [1000, 1], strides = [1, 1]} : vector<1000x128xf32> to vector<1000x1xf32>
    %slice3A_9 = vector.extract_strided_slice %get3A_8 {offsets = [0, 0], sizes = [1000, 1], strides = [1, 1]} : vector<1000x128xf32> to vector<1000x1xf32>
    %add3A = arith.addf %slice3A, %slice3A_9 : vector<1000x1xf32>
    %gt3A = arith.constant 0.000000e+00 : f32
    %gt3A_10 = vector.broadcast %gt3A : f32 to vector<1000x1xf32>
    %gt3A_11 = arith.cmpf ogt, %add3A, %gt3A_10 : vector<1000x1xf32>
    %rsqrt3A = math.rsqrt %add3A : vector<1000x1xf32>
    %jit3A = arith.constant 0.000000e+00 : f32
    %broadcast_in_dim3A = vector.broadcast %jit3A : f32 to vector<1000x1xf32>
    %select_n3A = arith.select %gt3A_11, %rsqrt3A, %broadcast_in_dim3A : vector<1000x1xi1>, vector<1000x1xf32>
    %get3A_12 = arith.constant 0 : index
    %get3A_13 = arith.constant 0 : index
    %get3A_14 = vector.load %arg3[%get3A_12, %get3A_13] : memref<1000x128xf32, #tpu.memory_space<vmem>>, vector<1000x128xf32>
    %get3A_15 = arith.constant 0 : index
    %get3A_16 = arith.constant 0 : index
    %get3A_17 = arith.constant 0 : index
    %get3A_18 = vector.load %arg1[%get3A_15, %get3A_16, %get3A_17] : memref<2x1000x128xf32, #tpu.memory_space<vmem>>, vector<1x1000x128xf32>
    %get3A_19 = vector.shape_cast %get3A_18 : vector<1x1000x128xf32> to vector<1000x128xf32>
    %get3A_20 = arith.constant 1 : index
    %get3A_21 = arith.constant 0 : index
    %get3A_22 = arith.constant 0 : index
    %get3A_23 = vector.load %arg1[%get3A_20, %get3A_21, %get3A_22] : memref<2x1000x128xf32, #tpu.memory_space<vmem>>, vector<1x1000x128xf32>
    %get3A_24 = vector.shape_cast %get3A_23 : vector<1x1000x128xf32> to vector<1000x128xf32>
    %add3A_25 = arith.addf %get3A_19, %get3A_24 : vector<1000x128xf32>
    %mul3A = vector.broadcast %select_n3A : vector<1000x1xf32> to vector<1000x128xf32>
    %mul3A_26 = arith.mulf %add3A_25, %mul3A : vector<1000x128xf32>
    %get3A_27 = arith.constant 0 : index
    %get3A_28 = arith.constant 0 : index
    %get3A_29 = vector.load %arg4[%get3A_27, %get3A_28] : memref<128x128xf32, #tpu.memory_space<vmem>>, vector<128x128xf32>
    %dot_general3A = arith.constant dense<0.000000e+00> : vector<1000x128xf32>
    %dot_general3A_30 = tpu.matmul %mul3A_26, %get3A_29, %dot_general3A {dimension_numbers = #tpu.dot_dimension_numbers<[1], [0], [0], [1], [0, 0, 1, 1], [], []>, transpose_lhs_hint = false} : vector<1000x128xf32>, vector<128x128xf32>, vector<1000x128xf32> -> vector<1000x128xf32>
    %get3A_31 = arith.constant 0 : index
    %get3A_32 = arith.constant 0 : index
    %get3A_33 = vector.load %arg5[%get3A_31, %get3A_32] : memref<128x128xf32, #tpu.memory_space<vmem>>, vector<128x128xf32>
    %dot_general3A_34 = arith.constant dense<0.000000e+00> : vector<1000x128xf32>
    %dot_general3A_35 = tpu.matmul %get3A_14, %get3A_33, %dot_general3A_34 {dimension_numbers = #tpu.dot_dimension_numbers<[1], [0], [0], [1], [0, 0, 1, 1], [], []>, transpose_lhs_hint = false} : vector<1000x128xf32>, vector<128x128xf32>, vector<1000x128xf32> -> vector<1000x128xf32>
    %add3A_36 = arith.addf %dot_general3A_30, %dot_general3A_35 : vector<1000x128xf32>
    %add3A_37 = arith.addf %add3A_36, %get3A_14 : vector<1000x128xf32>
    %max3A = arith.constant 0.000000e+00 : f32
    %max3A_38 = vector.broadcast %max3A : f32 to vector<1000x128xf32>
    %max3A_39 = arith.maximumf %add3A_37, %max3A_38 : vector<1000x128xf32>
    %swap3A = arith.constant 0 : index
    %swap3A_40 = arith.constant 0 : index
    %swap3A_41 = vector.load %arg6[%swap3A, %swap3A_40] : memref<1000x128xf32, #tpu.memory_space<vmem>>, vector<1000x128xf32>
    tpu.vector_store %arg6[%swap3A, %swap3A_40], %max3A_39 {strides = array<i32>} : memref<1000x128xf32, #tpu.memory_space<vmem>>, vector<1000x128xf32>,
    %mul3A_42 = vector.broadcast %select_n3A : vector<1000x1xf32> to vector<1000x128xf32>
    %mul3A_43 = arith.mulf %max3A_39, %mul3A_42 : vector<1000x128xf32>
    %swap3A_44 = arith.constant 0 : index
    %swap3A_45 = arith.constant 0 : index
    %swap3A_46 = vector.load %arg7[%swap3A_44, %swap3A_45] : memref<1000x128xf32, #tpu.memory_space<vmem>>, vector<1000x128xf32>
    tpu.vector_store %arg7[%swap3A_44, %swap3A_45], %mul3A_43 {strides = array<i32>} : memref<1000x128xf32, #tpu.memory_space<vmem>>, vector<1000x128xf32>,
    return
  }
  func.func @transform_0(%arg0: i32) -> (i32, i32, i32) {
    %c0_i32 = arith.constant 0 : i32
    %c0_i32_0 = arith.constant 0 : i32
    %c0_i32_1 = arith.constant 0 : i32
    return %c0_i32, %arg0, %c0_i32_0 : i32, i32, i32
  }
  func.func @transform_1(%arg0: i32) -> (i32, i32, i32) {
    %c0_i32 = arith.constant 0 : i32
    %c0_i32_0 = arith.constant 0 : i32
    %c0_i32_1 = arith.constant 0 : i32
    return %c0_i32, %arg0, %c0_i32_0 : i32, i32, i32
  }
  func.func @transform_2(%arg0: i32) -> (i32, i32) {
    %c0_i32 = arith.constant 0 : i32
    %c0_i32_0 = arith.constant 0 : i32
    return %arg0, %c0_i32 : i32, i32
  }
  func.func @transform_3(%arg0: i32) -> (i32, i32) {
    %c0_i32 = arith.constant 0 : i32
    %c0_i32_0 = arith.constant 0 : i32
    %c0_i32_1 = arith.constant 0 : i32
    return %c0_i32, %c0_i32_0 : i32, i32
  }
  func.func @transform_4(%arg0: i32) -> (i32, i32) {
    %c0_i32 = arith.constant 0 : i32
    %c0_i32_0 = arith.constant 0 : i32
    %c0_i32_1 = arith.constant 0 : i32
    return %c0_i32, %c0_i32_0 : i32, i32
  }
  func.func @transform_5(%arg0: i32) -> (i32, i32) {
    %c0_i32 = arith.constant 0 : i32
    %c0_i32_0 = arith.constant 0 : i32
    return %arg0, %c0_i32 : i32, i32
  }
  func.func @transform_6(%arg0: i32) -> (i32, i32) {
    %c0_i32 = arith.constant 0 : i32
    %c0_i32_0 = arith.constant 0 : i32
    return %arg0, %c0_i32 : i32, i32
  }
}

module attributes {stable_mosaic.version = 14 : i64} {
  func.func @_dec_body(%arg0: i32, %arg1: memref<1000x128xf32, #tpu.memory_space<vmem>>, %arg2: memref<128x128xf32, #tpu.memory_space<vmem>>, %arg3: memref<1x128xf32, #tpu.memory_space<vmem>>, %arg4: memref<128x128xf32, #tpu.memory_space<vmem>>, %arg5: memref<1x128xf32, #tpu.memory_space<vmem>>, %arg6: memref<1x128xf32, #tpu.memory_space<vmem>>, %arg7: memref<1x128xf32, #tpu.memory_space<vmem>>, %arg8: memref<1x128xf32, #tpu.memory_space<vmem>>, %arg9: memref<1x128xf32, #tpu.memory_space<vmem>>, %arg10: memref<128x40xf32, #tpu.memory_space<vmem>>, %arg11: memref<1x40xf32, #tpu.memory_space<vmem>>, %arg12: memref<128x40xf32, #tpu.memory_space<vmem>>, %arg13: memref<1x40xf32, #tpu.memory_space<vmem>>, %arg14: memref<1000x128xf32, #tpu.memory_space<vmem>>, %arg15: memref<1000x128xf32, #tpu.memory_space<vmem>>, %arg16: memref<1000x40xf32, #tpu.memory_space<vmem>>, %arg17: memref<1000x40xf32, #tpu.memory_space<vmem>>) attributes {dimension_semantics = [#tpu.dimension_semantics<arbitrary>], iteration_bounds = array<i64: 10>, scalar_prefetch = 0 : i64, scratch_operands = 0 : i64, tpu.core_type = #tpu.core_type<tc>, window_params = [{transform_indices = @transform_0, window_bounds = array<i64: 1000, 128>}, {pipeline_mode = #tpu.pipeline_mode<synchronous>, transform_indices = @transform_1, window_bounds = array<i64: 128, 128>}, {pipeline_mode = #tpu.pipeline_mode<synchronous>, transform_indices = @transform_2, window_bounds = array<i64: 1, 128>}, {pipeline_mode = #tpu.pipeline_mode<synchronous>, transform_indices = @transform_3, window_bounds = array<i64: 128, 128>}, {pipeline_mode = #tpu.pipeline_mode<synchronous>, transform_indices = @transform_4, window_bounds = array<i64: 1, 128>}, {pipeline_mode = #tpu.pipeline_mode<synchronous>, transform_indices = @transform_5, window_bounds = array<i64: 1, 128>}, {pipeline_mode = #tpu.pipeline_mode<synchronous>, transform_indices = @transform_6, window_bounds = array<i64: 1, 128>}, {pipeline_mode = #tpu.pipeline_mode<synchronous>, transform_indices = @transform_7, window_bounds = array<i64: 1, 128>}, {pipeline_mode = #tpu.pipeline_mode<synchronous>, transform_indices = @transform_8, window_bounds = array<i64: 1, 128>}, {pipeline_mode = #tpu.pipeline_mode<synchronous>, transform_indices = @transform_9, window_bounds = array<i64: 128, 40>}, {pipeline_mode = #tpu.pipeline_mode<synchronous>, transform_indices = @transform_10, window_bounds = array<i64: 1, 40>}, {pipeline_mode = #tpu.pipeline_mode<synchronous>, transform_indices = @transform_11, window_bounds = array<i64: 128, 40>}, {pipeline_mode = #tpu.pipeline_mode<synchronous>, transform_indices = @transform_12, window_bounds = array<i64: 1, 40>}, {transform_indices = @transform_13, window_bounds = array<i64: 1000, 128>}, {transform_indices = @transform_14, window_bounds = array<i64: 1000, 128>}, {transform_indices = @transform_15, window_bounds = array<i64: 1000, 40>}, {transform_indices = @transform_16, window_bounds = array<i64: 1000, 40>}]} {
    %get3A = arith.constant 0 : index
    %get3A_0 = arith.constant 0 : index
    %get3A_1 = vector.load %arg1[%get3A, %get3A_0] : memref<1000x128xf32, #tpu.memory_space<vmem>>, vector<1000x128xf32>
    %get3A_2 = arith.constant 0 : index
    %get3A_3 = arith.constant 0 : index
    %get3A_4 = vector.load %arg2[%get3A_2, %get3A_3] : memref<128x128xf32, #tpu.memory_space<vmem>>, vector<128x128xf32>
    %dot_general3A = arith.constant dense<0.000000e+00> : vector<1000x128xf32>
    %dot_general3A_5 = tpu.matmul %get3A_1, %get3A_4, %dot_general3A {dimension_numbers = #tpu.dot_dimension_numbers<[1], [0], [0], [1], [0, 0, 1, 1], [], []>, transpose_lhs_hint = false} : vector<1000x128xf32>, vector<128x128xf32>, vector<1000x128xf32> -> vector<1000x128xf32>
    %add3A = arith.addf %get3A_1, %dot_general3A_5 : vector<1000x128xf32>
    %get3A_6 = arith.constant 0 : index
    %get3A_7 = arith.constant 0 : index
    %get3A_8 = vector.load %arg3[%get3A_6, %get3A_7] : memref<1x128xf32, #tpu.memory_space<vmem>>, vector<1x128xf32>
    %add3A_9 = vector.broadcast %get3A_8 : vector<1x128xf32> to vector<1000x128xf32>
    %add3A_10 = arith.addf %add3A, %add3A_9 : vector<1000x128xf32>
    %get3A_11 = arith.constant 0 : index
    %get3A_12 = arith.constant 0 : index
    %get3A_13 = vector.load %arg6[%get3A_11, %get3A_12] : memref<1x128xf32, #tpu.memory_space<vmem>>, vector<1x128xf32>
    %get3A_14 = arith.constant 0 : index
    %get3A_15 = arith.constant 0 : index
    %get3A_16 = vector.load %arg7[%get3A_14, %get3A_15] : memref<1x128xf32, #tpu.memory_space<vmem>>, vector<1x128xf32>
    %reduce_sum3A = arith.constant dense<0.000000e+00> : vector<1000xf32>
    %reduce_sum3A_17 = vector.multi_reduction <add>, %add3A_10, %reduce_sum3A [1] : vector<1000x128xf32> to vector<1000xf32>
    %broadcast_in_dim3A = vector.shape_cast %reduce_sum3A_17 : vector<1000xf32> to vector<1000x1xf32>
    %div3A = arith.constant 1.280000e+02 : f32
    %div3A_18 = vector.broadcast %div3A : f32 to vector<1000x1xf32>
    %div3A_19 = arith.divf %broadcast_in_dim3A, %div3A_18 : vector<1000x1xf32>
    %sub3A = vector.broadcast %div3A_19 : vector<1000x1xf32> to vector<1000x128xf32>
    %sub3A_20 = arith.subf %add3A_10, %sub3A : vector<1000x128xf32>
    %integer_pow3A = arith.mulf %sub3A_20, %sub3A_20 : vector<1000x128xf32>
    %reduce_sum3A_21 = arith.constant dense<0.000000e+00> : vector<1000xf32>
    %reduce_sum3A_22 = vector.multi_reduction <add>, %integer_pow3A, %reduce_sum3A_21 [1] : vector<1000x128xf32> to vector<1000xf32>
    %broadcast_in_dim3A_23 = vector.shape_cast %reduce_sum3A_22 : vector<1000xf32> to vector<1000x1xf32>
    %div3A_24 = arith.constant 1.280000e+02 : f32
    %div3A_25 = vector.broadcast %div3A_24 : f32 to vector<1000x1xf32>
    %div3A_26 = arith.divf %broadcast_in_dim3A_23, %div3A_25 : vector<1000x1xf32>
    %sub3A_27 = vector.broadcast %div3A_19 : vector<1000x1xf32> to vector<1000x128xf32>
    %sub3A_28 = arith.subf %add3A_10, %sub3A_27 : vector<1000x128xf32>
    %add3A_29 = arith.constant 9.99999974E-6 : f32
    %add3A_30 = vector.broadcast %add3A_29 : f32 to vector<1000x1xf32>
    %add3A_31 = arith.addf %div3A_26, %add3A_30 : vector<1000x1xf32>
    %rsqrt3A = math.rsqrt %add3A_31 : vector<1000x1xf32>
    %mul3A = vector.broadcast %rsqrt3A : vector<1000x1xf32> to vector<1000x128xf32>
    %mul3A_32 = arith.mulf %sub3A_28, %mul3A : vector<1000x128xf32>
    %mul3A_33 = vector.broadcast %get3A_13 : vector<1x128xf32> to vector<1000x128xf32>
    %mul3A_34 = arith.mulf %mul3A_32, %mul3A_33 : vector<1000x128xf32>
    %add3A_35 = vector.broadcast %get3A_16 : vector<1x128xf32> to vector<1000x128xf32>
    %add3A_36 = arith.addf %mul3A_34, %add3A_35 : vector<1000x128xf32>
    %get3A_37 = arith.constant 0 : index
    %get3A_38 = arith.constant 0 : index
    %get3A_39 = vector.load %arg4[%get3A_37, %get3A_38] : memref<128x128xf32, #tpu.memory_space<vmem>>, vector<128x128xf32>
    %dot_general3A_40 = arith.constant dense<0.000000e+00> : vector<1000x128xf32>
    %dot_general3A_41 = tpu.matmul %get3A_1, %get3A_39, %dot_general3A_40 {dimension_numbers = #tpu.dot_dimension_numbers<[1], [0], [0], [1], [0, 0, 1, 1], [], []>, transpose_lhs_hint = false} : vector<1000x128xf32>, vector<128x128xf32>, vector<1000x128xf32> -> vector<1000x128xf32>
    %add3A_42 = arith.addf %get3A_1, %dot_general3A_41 : vector<1000x128xf32>
    %get3A_43 = arith.constant 0 : index
    %get3A_44 = arith.constant 0 : index
    %get3A_45 = vector.load %arg5[%get3A_43, %get3A_44] : memref<1x128xf32, #tpu.memory_space<vmem>>, vector<1x128xf32>
    %add3A_46 = vector.broadcast %get3A_45 : vector<1x128xf32> to vector<1000x128xf32>
    %add3A_47 = arith.addf %add3A_42, %add3A_46 : vector<1000x128xf32>
    %get3A_48 = arith.constant 0 : index
    %get3A_49 = arith.constant 0 : index
    %get3A_50 = vector.load %arg8[%get3A_48, %get3A_49] : memref<1x128xf32, #tpu.memory_space<vmem>>, vector<1x128xf32>
    %get3A_51 = arith.constant 0 : index
    %get3A_52 = arith.constant 0 : index
    %get3A_53 = vector.load %arg9[%get3A_51, %get3A_52] : memref<1x128xf32, #tpu.memory_space<vmem>>, vector<1x128xf32>
    %reduce_sum3A_54 = arith.constant dense<0.000000e+00> : vector<1000xf32>
    %reduce_sum3A_55 = vector.multi_reduction <add>, %add3A_47, %reduce_sum3A_54 [1] : vector<1000x128xf32> to vector<1000xf32>
    %broadcast_in_dim3A_56 = vector.shape_cast %reduce_sum3A_55 : vector<1000xf32> to vector<1000x1xf32>
    %div3A_57 = arith.constant 1.280000e+02 : f32
    %div3A_58 = vector.broadcast %div3A_57 : f32 to vector<1000x1xf32>
    %div3A_59 = arith.divf %broadcast_in_dim3A_56, %div3A_58 : vector<1000x1xf32>
    %sub3A_60 = vector.broadcast %div3A_59 : vector<1000x1xf32> to vector<1000x128xf32>
    %sub3A_61 = arith.subf %add3A_47, %sub3A_60 : vector<1000x128xf32>
    %integer_pow3A_62 = arith.mulf %sub3A_61, %sub3A_61 : vector<1000x128xf32>
    %reduce_sum3A_63 = arith.constant dense<0.000000e+00> : vector<1000xf32>
    %reduce_sum3A_64 = vector.multi_reduction <add>, %integer_pow3A_62, %reduce_sum3A_63 [1] : vector<1000x128xf32> to vector<1000xf32>
    %broadcast_in_dim3A_65 = vector.shape_cast %reduce_sum3A_64 : vector<1000xf32> to vector<1000x1xf32>
    %div3A_66 = arith.constant 1.280000e+02 : f32
    %div3A_67 = vector.broadcast %div3A_66 : f32 to vector<1000x1xf32>
    %div3A_68 = arith.divf %broadcast_in_dim3A_65, %div3A_67 : vector<1000x1xf32>
    %sub3A_69 = vector.broadcast %div3A_59 : vector<1000x1xf32> to vector<1000x128xf32>
    %sub3A_70 = arith.subf %add3A_47, %sub3A_69 : vector<1000x128xf32>
    %add3A_71 = arith.constant 9.99999974E-6 : f32
    %add3A_72 = vector.broadcast %add3A_71 : f32 to vector<1000x1xf32>
    %add3A_73 = arith.addf %div3A_68, %add3A_72 : vector<1000x1xf32>
    %rsqrt3A_74 = math.rsqrt %add3A_73 : vector<1000x1xf32>
    %mul3A_75 = vector.broadcast %rsqrt3A_74 : vector<1000x1xf32> to vector<1000x128xf32>
    %mul3A_76 = arith.mulf %sub3A_70, %mul3A_75 : vector<1000x128xf32>
    %mul3A_77 = vector.broadcast %get3A_50 : vector<1x128xf32> to vector<1000x128xf32>
    %mul3A_78 = arith.mulf %mul3A_76, %mul3A_77 : vector<1000x128xf32>
    %add3A_79 = vector.broadcast %get3A_53 : vector<1x128xf32> to vector<1000x128xf32>
    %add3A_80 = arith.addf %mul3A_78, %add3A_79 : vector<1000x128xf32>
    %swap3A = arith.constant 0 : index
    %swap3A_81 = arith.constant 0 : index
    %swap3A_82 = vector.load %arg14[%swap3A, %swap3A_81] : memref<1000x128xf32, #tpu.memory_space<vmem>>, vector<1000x128xf32>
    tpu.vector_store %arg14[%swap3A, %swap3A_81], %add3A_36 {strides = array<i32>} : memref<1000x128xf32, #tpu.memory_space<vmem>>, vector<1000x128xf32>,
    %swap3A_83 = arith.constant 0 : index
    %swap3A_84 = arith.constant 0 : index
    %swap3A_85 = vector.load %arg15[%swap3A_83, %swap3A_84] : memref<1000x128xf32, #tpu.memory_space<vmem>>, vector<1000x128xf32>
    tpu.vector_store %arg15[%swap3A_83, %swap3A_84], %add3A_80 {strides = array<i32>} : memref<1000x128xf32, #tpu.memory_space<vmem>>, vector<1000x128xf32>,
    %get3A_86 = arith.constant 0 : index
    %get3A_87 = arith.constant 0 : index
    %get3A_88 = vector.load %arg10[%get3A_86, %get3A_87] : memref<128x40xf32, #tpu.memory_space<vmem>>, vector<128x40xf32>
    %dot_general3A_89 = arith.constant dense<0.000000e+00> : vector<1000x40xf32>
    %dot_general3A_90 = tpu.matmul %add3A_36, %get3A_88, %dot_general3A_89 {dimension_numbers = #tpu.dot_dimension_numbers<[1], [0], [0], [1], [0, 0, 1, 1], [], []>, transpose_lhs_hint = false} : vector<1000x128xf32>, vector<128x40xf32>, vector<1000x40xf32> -> vector<1000x40xf32>
    %get3A_91 = arith.constant 0 : index
    %get3A_92 = arith.constant 0 : index
    %get3A_93 = vector.load %arg11[%get3A_91, %get3A_92] : memref<1x40xf32, #tpu.memory_space<vmem>>, vector<1x40xf32>
    %add3A_94 = vector.broadcast %get3A_93 : vector<1x40xf32> to vector<1000x40xf32>
    %add3A_95 = arith.addf %dot_general3A_90, %add3A_94 : vector<1000x40xf32>
    %swap3A_96 = arith.constant 0 : index
    %swap3A_97 = arith.constant 0 : index
    %swap3A_98 = vector.load %arg16[%swap3A_96, %swap3A_97] : memref<1000x40xf32, #tpu.memory_space<vmem>>, vector<1000x40xf32>
    tpu.vector_store %arg16[%swap3A_96, %swap3A_97], %add3A_95 {strides = array<i32>} : memref<1000x40xf32, #tpu.memory_space<vmem>>, vector<1000x40xf32>,
    %get3A_99 = arith.constant 0 : index
    %get3A_100 = arith.constant 0 : index
    %get3A_101 = vector.load %arg12[%get3A_99, %get3A_100] : memref<128x40xf32, #tpu.memory_space<vmem>>, vector<128x40xf32>
    %dot_general3A_102 = arith.constant dense<0.000000e+00> : vector<1000x40xf32>
    %dot_general3A_103 = tpu.matmul %add3A_80, %get3A_101, %dot_general3A_102 {dimension_numbers = #tpu.dot_dimension_numbers<[1], [0], [0], [1], [0, 0, 1, 1], [], []>, transpose_lhs_hint = false} : vector<1000x128xf32>, vector<128x40xf32>, vector<1000x40xf32> -> vector<1000x40xf32>
    %get3A_104 = arith.constant 0 : index
    %get3A_105 = arith.constant 0 : index
    %get3A_106 = vector.load %arg13[%get3A_104, %get3A_105] : memref<1x40xf32, #tpu.memory_space<vmem>>, vector<1x40xf32>
    %add3A_107 = vector.broadcast %get3A_106 : vector<1x40xf32> to vector<1000x40xf32>
    %add3A_108 = arith.addf %dot_general3A_103, %add3A_107 : vector<1000x40xf32>
    %swap3A_109 = arith.constant 0 : index
    %swap3A_110 = arith.constant 0 : index
    %swap3A_111 = vector.load %arg17[%swap3A_109, %swap3A_110] : memref<1000x40xf32, #tpu.memory_space<vmem>>, vector<1000x40xf32>
    tpu.vector_store %arg17[%swap3A_109, %swap3A_110], %add3A_108 {strides = array<i32>} : memref<1000x40xf32, #tpu.memory_space<vmem>>, vector<1000x40xf32>,
    return
  }
  func.func @transform_0(%arg0: i32) -> (i32, i32) {
    %c0_i32 = arith.constant 0 : i32
    %c0_i32_0 = arith.constant 0 : i32
    return %arg0, %c0_i32 : i32, i32
  }
  func.func @transform_1(%arg0: i32) -> (i32, i32) {
    %c0_i32 = arith.constant 0 : i32
    %c0_i32_0 = arith.constant 0 : i32
    %c0_i32_1 = arith.constant 0 : i32
    return %c0_i32, %c0_i32_0 : i32, i32
  }
  func.func @transform_2(%arg0: i32) -> (i32, i32) {
    %c0_i32 = arith.constant 0 : i32
    %c0_i32_0 = arith.constant 0 : i32
    %c0_i32_1 = arith.constant 0 : i32
    return %c0_i32, %c0_i32_0 : i32, i32
  }
  func.func @transform_3(%arg0: i32) -> (i32, i32) {
    %c0_i32 = arith.constant 0 : i32
    %c0_i32_0 = arith.constant 0 : i32
    %c0_i32_1 = arith.constant 0 : i32
    return %c0_i32, %c0_i32_0 : i32, i32
  }
  func.func @transform_4(%arg0: i32) -> (i32, i32) {
    %c0_i32 = arith.constant 0 : i32
    %c0_i32_0 = arith.constant 0 : i32
    %c0_i32_1 = arith.constant 0 : i32
    return %c0_i32, %c0_i32_0 : i32, i32
  }
  func.func @transform_5(%arg0: i32) -> (i32, i32) {
    %c0_i32 = arith.constant 0 : i32
    %c0_i32_0 = arith.constant 0 : i32
    %c0_i32_1 = arith.constant 0 : i32
    return %c0_i32, %c0_i32_0 : i32, i32
  }
  func.func @transform_6(%arg0: i32) -> (i32, i32) {
    %c0_i32 = arith.constant 0 : i32
    %c0_i32_0 = arith.constant 0 : i32
    %c0_i32_1 = arith.constant 0 : i32
    return %c0_i32, %c0_i32_0 : i32, i32
  }
  func.func @transform_7(%arg0: i32) -> (i32, i32) {
    %c0_i32 = arith.constant 0 : i32
    %c0_i32_0 = arith.constant 0 : i32
    %c0_i32_1 = arith.constant 0 : i32
    return %c0_i32, %c0_i32_0 : i32, i32
  }
  func.func @transform_8(%arg0: i32) -> (i32, i32) {
    %c0_i32 = arith.constant 0 : i32
    %c0_i32_0 = arith.constant 0 : i32
    %c0_i32_1 = arith.constant 0 : i32
    return %c0_i32, %c0_i32_0 : i32, i32
  }
  func.func @transform_9(%arg0: i32) -> (i32, i32) {
    %c0_i32 = arith.constant 0 : i32
    %c0_i32_0 = arith.constant 0 : i32
    %c0_i32_1 = arith.constant 0 : i32
    return %c0_i32, %c0_i32_0 : i32, i32
  }
  func.func @transform_10(%arg0: i32) -> (i32, i32) {
    %c0_i32 = arith.constant 0 : i32
    %c0_i32_0 = arith.constant 0 : i32
    %c0_i32_1 = arith.constant 0 : i32
    return %c0_i32, %c0_i32_0 : i32, i32
  }
  func.func @transform_11(%arg0: i32) -> (i32, i32) {
    %c0_i32 = arith.constant 0 : i32
    %c0_i32_0 = arith.constant 0 : i32
    %c0_i32_1 = arith.constant 0 : i32
    return %c0_i32, %c0_i32_0 : i32, i32
  }
  func.func @transform_12(%arg0: i32) -> (i32, i32) {
    %c0_i32 = arith.constant 0 : i32
    %c0_i32_0 = arith.constant 0 : i32
    %c0_i32_1 = arith.constant 0 : i32
    return %c0_i32, %c0_i32_0 : i32, i32
  }
  func.func @transform_13(%arg0: i32) -> (i32, i32) {
    %c0_i32 = arith.constant 0 : i32
    %c0_i32_0 = arith.constant 0 : i32
    return %arg0, %c0_i32 : i32, i32
  }
  func.func @transform_14(%arg0: i32) -> (i32, i32) {
    %c0_i32 = arith.constant 0 : i32
    %c0_i32_0 = arith.constant 0 : i32
    return %arg0, %c0_i32 : i32, i32
  }
  func.func @transform_15(%arg0: i32) -> (i32, i32) {
    %c0_i32 = arith.constant 0 : i32
    %c0_i32_0 = arith.constant 0 : i32
    return %arg0, %c0_i32 : i32, i32
  }
  func.func @transform_16(%arg0: i32) -> (i32, i32) {
    %c0_i32 = arith.constant 0 : i32
    %c0_i32_0 = arith.constant 0 : i32
    return %arg0, %c0_i32 : i32, i32
  }
}

</mosaic_0001>

<sc_bundles>
// kernel: kernel.12.cloned.1.call-start
scs
__scs_entry_jumppad:
0x0: {  	(pc) =	sbr.rel $0x88, $3  }
0x1: {  	(tag) =	ssettag $0x0;
	lr =	simm.s32 $0x1  }
0x2: {  	[smem:$0x3F8F] =	sst lr;
	_ =	strace $0xD0000000  }
0x3: {  	_ = 	snop  }
0x4: {  	_ = 	snop  }
0x5: {  	_ = 	snop  }
0x6: {  	_ = 	snop  }
0x7: {  	_ = 	snop  }
__scs_overlays_trampoline_lowered:
0x8: {  	[smem:$0x3F9E] =	sst s0  }
0x9: {  	[smem:$0x3F9F] =	sst s1  }
0xa: {  	[smem:$0x3FA0] =	sst s2  }
0xb: {  	[smem:$0x3FA1] =	sst s3  }
0xc: {  	[smem:$0x3FA2] =	sst s4  }
0xd: {  	[smem:$0x3FA3] =	sst s5  }
0xe: {  	[smem:$0x3FA4] =	sst s6  }
0xf: {  	[smem:$0x3FA5] =	sst s7  }
0x10: {  	[smem:$0x3FA6] =	sst s8  }
0x11: {  	[smem:$0x3FA7] =	sst s9;
	s0 =	simm.s32 @!p0 $0x0  }
0x12: {  	s1 =	sld [smem:$0x3F8D];
	s0 =	simm.s32 @p0 $0x1  }
0x13: {  	[smem:$0x3FA8] =	sst s0;
	s0 =	simm.s32 @!p1 $0x0  }
0x14: {  	s2 =	sld [smem:$0x3F8C];
	s0 =	simm.s32 @p1 $0x1  }
0x15: {  	[smem:$0x3FA9] =	sst s0;
	s0 =	simm.s32 @!p2 $0x0  }
0x16: {  	s3 =	sld [smem:$0x3FDB];
	s0 =	simm.s32 @p2 $0x1  }
0x17: {  	s4 =	simm.s32 $0x1BF5;
	[smem:$0x3FAB] =	sst s0  }
0x18: {  	s0 =	sld [smem:$0x3F8E];
	_ =	swait.ge [sflag:s4], $0x0  }
0x19: {  	s7 =	sld [smem:$0x3F8F]  }
0x1a: {  	s8 =	sadd.s32 $0xFFFFE003, lr  }
0x1b: {  	s9 =	sadd.s32 $0xFFFFFEF7, lr;
	s5 =	simm.s32 $0xFFFFFFFF;
	p2 =	slt.u32 s8, $0xFFFFF086  }
0x1c: {  	p1 =	slt.u32 s9, $0xF7A;
	s5 =	simm.s32 @!p2 $0x0  }
0x1d: {  	s5 =	simm.s32 @p1 $0x1;
	p0 =	seq.s32 s7, s2  }
0x1e: {  	s7 =	smul.u32 @!p0 $0xF7A, s2;
	p2 =	seq.s32 @!p0 s5, $0x0  }
0x1f: {  	s9 =	smul.u32 $0xF7A, s1;
	s8 =	simm.s32 @!p0 $0x1BF5;
	p2 =	por !p2, p0  }
0x20: {  	[sflag:s8] =	ssyncset.s32 @!p0 $0xFFFFF086;
	s6 =	sadd.s32 @!p0 s3, s7;
	s7 =	simm.s32 @!p0 $0x108  }
0x21: {  	s3 =	sadd.s32 s3, s9;
	s6 =	sadd.s32 @!p0 $0x88, s6;
	s7 =	simm.s32 @p2 $0x1082  }
0x22: {  	[simem:s7], [sflag:s8] =	dma.local @!p0 [hbm:s6], $0xF7A  }
0x23: {  	s9 =	sor.u32 $0xD0000000, s2;
	s6 =	simm.s32 $0x108;
	_ =	swait.ge @!p0 [sflag:s8], $0x0  }
0x24: {  	s3 =	sadd.s32 $0x88, s3;
	s6 =	simm.s32 @!p1 $0x1082;
	[sflag:s4] =	ssyncset.s32 $0xFFFFF086  }
0x25: {  	[simem:s6], [sflag:s4] =	dma.local [hbm:s3], $0xF7A  }
0x26: {  	[smem:$0x3F8F] =	sst s1;
	(tag) =	ssettag s2;
	_ =	strace s9  }
0x27: {  	s1 =	sld [smem:$0x3F9F]  }
0x28: {  	s2 =	sld [smem:$0x3FA0]  }
0x29: {  	s4 =	sld [smem:$0x3FA2]  }
0x2a: {  	p0 =	seq.s32 s5, $0x0;
	s5 =	sld [smem:$0x3FA3]  }
0x2b: {  	s6 =	sld [smem:$0x3FA4]  }
0x2c: {  	s7 =	sld [smem:$0x3FA5]  }
0x2d: {  	s3 =	simm.s32 $0x108;
	s8 =	sld [smem:$0x3FA6]  }
0x2e: {  	s3 =	simm.s32 @!p0 $0x1082;
	s9 =	sld [smem:$0x3FA7]  }
0x2f: {  	lr =	sadd.s32 s0, s3;
	s0 =	sld [smem:$0x3F9E]  }
0x30: {  	s3 =	sld [smem:$0x3FA1]  }
0x31: {  	[smem:$0x3FAA] =	sst s10  }
0x32: {  	s10 =	sld [smem:$0x3FA8];
	_ =	sdelay $0x3  }
0x33: {  	p0 =	seq.s32 s10, $0x1;
	s10 =	sld [smem:$0x3FAA];
	_ =	sdelay $0x3  }
0x34: {  	[smem:$0x3FAA] =	sst s10  }
0x35: {  	s10 =	sld [smem:$0x3FA9];
	_ =	sdelay $0x3  }
0x36: {  	p1 =	seq.s32 s10, $0x1;
	s10 =	sld [smem:$0x3FAA];
	_ =	sdelay $0x3  }
0x37: {  	[smem:$0x3FAA] =	sst s10  }
0x38: {  	s10 =	sld [smem:$0x3FAB]  }
0x39: {  	_ = 	snop;
	(pc) =	sbr.ind lr, $3  }
0x3a: {  	_ = 	snop  }
0x3b: {  	_ = 	snop  }
0x3c: {  	p2 =	seq.s32 s10, $0x1;
	s10 =	sld [smem:$0x3FAA]  }
0x3d: {  	_ =	shalt  }
0x3e: {  	_ =	shalt  }
0x3f: {  	_ =	shalt  }
0x40: {  	_ =	shalt  }
0x41: {  	_ =	shalt  }
0x42: {  	_ =	shalt  }
0x43: {  	_ =	shalt  }
0x44: {  	_ =	shalt  }
0x45: {  	_ =	shalt  }
0x46: {  	_ =	shalt  }
0x47: {  	_ =	shalt  }
0x48: {  	_ =	shalt  }
0x49: {  	_ =	shalt  }
0x4a: {  	_ =	shalt  }
0x4b: {  	_ =	shalt  }
0x4c: {  	_ =	shalt  }
0x4d: {  	_ =	shalt  }
0x4e: {  	_ =	shalt  }
0x4f: {  	_ =	shalt  }
0x50: {  	_ =	shalt  }
0x51: {  	_ =	shalt  }
0x52: {  	_ =	shalt  }
0x53: {  	_ =	shalt  }
0x54: {  	_ =	shalt  }
0x55: {  	_ =	shalt  }
0x56: {  	_ =	shalt  }
0x57: {  	_ =	shalt  }
0x58: {  	_ =	shalt  }
0x59: {  	_ =	shalt  }
0x5a: {  	_ =	shalt  }
0x5b: {  	_ =	shalt  }
0x5c: {  	_ =	shalt  }
0x5d: {  	_ =	shalt  }
0x5e: {  	_ =	shalt  }
0x5f: {  	_ =	shalt  }
0x60: {  	_ =	shalt  }
0x61: {  	_ =	shalt  }
0x62: {  	_ =	shalt  }
0x63: {  	_ =	shalt  }
0x64: {  	_ =	shalt  }
0x65: {  	_ =	shalt  }
0x66: {  	_ =	shalt  }
0x67: {  	_ =	shalt  }
0x68: {  	_ =	shalt  }
0x69: {  	_ =	shalt  }
0x6a: {  	_ =	shalt  }
0x6b: {  	_ =	shalt  }
0x6c: {  	_ =	shalt  }
0x6d: {  	_ =	shalt  }
0x6e: {  	_ =	shalt  }
0x6f: {  	_ =	shalt  }
0x70: {  	_ =	shalt  }
0x71: {  	_ =	shalt  }
0x72: {  	_ =	shalt  }
0x73: {  	_ =	shalt  }
0x74: {  	_ =	shalt  }
0x75: {  	_ =	shalt  }
0x76: {  	_ =	shalt  }
0x77: {  	_ =	shalt  }
0x78: {  	_ =	shalt  }
0x79: {  	_ =	shalt  }
0x7a: {  	_ =	shalt  }
0x7b: {  	_ =	shalt  }
0x7c: {  	_ =	shalt  }
0x7d: {  	_ =	shalt  }
0x7e: {  	_ =	shalt  }
0x7f: {  	_ =	shalt  }
0x80: {  	_ =	shalt  }
0x81: {  	_ =	shalt  }
0x82: {  	_ =	shalt  }
0x83: {  	_ =	shalt  }
0x84: {  	_ =	shalt  }
0x85: {  	_ =	shalt  }
0x86: {  	_ =	shalt  }
0x87: {  	_ =	shalt  }
.Lfunc_end0:
.L_simem_size_0:
called_computation.1_lowered:
.L_overlay_start_0:
0x88: {  	s2 =	sld [smem:$0x3FD9]  }
0x89: {  	s3 =	sld [smem:$0x3FFE];
	_ =	sdelay $0x1  }
0x8a: {  	s1 =	srdreg.scid  }
0x8b: {  	s0 =	sand.u32 $0x1, s1  }
0x8c: {  	s14 =	sshll.u32 s0, $0xA;
	s2 =	sadd.s32 s3, s2  }
0x8d: {  	s2 =	sadd.s32 s2, s14  }
0x8e: {  	[smem:$0x3FB6] =	sst s2  }
0x8f: {  	_ = 	snop  }
0x90: {  	s2 =	sld [smem:$0x3FD0];
	_ =	sdelay $0x2  }
0x91: {  	s15 =	simm.s32 $0xA;
	s4 =	simm.s32 $0x10  }
0x92: {  	[smem:s4], [sflag:s15] =	dma.local [hbm:s2], $0x1  }
0x93: {  	_ =	swait.eq [sflag:s15], $0x1  }
0x94: {  	[sflag:s15] =	ssyncset.done $0x0  }
0x95: {  	s16 =	sld [smem:$0x10];
	[sflag:s15] =	ssyncadd.s32 $0xFFFFFFFF  }
0x96: {  	s17 =	sld [smem:$0x11];
	(tm) =	ssettm $0x1  }
0x97: {  	s18 =	sld [smem:$0x3FFB];
	_ =	sdelay $0x3  }
0x98: {  	_ =	strace s18  }
0x99: {  	s4 =	sld [smem:$0x3FFC];
	_ =	sdelay $0x3  }
0x9a: {  	_ =	strace s4  }
0x9b: {  	s4 =	sld [smem:$0x3FFD];
	_ =	sdelay $0x3  }
0x9c: {  	_ =	strace s4  }
0x9d: {  	_ =	strace $0x8FFFFFFF  }
0x9e: {  	s19 =	sld [smem:$0x3FDB];
	_ =	sdelay $0x1  }
0x9f: {  	s5 =	simm.s32 $_scs_section_size  }
0xa0: {  	s6 =	simm.s32 $_size__tile_overlayer_lowered;
	s7 =	simm.s32 $_tile_overlayer_lowered  }
0xa1: {  	s22 =	simm.s32 $0x1BFF;
	s21 =	sshll.u32 s7, $0x1;
	s4 =	sadd.s32 s5, s19  }
0xa2: {  	s8 =	simm.s32 $0x0;
	s20 =	sshll.u32 s6, $0x1;
	s6 =	sadd.s32 s21, s4  }
0xa3: {  	[timem:s8], [sflag:s22] =	dma.local [hbm:s6], s20  }
0xa4: {  	_ =	swait.ge [sflag:s22], s20  }
0xa5: {  	s5 =	ssub.s32 $0x0, s20;
	[sflag:s22] =	ssyncset.done $0x0  }
0xa6: {  	[sflag:s22] =	ssyncadd.s32 s5;
	_ =	sdelay $0x1  }
0xa7: {  	s23 =	simm.s32 $0x1B8B  }
0xa8: {  	_ =	swait.ge [sflag:s23], $0x1  }
0xa9: {  	[sflag:s23] =	ssyncset.done $0x0  }
0xaa: {  	s25 =	simm.s32 $0x1B8E;
	s24 =	sld [smem:$0x3FFE];
	[sflag:s23] =	ssyncadd.s32 $0xFFFFFFFF  }
0xab: {  	s26 =	simm.s32 $execute0_lowered;
	[smem:$0x3FD2] =	sst s25  }
0xac: {  	s6 =	sshll.u32 s26, $0x1;
	_ =	strace $0x80000049;
	[dreg:$0x1] =	wrdreg $0xFFFFFFFF  }
0xad: {  	s28 =	simm.s32 $_size_execute0_lowered;
	s4 =	sadd.s32 s4, s6;
	[dreg:$0x0] =	wrdreg $0x0  }
0xae: {  	s6 =	sshll.u32 s28, $0x1;
	[dreg:$0x2] =	wrdreg s4  }
0xaf: {  	[dreg:$0x3] =	wrdreg s6  }
0xb0: {  	[dreg:$0x4] =	wrdreg $0xC0  }
0xb1: {  	_ =	task [dreg:s8], $0x5FFFF  }
0xb2: {  	[dreg:$0x1] =	wrdreg $0xFFFFFFFF  }
0xb3: {  	[dreg:$0x0] =	wrdreg $0x60  }
0xb4: {  	[dreg:$0x2] =	wrdreg s16  }
0xb5: {  	[dreg:$0x3] =	wrdreg s17  }
0xb6: {  	[dreg:$0x4] =	wrdreg s24  }
0xb7: {  	[dreg:$0x5] =	wrdreg $0xA8000  }
0xb8: {  	[dreg:$0x6] =	wrdreg $0x9  }
0xb9: {  	_ =	task.clear_ibuf [dreg:s8], $0x7FFFF;
	_ =	strace $0x90000049  }
0xba: {  	s29 =	simm.s32 $0x9;
	_ =	strace $0x8000004B  }
0xbb: {  	_ =	swait.ge [sflag:s29], $0x1  }
0xbc: {  	[sflag:s29] =	ssyncadd.s32 $0xFFFFFFFF  }
0xbd: {  	_ =	strace $0x9000004B  }
0xbe: {  	_ =	sfence  }
0xbf: {  	s30 =	sld [smem:$0x0];
	_ =	sdelay $0x2  }
0xc0: {  	s31 =	sshll.u32 s1, $0xD;
	s1 =	sshrl.u32 s1, $0x2  }
0xc1: {  	s3 =	sand.u32 $0x4000, s31;
	s1 =	sadd.s32 s1, s30  }
0xc2: {  	s0 =	sor.u32 s3, s0;
	s1 =	sshll.u32 s1, $0x11  }
0xc3: {  	s0 =	sor.u32 s1, s0  }
0xc4: {  	s0 =	sadd.s32 $0x8F2B, s0  }
0xc5: {  	[sflag:s0] =	ssyncadd.remote.s32 $0x1  }
0xc6: {  	_ =	sfence.sel $0xFFFF  }
0xc7: {  	[dreg:$0x0] =	wrdreg $0xFFFFFFFF;
	(pc) =	sbr.abs _section_cstart, $3  }
0xc8: {  	[dreg:$0x1] =	wrdreg $0xFFFFFFFF  }
0xc9: {  	_ =	task.clear_ibuf [dreg:s8], $0x2FFFF;
	_ =	strace $0x9FFFFFFF  }
0xca: {  	(tm) =	ssettm $0x7FFFFFFF  }
0xcb: {  	_ =	shalt  }
tec
execute0_lowered:
.L_overlay_start_1:
0x0: {  	(tag) =	ssettag $0x1  }
0x1: {  	s7 =	rddreg [dreg:$0x0]  }
0x2: {  	s1 =	rddreg [dreg:$0x1]  }
0x3: {  	s5 =	rddreg [dreg:$0x2]  }
0x4: {  	s3 =	rddreg [dreg:$0x3]  }
0x5: {  	s0 =	rddreg [dreg:$0x4];
	s4 =	simm.s32 $0x0  }
0x6: {  	s2 =	stileid.u32;
	s6 =	srdreg.scid;
	s14 =	simm.s32 $0x1  }
0x7: {  	s15 =	simm.s32 $0x2;
	s17 =	simm.s32 $0x2600;
	s18 =	simm.s32 $0x2680  }
0x8: {  	[smem:$0x7FF] =	sst s4;
	s19 =	smul.u32 $0x2780, s2;
	s6 =	sand.u32 $0x1, s6  }
0x9: {  	s12 =	smul.u32 $0x4F000, s2;
	s13 =	sshll.u32 s2, $0x1;
	s29 =	sshll.u32 s2, $0x6  }
0xa: {  	_ =	strace $0x8000004A;
	s9 =	smul.u32 $0x27800, s6;
	s10 =	ssub.s32 $0x2, s6  }
0xb: {  	s26 =	sor.u32 s6, s13;
	s6 =	sor.u32 $0x1C03, s29;
	s13 =	simm.s32 $0x6800  }
0xc: {  	s8 =	sadd.s32 s19, s5;
	s11 =	sshrl.u32 s10, $0x1;
	s28 =	sshrl.u32 s12, $0x2  }
0xd: {  	s30 =	smul.u32 $0x9E0, s26;
	s12 =	simm.s32 $0x2800;
	s9 =	sadd.s32 s9, s5  }
0xe: {  	s10 =	ssub.s32 s10, s11;
	s31 =	sadd.s32 s28, s3;
	s5 =	sadd.s32 $0x3600, s8  }
0xf: {  	s11 =	simm.s32 $0x80;
	s7 =	sadd.s32 s7, s30;
	s20 =	sadd.s32 $0x79E00, s9  }
0x10: {  	s8 =	smax.u32 s10, $0x1;
	s9 =	sshrl.u32 s31, $0x3;
	s10 =	simm.s32 $0x3  }
0x11: {  	s16 =	sadd.s32 $0x500, s7;
	s19 =	sadd.s32 s19, s20;
	s20 =	simm.s32 $0x0  }
.LBB2_1:
0x12: {  	[spmem:s9], [sflag:s6] =	dma.local [hbm:s5], $0x2780  }
0x13: {  	_ =	swait.ge [sflag:s10], $0x2780  }
0x14: {  	[sflag:s10] =	ssyncset.done $0x0  }
0x15: {  	[sflag:s10] =	ssyncadd.s32 $0xFFFFD880  }
0x16: {  	[bflag:$0x0] =	sbarrier.arrive $0xFFFF  }
0x17: {  	[tilespmem:s4], [sflag:$0x3] =	stream.linear.gather [hbm4b:s7+s4], $0x2800, $0x38;
	[tilespmem:$0x1E400] =	vst v63  }
0x18: {  	_ =	swait.ge [sflag:s10], $0x2800  }
0x19: {  	[sflag:s10] =	ssyncset.done $0x0  }
0x1a: {  	s21 =	simm.s32 $0x0;
	[sflag:s10] =	ssyncadd.s32 $0xFFFFD800  }
0x1b: {  	[tilespmem:s12], [sflag:$0x1] =	stream.indirect.gather [hbm4b:s1+s11], $0x80, s21, s11, $0xb8;
	[tilespmem:$0x1E400] =	vst v63  }
0x1c: {  	s29 =	simm.s32 $0x100  }
0x1d: {  	[tilespmem:s13], [sflag:$0x2] =	stream.indirect.gather [hbm4b:s1+s11], $0x80, s29, s11, $0xb8;
	[tilespmem:$0x1E400] =	vst v63  }
0x1e: {  	_ =	swait.ge [sflag:s14], $0x4000  }
0x1f: {  	[sflag:s14] =	ssyncset.done $0x0  }
0x20: {  	s30 =	simm.s32 $0x80;
	[sflag:s14] =	ssyncadd.s32 $0xFFFFC000  }
0x21: {  	[spmem:s3] =	stream.indirect.scatter.add.f32 [tilespmem:s12], [sflag:$0x3], $0x80, s30, s11, $0xb8;
	[tilespmem:$0x1E400] =	vst v63  }
0x22: {  	_ =	swait.ge [sflag:s10], $0x4000  }
0x23: {  	[sflag:s10] =	ssyncset.done $0x0  }
0x24: {  	[sflag:s10] =	ssyncadd.s32 $0xFFFFC000  }
0x25: {  	_ =	swait.ge [sflag:s15], $0x4000  }
0x26: {  	[sflag:s15] =	ssyncset.done $0x0  }
0x27: {  	s31 =	simm.s32 $0x180;
	[sflag:s15] =	ssyncadd.s32 $0xFFFFC000  }
0x28: {  	[spmem:s3] =	stream.indirect.scatter.add.f32 [tilespmem:s13], [sflag:$0x3], $0x80, s31, s11, $0xb8;
	[tilespmem:$0x1E400] =	vst v63  }
0x29: {  	_ =	swait.ge [sflag:s10], $0x4000  }
0x2a: {  	s22 =	simm.s32 $0x1000;
	s21 =	simm.s32 $0x800;
	[sflag:s10] =	ssyncset.done $0x0  }
.LBB2_2:
0x2b: {  	s23 =	sshra.s32 s21, $0x2  }
0x2c: {  	[sflag:s10] =	ssyncadd.s32 $0xFFFFC000;
	s21 =	smov.u32 s22;
	s24 =	sadd.s32 $0x800, s22  }
0x2d: {  	[tilespmem:s12], [sflag:$0x1] =	stream.indirect.gather [hbm4b:s1+s11], $0x80, s23, s11, $0xb8;
	[tilespmem:$0x1E400] =	vst v63  }
0x2e: {  	p0 =	sne.s32 s22, $0x9800;
	s22 =	sadd.s32 $0x100, s23  }
0x2f: {  	[tilespmem:s13], [sflag:$0x2] =	stream.indirect.gather [hbm4b:s1+s11], $0x80, s22, s11, $0xb8;
	[tilespmem:$0x1E400] =	vst v63  }
0x30: {  	_ =	swait.ge [sflag:s14], $0x4000  }
0x31: {  	[sflag:s14] =	ssyncset.done $0x0  }
0x32: {  	s22 =	sadd.s32 $0x80, s23;
	[sflag:s14] =	ssyncadd.s32 $0xFFFFC000  }
0x33: {  	[spmem:s3] =	stream.indirect.scatter.add.f32 [tilespmem:s12], [sflag:$0x3], $0x80, s22, s11, $0xb8;
	[tilespmem:$0x1E400] =	vst v63  }
0x34: {  	_ =	swait.ge [sflag:s10], $0x4000  }
0x35: {  	[sflag:s10] =	ssyncset.done $0x0  }
0x36: {  	[sflag:s10] =	ssyncadd.s32 $0xFFFFC000  }
0x37: {  	_ =	swait.ge [sflag:s15], $0x4000  }
.Ltmp0:
0x38: {  	[sflag:s15] =	ssyncset.done $0x0;
	(pc) =	sbr.rel @p0 .LBB2_2-.Ltmp0, $4  }
0x39: {  	s22 =	sadd.s32 $0x180, s23;
	[sflag:s15] =	ssyncadd.s32 $0xFFFFC000  }
0x3a: {  	[spmem:s3] =	stream.indirect.scatter.add.f32 [tilespmem:s13], [sflag:$0x3], $0x80, s22, s11, $0xb8;
	[tilespmem:$0x1E400] =	vst v63  }
0x3b: {  	_ =	swait.ge [sflag:s10], $0x4000  }
0x3c: {  	s22 =	smov.u32 s24;
	[sflag:s10] =	ssyncset.done $0x0  }
0x3d: {  	s21 =	sshra.s32 s21, $0x2;
	[sflag:s10] =	ssyncadd.s32 $0xFFFFC000  }
0x3e: {  	[tilespmem:s12], [sflag:$0x1] =	stream.indirect.gather [hbm4b:s1+s11], $0x80, s21, s11, $0xb8;
	[tilespmem:$0x1E400] =	vst v63  }
0x3f: {  	s22 =	sadd.s32 $0x100, s21  }
0x40: {  	[tilespmem:s13], [sflag:$0x2] =	stream.indirect.gather [hbm4b:s1+s11], $0x80, s22, s11, $0xb8;
	[tilespmem:$0x1E400] =	vst v63  }
0x41: {  	_ =	swait.ge [sflag:s14], $0x4000  }
0x42: {  	[sflag:s14] =	ssyncset.done $0x0  }
0x43: {  	s25 =	sadd.s32 $0x80, s21;
	[sflag:s14] =	ssyncadd.s32 $0xFFFFC000  }
0x44: {  	[spmem:s3] =	stream.indirect.scatter.add.f32 [tilespmem:s12], [sflag:$0x3], $0x80, s25, s11, $0xb8;
	[tilespmem:$0x1E400] =	vst v63  }
0x45: {  	_ =	swait.ge [sflag:s10], $0x4000  }
0x46: {  	[sflag:s10] =	ssyncset.done $0x0  }
0x47: {  	[sflag:s10] =	ssyncadd.s32 $0xFFFFC000  }
0x48: {  	_ =	swait.ge [sflag:s15], $0x4000  }
0x49: {  	[sflag:s15] =	ssyncset.done $0x0  }
0x4a: {  	s21 =	sadd.s32 $0x180, s21;
	[sflag:s15] =	ssyncadd.s32 $0xFFFFC000  }
0x4b: {  	[spmem:s3] =	stream.indirect.scatter.add.f32 [tilespmem:s13], [sflag:$0x3], $0x80, s21, s11, $0xb8;
	[tilespmem:$0x1E400] =	vst v63  }
0x4c: {  	_ =	swait.ge [sflag:s10], $0x4000  }
0x4d: {  	[sflag:s10] =	ssyncset.done $0x0  }
0x4e: {  	s26 =	simm.s32 $0x0;
	[sflag:s10] =	ssyncadd.s32 $0xFFFFC000  }
0x4f: {  	[tilespmem:s26], [sflag:$0x3] =	stream.linear.gather [hbm4b:s16+s26], $0x2700, $0x38;
	[tilespmem:$0x1E400] =	vst v63  }
0x50: {  	_ =	swait.ge [sflag:s10], $0x2700  }
0x51: {  	[sflag:s10] =	ssyncset.done $0x0  }
0x52: {  	s28 =	simm.s32 $0x0;
	[sflag:s10] =	ssyncadd.s32 $0xFFFFD900  }
0x53: {  	[tilespmem:s12], [sflag:$0x1] =	stream.indirect.gather [hbm4b:s1+s11], $0x80, s28, s11, $0xb8;
	[tilespmem:$0x1E400] =	vst v63  }
0x54: {  	s29 =	simm.s32 $0x100  }
0x55: {  	[tilespmem:s13], [sflag:$0x2] =	stream.indirect.gather [hbm4b:s1+s11], $0x80, s29, s11, $0xb8;
	[tilespmem:$0x1E400] =	vst v63  }
0x56: {  	_ =	swait.ge [sflag:s14], $0x4000  }
0x57: {  	[sflag:s14] =	ssyncset.done $0x0  }
0x58: {  	s30 =	simm.s32 $0x80;
	[sflag:s14] =	ssyncadd.s32 $0xFFFFC000  }
0x59: {  	[spmem:s3] =	stream.indirect.scatter.add.f32 [tilespmem:s12], [sflag:$0x3], $0x80, s30, s11, $0xb8;
	[tilespmem:$0x1E400] =	vst v63  }
0x5a: {  	_ =	swait.ge [sflag:s10], $0x4000  }
0x5b: {  	[sflag:s10] =	ssyncset.done $0x0  }
0x5c: {  	[sflag:s10] =	ssyncadd.s32 $0xFFFFC000  }
0x5d: {  	_ =	swait.ge [sflag:s15], $0x4000  }
0x5e: {  	[sflag:s15] =	ssyncset.done $0x0  }
0x5f: {  	s31 =	simm.s32 $0x180;
	[sflag:s15] =	ssyncadd.s32 $0xFFFFC000  }
0x60: {  	[spmem:s3] =	stream.indirect.scatter.add.f32 [tilespmem:s13], [sflag:$0x3], $0x80, s31, s11, $0xb8;
	[tilespmem:$0x1E400] =	vst v63  }
0x61: {  	_ =	swait.ge [sflag:s10], $0x4000  }
0x62: {  	s22 =	simm.s32 $0x1000;
	s21 =	simm.s32 $0x800;
	[sflag:s10] =	ssyncset.done $0x0  }
.LBB2_4:
0x63: {  	s23 =	sshra.s32 s21, $0x2  }
0x64: {  	[sflag:s10] =	ssyncadd.s32 $0xFFFFC000;
	s21 =	smov.u32 s22;
	s24 =	sadd.s32 $0x800, s22  }
0x65: {  	[tilespmem:s12], [sflag:$0x1] =	stream.indirect.gather [hbm4b:s1+s11], $0x80, s23, s11, $0xb8;
	[tilespmem:$0x1E400] =	vst v63  }
0x66: {  	p0 =	sne.s32 s22, $0x9000;
	s22 =	sadd.s32 $0x100, s23  }
0x67: {  	[tilespmem:s13], [sflag:$0x2] =	stream.indirect.gather [hbm4b:s1+s11], $0x80, s22, s11, $0xb8;
	[tilespmem:$0x1E400] =	vst v63  }
0x68: {  	_ =	swait.ge [sflag:s14], $0x4000  }
0x69: {  	[sflag:s14] =	ssyncset.done $0x0  }
0x6a: {  	s22 =	sadd.s32 $0x80, s23;
	[sflag:s14] =	ssyncadd.s32 $0xFFFFC000  }
0x6b: {  	[spmem:s3] =	stream.indirect.scatter.add.f32 [tilespmem:s12], [sflag:$0x3], $0x80, s22, s11, $0xb8;
	[tilespmem:$0x1E400] =	vst v63  }
0x6c: {  	_ =	swait.ge [sflag:s10], $0x4000  }
0x6d: {  	[sflag:s10] =	ssyncset.done $0x0  }
0x6e: {  	[sflag:s10] =	ssyncadd.s32 $0xFFFFC000  }
0x6f: {  	_ =	swait.ge [sflag:s15], $0x4000  }
.Ltmp1:
0x70: {  	[sflag:s15] =	ssyncset.done $0x0;
	(pc) =	sbr.rel @p0 .LBB2_4-.Ltmp1, $4  }
0x71: {  	s22 =	sadd.s32 $0x180, s23;
	[sflag:s15] =	ssyncadd.s32 $0xFFFFC000  }
0x72: {  	[spmem:s3] =	stream.indirect.scatter.add.f32 [tilespmem:s13], [sflag:$0x3], $0x80, s22, s11, $0xb8;
	[tilespmem:$0x1E400] =	vst v63  }
0x73: {  	_ =	swait.ge [sflag:s10], $0x4000  }
0x74: {  	s22 =	smov.u32 s24;
	[sflag:s10] =	ssyncset.done $0x0  }
0x75: {  	s21 =	sshra.s32 s21, $0x2;
	[sflag:s10] =	ssyncadd.s32 $0xFFFFC000  }
0x76: {  	[tilespmem:s12], [sflag:$0x1] =	stream.indirect.gather [hbm4b:s1+s11], $0x80, s21, s11, $0xb8;
	[tilespmem:$0x1E400] =	vst v63  }
0x77: {  	s22 =	sadd.s32 $0x100, s21  }
0x78: {  	[tilespmem:s13], [sflag:$0x2] =	stream.indirect.gather [hbm4b:s1+s11], $0x80, s22, s11, $0xb8;
	[tilespmem:$0x1E400] =	vst v63  }
0x79: {  	_ =	swait.ge [sflag:s14], $0x4000  }
0x7a: {  	[sflag:s14] =	ssyncset.done $0x0  }
0x7b: {  	s31 =	sadd.s32 $0x80, s21;
	[sflag:s14] =	ssyncadd.s32 $0xFFFFC000  }
0x7c: {  	[spmem:s3] =	stream.indirect.scatter.add.f32 [tilespmem:s12], [sflag:$0x3], $0x80, s31, s11, $0xb8;
	[tilespmem:$0x1E400] =	vst v63  }
0x7d: {  	_ =	swait.ge [sflag:s10], $0x4000  }
0x7e: {  	[sflag:s10] =	ssyncset.done $0x0  }
0x7f: {  	[sflag:s10] =	ssyncadd.s32 $0xFFFFC000  }
0x80: {  	_ =	swait.ge [sflag:s15], $0x4000  }
0x81: {  	[sflag:s15] =	ssyncset.done $0x0  }
0x82: {  	s21 =	sadd.s32 $0x180, s21;
	[sflag:s15] =	ssyncadd.s32 $0xFFFFC000  }
0x83: {  	[spmem:s3] =	stream.indirect.scatter.add.f32 [tilespmem:s13], [sflag:$0x3], $0x80, s21, s11, $0xb8;
	[tilespmem:$0x1E400] =	vst v63  }
0x84: {  	_ =	swait.ge [sflag:s10], $0x4000  }
0x85: {  	[sflag:s10] =	ssyncset.done $0x0  }
0x86: {  	[sflag:s10] =	ssyncadd.s32 $0xFFFFC000  }
0x87: {  	[tilespmem:s12], [sflag:$0x1] =	stream.indirect.gather [hbm4b:s1+s11], $0x80, s17, s11, $0xb8;
	[tilespmem:$0x1E400] =	vst v63  }
0x88: {  	_ =	swait.ge [sflag:s14], $0x4000  }
0x89: {  	[sflag:s14] =	ssyncset.done $0x0  }
0x8a: {  	[sflag:s14] =	ssyncadd.s32 $0xFFFFC000  }
0x8b: {  	[spmem:s3] =	stream.indirect.scatter.add.f32 [tilespmem:s12], [sflag:$0x3], $0x80, s18, s11, $0xb8;
	[tilespmem:$0x1E400] =	vst v63  }
0x8c: {  	_ =	swait.ge [sflag:s10], $0x4000  }
0x8d: {  	s20 =	sadd.s32 $0x1, s20;
	[sflag:s10] =	ssyncset.done $0x0  }
0x8e: {  	p0 =	sne.s32 s20, s8;
	[sflag:s10] =	ssyncadd.s32 $0xFFFFC000  }
.Ltmp2:
0x8f: {  	[bflag:$0x0] =	sbarrier.arrive $0xFFFF;
	(pc) =	sbr.rel @p0 .LBB2_1-.Ltmp2, $4  }
0x90: {  	[hbm:s19], [sflag:s6] =	dma.local [spmem:s9], $0x2780  }
0x91: {  	_ =	swait.ge [sflag:s10], $0x2780  }
0x92: {  	[sflag:s10] =	ssyncset.done $0x0  }
0x93: {  	[sflag:s10] =	ssyncadd.s32 $0xFFFFD880  }
0x94: {  	_ =	sfence.sel $0x180000  }
0x95: {  	[bflag:$0x0] =	sbarrier.arrive $0xFFFF  }
0x96: {  	p0 =	sne.s32 s2, $0x0;
	_ =	strace $0x9000004A  }
0x97: {  	s0 =	sadd.s32 @!p0 $0x100000, s0;
	[bflag:$0x2] =	sbarrier.arrive $0xFFFF  }
0x98: {  	[sflag:s0] =	ssyncadd.tile.s32 @!p0 $0x1;
	_ =	shalt  }
.Lfunc_end2:
_tile_overlayer_lowered:
.L_overlay_start_2:
0x99: {  	(tag) =	ssettag $0x2  }
0x9a: {  	s0 =	rddreg [dreg:$0x0];
	s2 =	stileid.u32  }
0x9b: {  	s1 =	rddreg [dreg:$0x1];
	p0 =	sne.s32 s2, $0x0  }
0x9c: {  	s3 =	rddreg [dreg:$0x2];
	[bflag:$0x3] =	sbarrier.arrive $0xFFFF;
	s2 =	simm.s32 @!p0 $0x1C03  }
0x9d: {  	[timem:s3], [sflag:s2] =	dma.local @!p0 [hbm:s0], s1  }
0x9e: {  	s0 =	simm.s32 @!p0 $0x3  }
0x9f: {  	_ =	swait.ge @!p0 [sflag:s0], s1  }
0xa0: {  	s1 =	ssub.s32 @!p0 $0x0, s1;
	[sflag:s0] =	ssyncset.done @!p0 $0x0  }
0xa1: {  	[sflag:s0] =	ssyncadd.s32 @!p0 s1  }
0xa2: {  	[bflag:$0x3] =	sbarrier.arrive $0xFFFF  }
0xa3: {  	_ =	shalt  }

// kernel: kernel.15.cloned.1.call-start
scs
__scs_entry_jumppad:
0x0: {  	(pc) =	sbr.rel $0x88, $3  }
0x1: {  	(tag) =	ssettag $0x0;
	lr =	simm.s32 $0x1  }
0x2: {  	[smem:$0x3F8F] =	sst lr;
	_ =	strace $0xD0000000  }
0x3: {  	_ = 	snop  }
0x4: {  	_ = 	snop  }
0x5: {  	_ = 	snop  }
0x6: {  	_ = 	snop  }
0x7: {  	_ = 	snop  }
__scs_overlays_trampoline_lowered:
0x8: {  	[smem:$0x3F9E] =	sst s0  }
0x9: {  	[smem:$0x3F9F] =	sst s1  }
0xa: {  	[smem:$0x3FA0] =	sst s2  }
0xb: {  	[smem:$0x3FA1] =	sst s3  }
0xc: {  	[smem:$0x3FA2] =	sst s4  }
0xd: {  	[smem:$0x3FA3] =	sst s5  }
0xe: {  	[smem:$0x3FA4] =	sst s6  }
0xf: {  	[smem:$0x3FA5] =	sst s7  }
0x10: {  	[smem:$0x3FA6] =	sst s8  }
0x11: {  	[smem:$0x3FA7] =	sst s9;
	s0 =	simm.s32 @!p0 $0x0  }
0x12: {  	s1 =	sld [smem:$0x3F8D];
	s0 =	simm.s32 @p0 $0x1  }
0x13: {  	[smem:$0x3FA8] =	sst s0;
	s0 =	simm.s32 @!p1 $0x0  }
0x14: {  	s2 =	sld [smem:$0x3F8C];
	s0 =	simm.s32 @p1 $0x1  }
0x15: {  	[smem:$0x3FA9] =	sst s0;
	s0 =	simm.s32 @!p2 $0x0  }
0x16: {  	s3 =	sld [smem:$0x3FDB];
	s0 =	simm.s32 @p2 $0x1  }
0x17: {  	s4 =	simm.s32 $0x1BF5;
	[smem:$0x3FAB] =	sst s0  }
0x18: {  	s0 =	sld [smem:$0x3F8E];
	_ =	swait.ge [sflag:s4], $0x0  }
0x19: {  	s7 =	sld [smem:$0x3F8F]  }
0x1a: {  	s8 =	sadd.s32 $0xFFFFE003, lr  }
0x1b: {  	s9 =	sadd.s32 $0xFFFFFEF7, lr;
	s5 =	simm.s32 $0xFFFFFFFF;
	p2 =	slt.u32 s8, $0xFFFFF086  }
0x1c: {  	p1 =	slt.u32 s9, $0xF7A;
	s5 =	simm.s32 @!p2 $0x0  }
0x1d: {  	s5 =	simm.s32 @p1 $0x1;
	p0 =	seq.s32 s7, s2  }
0x1e: {  	s7 =	smul.u32 @!p0 $0xF7A, s2;
	p2 =	seq.s32 @!p0 s5, $0x0  }
0x1f: {  	s9 =	smul.u32 $0xF7A, s1;
	s8 =	simm.s32 @!p0 $0x1BF5;
	p2 =	por !p2, p0  }
0x20: {  	[sflag:s8] =	ssyncset.s32 @!p0 $0xFFFFF086;
	s6 =	sadd.s32 @!p0 s3, s7;
	s7 =	simm.s32 @!p0 $0x108  }
0x21: {  	s3 =	sadd.s32 s3, s9;
	s6 =	sadd.s32 @!p0 $0x88, s6;
	s7 =	simm.s32 @p2 $0x1082  }
0x22: {  	[simem:s7], [sflag:s8] =	dma.local @!p0 [hbm:s6], $0xF7A  }
0x23: {  	s9 =	sor.u32 $0xD0000000, s2;
	s6 =	simm.s32 $0x108;
	_ =	swait.ge @!p0 [sflag:s8], $0x0  }
0x24: {  	s3 =	sadd.s32 $0x88, s3;
	s6 =	simm.s32 @!p1 $0x1082;
	[sflag:s4] =	ssyncset.s32 $0xFFFFF086  }
0x25: {  	[simem:s6], [sflag:s4] =	dma.local [hbm:s3], $0xF7A  }
0x26: {  	[smem:$0x3F8F] =	sst s1;
	(tag) =	ssettag s2;
	_ =	strace s9  }
0x27: {  	s1 =	sld [smem:$0x3F9F]  }
0x28: {  	s2 =	sld [smem:$0x3FA0]  }
0x29: {  	s4 =	sld [smem:$0x3FA2]  }
0x2a: {  	p0 =	seq.s32 s5, $0x0;
	s5 =	sld [smem:$0x3FA3]  }
0x2b: {  	s6 =	sld [smem:$0x3FA4]  }
0x2c: {  	s7 =	sld [smem:$0x3FA5]  }
0x2d: {  	s3 =	simm.s32 $0x108;
	s8 =	sld [smem:$0x3FA6]  }
0x2e: {  	s3 =	simm.s32 @!p0 $0x1082;
	s9 =	sld [smem:$0x3FA7]  }
0x2f: {  	lr =	sadd.s32 s0, s3;
	s0 =	sld [smem:$0x3F9E]  }
0x30: {  	s3 =	sld [smem:$0x3FA1]  }
0x31: {  	[smem:$0x3FAA] =	sst s10  }
0x32: {  	s10 =	sld [smem:$0x3FA8];
	_ =	sdelay $0x3  }
0x33: {  	p0 =	seq.s32 s10, $0x1;
	s10 =	sld [smem:$0x3FAA];
	_ =	sdelay $0x3  }
0x34: {  	[smem:$0x3FAA] =	sst s10  }
0x35: {  	s10 =	sld [smem:$0x3FA9];
	_ =	sdelay $0x3  }
0x36: {  	p1 =	seq.s32 s10, $0x1;
	s10 =	sld [smem:$0x3FAA];
	_ =	sdelay $0x3  }
0x37: {  	[smem:$0x3FAA] =	sst s10  }
0x38: {  	s10 =	sld [smem:$0x3FAB]  }
0x39: {  	_ = 	snop;
	(pc) =	sbr.ind lr, $3  }
0x3a: {  	_ = 	snop  }
0x3b: {  	_ = 	snop  }
0x3c: {  	p2 =	seq.s32 s10, $0x1;
	s10 =	sld [smem:$0x3FAA]  }
0x3d: {  	_ =	shalt  }
0x3e: {  	_ =	shalt  }
0x3f: {  	_ =	shalt  }
0x40: {  	_ =	shalt  }
0x41: {  	_ =	shalt  }
0x42: {  	_ =	shalt  }
0x43: {  	_ =	shalt  }
0x44: {  	_ =	shalt  }
0x45: {  	_ =	shalt  }
0x46: {  	_ =	shalt  }
0x47: {  	_ =	shalt  }
0x48: {  	_ =	shalt  }
0x49: {  	_ =	shalt  }
0x4a: {  	_ =	shalt  }
0x4b: {  	_ =	shalt  }
0x4c: {  	_ =	shalt  }
0x4d: {  	_ =	shalt  }
0x4e: {  	_ =	shalt  }
0x4f: {  	_ =	shalt  }
0x50: {  	_ =	shalt  }
0x51: {  	_ =	shalt  }
0x52: {  	_ =	shalt  }
0x53: {  	_ =	shalt  }
0x54: {  	_ =	shalt  }
0x55: {  	_ =	shalt  }
0x56: {  	_ =	shalt  }
0x57: {  	_ =	shalt  }
0x58: {  	_ =	shalt  }
0x59: {  	_ =	shalt  }
0x5a: {  	_ =	shalt  }
0x5b: {  	_ =	shalt  }
0x5c: {  	_ =	shalt  }
0x5d: {  	_ =	shalt  }
0x5e: {  	_ =	shalt  }
0x5f: {  	_ =	shalt  }
0x60: {  	_ =	shalt  }
0x61: {  	_ =	shalt  }
0x62: {  	_ =	shalt  }
0x63: {  	_ =	shalt  }
0x64: {  	_ =	shalt  }
0x65: {  	_ =	shalt  }
0x66: {  	_ =	shalt  }
0x67: {  	_ =	shalt  }
0x68: {  	_ =	shalt  }
0x69: {  	_ =	shalt  }
0x6a: {  	_ =	shalt  }
0x6b: {  	_ =	shalt  }
0x6c: {  	_ =	shalt  }
0x6d: {  	_ =	shalt  }
0x6e: {  	_ =	shalt  }
0x6f: {  	_ =	shalt  }
0x70: {  	_ =	shalt  }
0x71: {  	_ =	shalt  }
0x72: {  	_ =	shalt  }
0x73: {  	_ =	shalt  }
0x74: {  	_ =	shalt  }
0x75: {  	_ =	shalt  }
0x76: {  	_ =	shalt  }
0x77: {  	_ =	shalt  }
0x78: {  	_ =	shalt  }
0x79: {  	_ =	shalt  }
0x7a: {  	_ =	shalt  }
0x7b: {  	_ =	shalt  }
0x7c: {  	_ =	shalt  }
0x7d: {  	_ =	shalt  }
0x7e: {  	_ =	shalt  }
0x7f: {  	_ =	shalt  }
0x80: {  	_ =	shalt  }
0x81: {  	_ =	shalt  }
0x82: {  	_ =	shalt  }
0x83: {  	_ =	shalt  }
0x84: {  	_ =	shalt  }
0x85: {  	_ =	shalt  }
0x86: {  	_ =	shalt  }
0x87: {  	_ =	shalt  }
.Lfunc_end0:
.L_simem_size_0:
called_computation.2_lowered:
.L_overlay_start_0:
0x88: {  	s2 =	sld [smem:$0x3FD9]  }
0x89: {  	s3 =	sld [smem:$0x3FFE];
	_ =	sdelay $0x1  }
0x8a: {  	s1 =	srdreg.scid  }
0x8b: {  	s0 =	sand.u32 $0x1, s1  }
0x8c: {  	s14 =	sshll.u32 s0, $0xA;
	s2 =	sadd.s32 s3, s2  }
0x8d: {  	s2 =	sadd.s32 s2, s14  }
0x8e: {  	[smem:$0x3FB6] =	sst s2  }
0x8f: {  	_ = 	snop  }
0x90: {  	s2 =	sld [smem:$0x3FD0];
	_ =	sdelay $0x2  }
0x91: {  	s15 =	simm.s32 $0xA;
	s4 =	simm.s32 $0x10  }
0x92: {  	[smem:s4], [sflag:s15] =	dma.local [hbm:s2], $0x1  }
0x93: {  	_ =	swait.eq [sflag:s15], $0x1  }
0x94: {  	[sflag:s15] =	ssyncset.done $0x0  }
0x95: {  	s16 =	sld [smem:$0x10];
	[sflag:s15] =	ssyncadd.s32 $0xFFFFFFFF  }
0x96: {  	s17 =	sld [smem:$0x11];
	(tm) =	ssettm $0x1  }
0x97: {  	s18 =	sld [smem:$0x3FFB];
	_ =	sdelay $0x3  }
0x98: {  	_ =	strace s18  }
0x99: {  	s4 =	sld [smem:$0x3FFC];
	_ =	sdelay $0x3  }
0x9a: {  	_ =	strace s4  }
0x9b: {  	s4 =	sld [smem:$0x3FFD];
	_ =	sdelay $0x3  }
0x9c: {  	_ =	strace s4  }
0x9d: {  	_ =	strace $0x8FFFFFFF  }
0x9e: {  	s19 =	sld [smem:$0x3FDB];
	_ =	sdelay $0x1  }
0x9f: {  	s5 =	simm.s32 $_scs_section_size  }
0xa0: {  	s6 =	simm.s32 $_size__tile_overlayer_lowered;
	s7 =	simm.s32 $_tile_overlayer_lowered  }
0xa1: {  	s22 =	simm.s32 $0x1BFF;
	s21 =	sshll.u32 s7, $0x1;
	s4 =	sadd.s32 s5, s19  }
0xa2: {  	s8 =	simm.s32 $0x0;
	s20 =	sshll.u32 s6, $0x1;
	s6 =	sadd.s32 s21, s4  }
0xa3: {  	[timem:s8], [sflag:s22] =	dma.local [hbm:s6], s20  }
0xa4: {  	_ =	swait.ge [sflag:s22], s20  }
0xa5: {  	s5 =	ssub.s32 $0x0, s20;
	[sflag:s22] =	ssyncset.done $0x0  }
0xa6: {  	[sflag:s22] =	ssyncadd.s32 s5;
	_ =	sdelay $0x1  }
0xa7: {  	s23 =	simm.s32 $0x1B8B  }
0xa8: {  	_ =	swait.ge [sflag:s23], $0x1  }
0xa9: {  	[sflag:s23] =	ssyncset.done $0x0  }
0xaa: {  	s25 =	simm.s32 $0x1B8E;
	s24 =	sld [smem:$0x3FFE];
	[sflag:s23] =	ssyncadd.s32 $0xFFFFFFFF  }
0xab: {  	s26 =	simm.s32 $execute0_lowered;
	[smem:$0x3FD2] =	sst s25  }
0xac: {  	s6 =	sshll.u32 s26, $0x1;
	_ =	strace $0x8000004C;
	[dreg:$0x1] =	wrdreg $0xFFFFFFFF  }
0xad: {  	s28 =	simm.s32 $_size_execute0_lowered;
	s4 =	sadd.s32 s4, s6;
	[dreg:$0x0] =	wrdreg $0x0  }
0xae: {  	s6 =	sshll.u32 s28, $0x1;
	[dreg:$0x2] =	wrdreg s4  }
0xaf: {  	[dreg:$0x3] =	wrdreg s6  }
0xb0: {  	[dreg:$0x4] =	wrdreg $0xC0  }
0xb1: {  	_ =	task [dreg:s8], $0x5FFFF  }
0xb2: {  	[dreg:$0x1] =	wrdreg $0xFFFFFFFF  }
0xb3: {  	[dreg:$0x0] =	wrdreg $0x60  }
0xb4: {  	[dreg:$0x2] =	wrdreg s16  }
0xb5: {  	[dreg:$0x3] =	wrdreg s17  }
0xb6: {  	[dreg:$0x4] =	wrdreg s24  }
0xb7: {  	[dreg:$0x5] =	wrdreg $0xA8000  }
0xb8: {  	[dreg:$0x6] =	wrdreg $0x9  }
0xb9: {  	_ =	task.clear_ibuf [dreg:s8], $0x7FFFF;
	_ =	strace $0x9000004C  }
0xba: {  	s29 =	simm.s32 $0x9;
	_ =	strace $0x8000004E  }
0xbb: {  	_ =	swait.ge [sflag:s29], $0x1  }
0xbc: {  	[sflag:s29] =	ssyncadd.s32 $0xFFFFFFFF  }
0xbd: {  	_ =	strace $0x9000004E  }
0xbe: {  	_ =	sfence  }
0xbf: {  	s30 =	sld [smem:$0x0];
	_ =	sdelay $0x2  }
0xc0: {  	s31 =	sshll.u32 s1, $0xD;
	s1 =	sshrl.u32 s1, $0x2  }
0xc1: {  	s3 =	sand.u32 $0x4000, s31;
	s1 =	sadd.s32 s1, s30  }
0xc2: {  	s0 =	sor.u32 s3, s0;
	s1 =	sshll.u32 s1, $0x11  }
0xc3: {  	s0 =	sor.u32 s1, s0  }
0xc4: {  	s0 =	sadd.s32 $0x8F2B, s0  }
0xc5: {  	[sflag:s0] =	ssyncadd.remote.s32 $0x1  }
0xc6: {  	_ =	sfence.sel $0xFFFF  }
0xc7: {  	[dreg:$0x0] =	wrdreg $0xFFFFFFFF;
	(pc) =	sbr.abs _section_cstart, $3  }
0xc8: {  	[dreg:$0x1] =	wrdreg $0xFFFFFFFF  }
0xc9: {  	_ =	task.clear_ibuf [dreg:s8], $0x2FFFF;
	_ =	strace $0x9FFFFFFF  }
0xca: {  	(tm) =	ssettm $0x7FFFFFFF  }
0xcb: {  	_ =	shalt  }
tec
execute0_lowered:
.L_overlay_start_1:
0x0: {  	(tag) =	ssettag $0x1  }
0x1: {  	s7 =	rddreg [dreg:$0x0]  }
0x2: {  	s1 =	rddreg [dreg:$0x1]  }
0x3: {  	s5 =	rddreg [dreg:$0x2]  }
0x4: {  	s3 =	rddreg [dreg:$0x3]  }
0x5: {  	s0 =	rddreg [dreg:$0x4];
	s4 =	simm.s32 $0x0  }
0x6: {  	s2 =	stileid.u32;
	s6 =	srdreg.scid;
	s14 =	simm.s32 $0x1  }
0x7: {  	s15 =	simm.s32 $0x2;
	s17 =	simm.s32 $0x2600;
	s18 =	simm.s32 $0x2680  }
0x8: {  	[smem:$0x7FF] =	sst s4;
	s19 =	smul.u32 $0x2780, s2;
	s6 =	sand.u32 $0x1, s6  }
0x9: {  	s12 =	smul.u32 $0x4F000, s2;
	s13 =	sshll.u32 s2, $0x1;
	s29 =	sshll.u32 s2, $0x6  }
0xa: {  	_ =	strace $0x8000004D;
	s9 =	smul.u32 $0x27800, s6;
	s10 =	ssub.s32 $0x2, s6  }
0xb: {  	s26 =	sor.u32 s6, s13;
	s6 =	sor.u32 $0x1C03, s29;
	s13 =	simm.s32 $0x6800  }
0xc: {  	s8 =	sadd.s32 s19, s5;
	s11 =	sshrl.u32 s10, $0x1;
	s28 =	sshrl.u32 s12, $0x2  }
0xd: {  	s30 =	smul.u32 $0x9E0, s26;
	s12 =	simm.s32 $0x2800;
	s9 =	sadd.s32 s9, s5  }
0xe: {  	s10 =	ssub.s32 s10, s11;
	s31 =	sadd.s32 s28, s3;
	s5 =	sadd.s32 $0x3600, s8  }
0xf: {  	s11 =	simm.s32 $0x80;
	s7 =	sadd.s32 s7, s30;
	s20 =	sadd.s32 $0x79E00, s9  }
0x10: {  	s8 =	smax.u32 s10, $0x1;
	s9 =	sshrl.u32 s31, $0x3;
	s10 =	simm.s32 $0x3  }
0x11: {  	s16 =	sadd.s32 $0x500, s7;
	s19 =	sadd.s32 s19, s20;
	s20 =	simm.s32 $0x0  }
.LBB2_1:
0x12: {  	[spmem:s9], [sflag:s6] =	dma.local [hbm:s5], $0x2780  }
0x13: {  	_ =	swait.ge [sflag:s10], $0x2780  }
0x14: {  	[sflag:s10] =	ssyncset.done $0x0  }
0x15: {  	[sflag:s10] =	ssyncadd.s32 $0xFFFFD880  }
0x16: {  	[bflag:$0x0] =	sbarrier.arrive $0xFFFF  }
0x17: {  	[tilespmem:s4], [sflag:$0x3] =	stream.linear.gather [hbm4b:s7+s4], $0x2800, $0x38;
	[tilespmem:$0x1E400] =	vst v63  }
0x18: {  	_ =	swait.ge [sflag:s10], $0x2800  }
0x19: {  	[sflag:s10] =	ssyncset.done $0x0  }
0x1a: {  	s21 =	simm.s32 $0x0;
	[sflag:s10] =	ssyncadd.s32 $0xFFFFD800  }
0x1b: {  	[tilespmem:s12], [sflag:$0x1] =	stream.indirect.gather [hbm4b:s1+s11], $0x80, s21, s11, $0xb8;
	[tilespmem:$0x1E400] =	vst v63  }
0x1c: {  	s29 =	simm.s32 $0x100  }
0x1d: {  	[tilespmem:s13], [sflag:$0x2] =	stream.indirect.gather [hbm4b:s1+s11], $0x80, s29, s11, $0xb8;
	[tilespmem:$0x1E400] =	vst v63  }
0x1e: {  	_ =	swait.ge [sflag:s14], $0x4000  }
0x1f: {  	[sflag:s14] =	ssyncset.done $0x0  }
0x20: {  	s30 =	simm.s32 $0x80;
	[sflag:s14] =	ssyncadd.s32 $0xFFFFC000  }
0x21: {  	[spmem:s3] =	stream.indirect.scatter.add.f32 [tilespmem:s12], [sflag:$0x3], $0x80, s30, s11, $0xb8;
	[tilespmem:$0x1E400] =	vst v63  }
0x22: {  	_ =	swait.ge [sflag:s10], $0x4000  }
0x23: {  	[sflag:s10] =	ssyncset.done $0x0  }
0x24: {  	[sflag:s10] =	ssyncadd.s32 $0xFFFFC000  }
0x25: {  	_ =	swait.ge [sflag:s15], $0x4000  }
0x26: {  	[sflag:s15] =	ssyncset.done $0x0  }
0x27: {  	s31 =	simm.s32 $0x180;
	[sflag:s15] =	ssyncadd.s32 $0xFFFFC000  }
0x28: {  	[spmem:s3] =	stream.indirect.scatter.add.f32 [tilespmem:s13], [sflag:$0x3], $0x80, s31, s11, $0xb8;
	[tilespmem:$0x1E400] =	vst v63  }
0x29: {  	_ =	swait.ge [sflag:s10], $0x4000  }
0x2a: {  	s22 =	simm.s32 $0x1000;
	s21 =	simm.s32 $0x800;
	[sflag:s10] =	ssyncset.done $0x0  }
.LBB2_2:
0x2b: {  	s23 =	sshra.s32 s21, $0x2  }
0x2c: {  	[sflag:s10] =	ssyncadd.s32 $0xFFFFC000;
	s21 =	smov.u32 s22;
	s24 =	sadd.s32 $0x800, s22  }
0x2d: {  	[tilespmem:s12], [sflag:$0x1] =	stream.indirect.gather [hbm4b:s1+s11], $0x80, s23, s11, $0xb8;
	[tilespmem:$0x1E400] =	vst v63  }
0x2e: {  	p0 =	sne.s32 s22, $0x9800;
	s22 =	sadd.s32 $0x100, s23  }
0x2f: {  	[tilespmem:s13], [sflag:$0x2] =	stream.indirect.gather [hbm4b:s1+s11], $0x80, s22, s11, $0xb8;
	[tilespmem:$0x1E400] =	vst v63  }
0x30: {  	_ =	swait.ge [sflag:s14], $0x4000  }
0x31: {  	[sflag:s14] =	ssyncset.done $0x0  }
0x32: {  	s22 =	sadd.s32 $0x80, s23;
	[sflag:s14] =	ssyncadd.s32 $0xFFFFC000  }
0x33: {  	[spmem:s3] =	stream.indirect.scatter.add.f32 [tilespmem:s12], [sflag:$0x3], $0x80, s22, s11, $0xb8;
	[tilespmem:$0x1E400] =	vst v63  }
0x34: {  	_ =	swait.ge [sflag:s10], $0x4000  }
0x35: {  	[sflag:s10] =	ssyncset.done $0x0  }
0x36: {  	[sflag:s10] =	ssyncadd.s32 $0xFFFFC000  }
0x37: {  	_ =	swait.ge [sflag:s15], $0x4000  }
.Ltmp0:
0x38: {  	[sflag:s15] =	ssyncset.done $0x0;
	(pc) =	sbr.rel @p0 .LBB2_2-.Ltmp0, $4  }
0x39: {  	s22 =	sadd.s32 $0x180, s23;
	[sflag:s15] =	ssyncadd.s32 $0xFFFFC000  }
0x3a: {  	[spmem:s3] =	stream.indirect.scatter.add.f32 [tilespmem:s13], [sflag:$0x3], $0x80, s22, s11, $0xb8;
	[tilespmem:$0x1E400] =	vst v63  }
0x3b: {  	_ =	swait.ge [sflag:s10], $0x4000  }
0x3c: {  	s22 =	smov.u32 s24;
	[sflag:s10] =	ssyncset.done $0x0  }
0x3d: {  	s21 =	sshra.s32 s21, $0x2;
	[sflag:s10] =	ssyncadd.s32 $0xFFFFC000  }
0x3e: {  	[tilespmem:s12], [sflag:$0x1] =	stream.indirect.gather [hbm4b:s1+s11], $0x80, s21, s11, $0xb8;
	[tilespmem:$0x1E400] =	vst v63  }
0x3f: {  	s22 =	sadd.s32 $0x100, s21  }
0x40: {  	[tilespmem:s13], [sflag:$0x2] =	stream.indirect.gather [hbm4b:s1+s11], $0x80, s22, s11, $0xb8;
	[tilespmem:$0x1E400] =	vst v63  }
0x41: {  	_ =	swait.ge [sflag:s14], $0x4000  }
0x42: {  	[sflag:s14] =	ssyncset.done $0x0  }
0x43: {  	s25 =	sadd.s32 $0x80, s21;
	[sflag:s14] =	ssyncadd.s32 $0xFFFFC000  }
0x44: {  	[spmem:s3] =	stream.indirect.scatter.add.f32 [tilespmem:s12], [sflag:$0x3], $0x80, s25, s11, $0xb8;
	[tilespmem:$0x1E400] =	vst v63  }
0x45: {  	_ =	swait.ge [sflag:s10], $0x4000  }
0x46: {  	[sflag:s10] =	ssyncset.done $0x0  }
0x47: {  	[sflag:s10] =	ssyncadd.s32 $0xFFFFC000  }
0x48: {  	_ =	swait.ge [sflag:s15], $0x4000  }
0x49: {  	[sflag:s15] =	ssyncset.done $0x0  }
0x4a: {  	s21 =	sadd.s32 $0x180, s21;
	[sflag:s15] =	ssyncadd.s32 $0xFFFFC000  }
0x4b: {  	[spmem:s3] =	stream.indirect.scatter.add.f32 [tilespmem:s13], [sflag:$0x3], $0x80, s21, s11, $0xb8;
	[tilespmem:$0x1E400] =	vst v63  }
0x4c: {  	_ =	swait.ge [sflag:s10], $0x4000  }
0x4d: {  	[sflag:s10] =	ssyncset.done $0x0  }
0x4e: {  	s26 =	simm.s32 $0x0;
	[sflag:s10] =	ssyncadd.s32 $0xFFFFC000  }
0x4f: {  	[tilespmem:s26], [sflag:$0x3] =	stream.linear.gather [hbm4b:s16+s26], $0x2700, $0x38;
	[tilespmem:$0x1E400] =	vst v63  }
0x50: {  	_ =	swait.ge [sflag:s10], $0x2700  }
0x51: {  	[sflag:s10] =	ssyncset.done $0x0  }
0x52: {  	s28 =	simm.s32 $0x0;
	[sflag:s10] =	ssyncadd.s32 $0xFFFFD900  }
0x53: {  	[tilespmem:s12], [sflag:$0x1] =	stream.indirect.gather [hbm4b:s1+s11], $0x80, s28, s11, $0xb8;
	[tilespmem:$0x1E400] =	vst v63  }
0x54: {  	s29 =	simm.s32 $0x100  }
0x55: {  	[tilespmem:s13], [sflag:$0x2] =	stream.indirect.gather [hbm4b:s1+s11], $0x80, s29, s11, $0xb8;
	[tilespmem:$0x1E400] =	vst v63  }
0x56: {  	_ =	swait.ge [sflag:s14], $0x4000  }
0x57: {  	[sflag:s14] =	ssyncset.done $0x0  }
0x58: {  	s30 =	simm.s32 $0x80;
	[sflag:s14] =	ssyncadd.s32 $0xFFFFC000  }
0x59: {  	[spmem:s3] =	stream.indirect.scatter.add.f32 [tilespmem:s12], [sflag:$0x3], $0x80, s30, s11, $0xb8;
	[tilespmem:$0x1E400] =	vst v63  }
0x5a: {  	_ =	swait.ge [sflag:s10], $0x4000  }
0x5b: {  	[sflag:s10] =	ssyncset.done $0x0  }
0x5c: {  	[sflag:s10] =	ssyncadd.s32 $0xFFFFC000  }
0x5d: {  	_ =	swait.ge [sflag:s15], $0x4000  }
0x5e: {  	[sflag:s15] =	ssyncset.done $0x0  }
0x5f: {  	s31 =	simm.s32 $0x180;
	[sflag:s15] =	ssyncadd.s32 $0xFFFFC000  }
0x60: {  	[spmem:s3] =	stream.indirect.scatter.add.f32 [tilespmem:s13], [sflag:$0x3], $0x80, s31, s11, $0xb8;
	[tilespmem:$0x1E400] =	vst v63  }
0x61: {  	_ =	swait.ge [sflag:s10], $0x4000  }
0x62: {  	s22 =	simm.s32 $0x1000;
	s21 =	simm.s32 $0x800;
	[sflag:s10] =	ssyncset.done $0x0  }
.LBB2_4:
0x63: {  	s23 =	sshra.s32 s21, $0x2  }
0x64: {  	[sflag:s10] =	ssyncadd.s32 $0xFFFFC000;
	s21 =	smov.u32 s22;
	s24 =	sadd.s32 $0x800, s22  }
0x65: {  	[tilespmem:s12], [sflag:$0x1] =	stream.indirect.gather [hbm4b:s1+s11], $0x80, s23, s11, $0xb8;
	[tilespmem:$0x1E400] =	vst v63  }
0x66: {  	p0 =	sne.s32 s22, $0x9000;
	s22 =	sadd.s32 $0x100, s23  }
0x67: {  	[tilespmem:s13], [sflag:$0x2] =	stream.indirect.gather [hbm4b:s1+s11], $0x80, s22, s11, $0xb8;
	[tilespmem:$0x1E400] =	vst v63  }
0x68: {  	_ =	swait.ge [sflag:s14], $0x4000  }
0x69: {  	[sflag:s14] =	ssyncset.done $0x0  }
0x6a: {  	s22 =	sadd.s32 $0x80, s23;
	[sflag:s14] =	ssyncadd.s32 $0xFFFFC000  }
0x6b: {  	[spmem:s3] =	stream.indirect.scatter.add.f32 [tilespmem:s12], [sflag:$0x3], $0x80, s22, s11, $0xb8;
	[tilespmem:$0x1E400] =	vst v63  }
0x6c: {  	_ =	swait.ge [sflag:s10], $0x4000  }
0x6d: {  	[sflag:s10] =	ssyncset.done $0x0  }
0x6e: {  	[sflag:s10] =	ssyncadd.s32 $0xFFFFC000  }
0x6f: {  	_ =	swait.ge [sflag:s15], $0x4000  }
.Ltmp1:
0x70: {  	[sflag:s15] =	ssyncset.done $0x0;
	(pc) =	sbr.rel @p0 .LBB2_4-.Ltmp1, $4  }
0x71: {  	s22 =	sadd.s32 $0x180, s23;
	[sflag:s15] =	ssyncadd.s32 $0xFFFFC000  }
0x72: {  	[spmem:s3] =	stream.indirect.scatter.add.f32 [tilespmem:s13], [sflag:$0x3], $0x80, s22, s11, $0xb8;
	[tilespmem:$0x1E400] =	vst v63  }
0x73: {  	_ =	swait.ge [sflag:s10], $0x4000  }
0x74: {  	s22 =	smov.u32 s24;
	[sflag:s10] =	ssyncset.done $0x0  }
0x75: {  	s21 =	sshra.s32 s21, $0x2;
	[sflag:s10] =	ssyncadd.s32 $0xFFFFC000  }
0x76: {  	[tilespmem:s12], [sflag:$0x1] =	stream.indirect.gather [hbm4b:s1+s11], $0x80, s21, s11, $0xb8;
	[tilespmem:$0x1E400] =	vst v63  }
0x77: {  	s22 =	sadd.s32 $0x100, s21  }
0x78: {  	[tilespmem:s13], [sflag:$0x2] =	stream.indirect.gather [hbm4b:s1+s11], $0x80, s22, s11, $0xb8;
	[tilespmem:$0x1E400] =	vst v63  }
0x79: {  	_ =	swait.ge [sflag:s14], $0x4000  }
0x7a: {  	[sflag:s14] =	ssyncset.done $0x0  }
0x7b: {  	s31 =	sadd.s32 $0x80, s21;
	[sflag:s14] =	ssyncadd.s32 $0xFFFFC000  }
0x7c: {  	[spmem:s3] =	stream.indirect.scatter.add.f32 [tilespmem:s12], [sflag:$0x3], $0x80, s31, s11, $0xb8;
	[tilespmem:$0x1E400] =	vst v63  }
0x7d: {  	_ =	swait.ge [sflag:s10], $0x4000  }
0x7e: {  	[sflag:s10] =	ssyncset.done $0x0  }
0x7f: {  	[sflag:s10] =	ssyncadd.s32 $0xFFFFC000  }
0x80: {  	_ =	swait.ge [sflag:s15], $0x4000  }
0x81: {  	[sflag:s15] =	ssyncset.done $0x0  }
0x82: {  	s21 =	sadd.s32 $0x180, s21;
	[sflag:s15] =	ssyncadd.s32 $0xFFFFC000  }
0x83: {  	[spmem:s3] =	stream.indirect.scatter.add.f32 [tilespmem:s13], [sflag:$0x3], $0x80, s21, s11, $0xb8;
	[tilespmem:$0x1E400] =	vst v63  }
0x84: {  	_ =	swait.ge [sflag:s10], $0x4000  }
0x85: {  	[sflag:s10] =	ssyncset.done $0x0  }
0x86: {  	[sflag:s10] =	ssyncadd.s32 $0xFFFFC000  }
0x87: {  	[tilespmem:s12], [sflag:$0x1] =	stream.indirect.gather [hbm4b:s1+s11], $0x80, s17, s11, $0xb8;
	[tilespmem:$0x1E400] =	vst v63  }
0x88: {  	_ =	swait.ge [sflag:s14], $0x4000  }
0x89: {  	[sflag:s14] =	ssyncset.done $0x0  }
0x8a: {  	[sflag:s14] =	ssyncadd.s32 $0xFFFFC000  }
0x8b: {  	[spmem:s3] =	stream.indirect.scatter.add.f32 [tilespmem:s12], [sflag:$0x3], $0x80, s18, s11, $0xb8;
	[tilespmem:$0x1E400] =	vst v63  }
0x8c: {  	_ =	swait.ge [sflag:s10], $0x4000  }
0x8d: {  	s20 =	sadd.s32 $0x1, s20;
	[sflag:s10] =	ssyncset.done $0x0  }
0x8e: {  	p0 =	sne.s32 s20, s8;
	[sflag:s10] =	ssyncadd.s32 $0xFFFFC000  }
.Ltmp2:
0x8f: {  	[bflag:$0x0] =	sbarrier.arrive $0xFFFF;
	(pc) =	sbr.rel @p0 .LBB2_1-.Ltmp2, $4  }
0x90: {  	[hbm:s19], [sflag:s6] =	dma.local [spmem:s9], $0x2780  }
0x91: {  	_ =	swait.ge [sflag:s10], $0x2780  }
0x92: {  	[sflag:s10] =	ssyncset.done $0x0  }
0x93: {  	[sflag:s10] =	ssyncadd.s32 $0xFFFFD880  }
0x94: {  	_ =	sfence.sel $0x180000  }
0x95: {  	[bflag:$0x0] =	sbarrier.arrive $0xFFFF  }
0x96: {  	p0 =	sne.s32 s2, $0x0;
	_ =	strace $0x9000004D  }
0x97: {  	s0 =	sadd.s32 @!p0 $0x100000, s0;
	[bflag:$0x2] =	sbarrier.arrive $0xFFFF  }
0x98: {  	[sflag:s0] =	ssyncadd.tile.s32 @!p0 $0x1;
	_ =	shalt  }
.Lfunc_end2:
_tile_overlayer_lowered:
.L_overlay_start_2:
0x99: {  	(tag) =	ssettag $0x2  }
0x9a: {  	s0 =	rddreg [dreg:$0x0];
	s2 =	stileid.u32  }
0x9b: {  	s1 =	rddreg [dreg:$0x1];
	p0 =	sne.s32 s2, $0x0  }
0x9c: {  	s3 =	rddreg [dreg:$0x2];
	[bflag:$0x3] =	sbarrier.arrive $0xFFFF;
	s2 =	simm.s32 @!p0 $0x1C03  }
0x9d: {  	[timem:s3], [sflag:s2] =	dma.local @!p0 [hbm:s0], s1  }
0x9e: {  	s0 =	simm.s32 @!p0 $0x3  }
0x9f: {  	_ =	swait.ge @!p0 [sflag:s0], s1  }
0xa0: {  	s1 =	ssub.s32 @!p0 $0x0, s1;
	[sflag:s0] =	ssyncset.done @!p0 $0x0  }
0xa1: {  	[sflag:s0] =	ssyncadd.s32 @!p0 s1  }
0xa2: {  	[bflag:$0x3] =	sbarrier.arrive $0xFFFF  }
0xa3: {  	_ =	shalt  }

// kernel: kernel.9.cloned.1.call-start
scs
__scs_entry_jumppad:
0x0: {  	(pc) =	sbr.rel $0x88, $3  }
0x1: {  	(tag) =	ssettag $0x0;
	lr =	simm.s32 $0x1  }
0x2: {  	[smem:$0x3F8F] =	sst lr;
	_ =	strace $0xD0000000  }
0x3: {  	_ = 	snop  }
0x4: {  	_ = 	snop  }
0x5: {  	_ = 	snop  }
0x6: {  	_ = 	snop  }
0x7: {  	_ = 	snop  }
__scs_overlays_trampoline_lowered:
0x8: {  	[smem:$0x3F9E] =	sst s0  }
0x9: {  	[smem:$0x3F9F] =	sst s1  }
0xa: {  	[smem:$0x3FA0] =	sst s2  }
0xb: {  	[smem:$0x3FA1] =	sst s3  }
0xc: {  	[smem:$0x3FA2] =	sst s4  }
0xd: {  	[smem:$0x3FA3] =	sst s5  }
0xe: {  	[smem:$0x3FA4] =	sst s6  }
0xf: {  	[smem:$0x3FA5] =	sst s7  }
0x10: {  	[smem:$0x3FA6] =	sst s8  }
0x11: {  	[smem:$0x3FA7] =	sst s9;
	s0 =	simm.s32 @!p0 $0x0  }
0x12: {  	s1 =	sld [smem:$0x3F8D];
	s0 =	simm.s32 @p0 $0x1  }
0x13: {  	[smem:$0x3FA8] =	sst s0;
	s0 =	simm.s32 @!p1 $0x0  }
0x14: {  	s2 =	sld [smem:$0x3F8C];
	s0 =	simm.s32 @p1 $0x1  }
0x15: {  	[smem:$0x3FA9] =	sst s0;
	s0 =	simm.s32 @!p2 $0x0  }
0x16: {  	s3 =	sld [smem:$0x3FDB];
	s0 =	simm.s32 @p2 $0x1  }
0x17: {  	s4 =	simm.s32 $0x1BF5;
	[smem:$0x3FAB] =	sst s0  }
0x18: {  	s0 =	sld [smem:$0x3F8E];
	_ =	swait.ge [sflag:s4], $0x0  }
0x19: {  	s7 =	sld [smem:$0x3F8F]  }
0x1a: {  	s8 =	sadd.s32 $0xFFFFE003, lr  }
0x1b: {  	s9 =	sadd.s32 $0xFFFFFEF7, lr;
	s5 =	simm.s32 $0xFFFFFFFF;
	p2 =	slt.u32 s8, $0xFFFFF086  }
0x1c: {  	p1 =	slt.u32 s9, $0xF7A;
	s5 =	simm.s32 @!p2 $0x0  }
0x1d: {  	s5 =	simm.s32 @p1 $0x1;
	p0 =	seq.s32 s7, s2  }
0x1e: {  	s7 =	smul.u32 @!p0 $0xF7A, s2;
	p2 =	seq.s32 @!p0 s5, $0x0  }
0x1f: {  	s9 =	smul.u32 $0xF7A, s1;
	s8 =	simm.s32 @!p0 $0x1BF5;
	p2 =	por !p2, p0  }
0x20: {  	[sflag:s8] =	ssyncset.s32 @!p0 $0xFFFFF086;
	s6 =	sadd.s32 @!p0 s3, s7;
	s7 =	simm.s32 @!p0 $0x108  }
0x21: {  	s3 =	sadd.s32 s3, s9;
	s6 =	sadd.s32 @!p0 $0x88, s6;
	s7 =	simm.s32 @p2 $0x1082  }
0x22: {  	[simem:s7], [sflag:s8] =	dma.local @!p0 [hbm:s6], $0xF7A  }
0x23: {  	s9 =	sor.u32 $0xD0000000, s2;
	s6 =	simm.s32 $0x108;
	_ =	swait.ge @!p0 [sflag:s8], $0x0  }
0x24: {  	s3 =	sadd.s32 $0x88, s3;
	s6 =	simm.s32 @!p1 $0x1082;
	[sflag:s4] =	ssyncset.s32 $0xFFFFF086  }
0x25: {  	[simem:s6], [sflag:s4] =	dma.local [hbm:s3], $0xF7A  }
0x26: {  	[smem:$0x3F8F] =	sst s1;
	(tag) =	ssettag s2;
	_ =	strace s9  }
0x27: {  	s1 =	sld [smem:$0x3F9F]  }
0x28: {  	s2 =	sld [smem:$0x3FA0]  }
0x29: {  	s4 =	sld [smem:$0x3FA2]  }
0x2a: {  	p0 =	seq.s32 s5, $0x0;
	s5 =	sld [smem:$0x3FA3]  }
0x2b: {  	s6 =	sld [smem:$0x3FA4]  }
0x2c: {  	s7 =	sld [smem:$0x3FA5]  }
0x2d: {  	s3 =	simm.s32 $0x108;
	s8 =	sld [smem:$0x3FA6]  }
0x2e: {  	s3 =	simm.s32 @!p0 $0x1082;
	s9 =	sld [smem:$0x3FA7]  }
0x2f: {  	lr =	sadd.s32 s0, s3;
	s0 =	sld [smem:$0x3F9E]  }
0x30: {  	s3 =	sld [smem:$0x3FA1]  }
0x31: {  	[smem:$0x3FAA] =	sst s10  }
0x32: {  	s10 =	sld [smem:$0x3FA8];
	_ =	sdelay $0x3  }
0x33: {  	p0 =	seq.s32 s10, $0x1;
	s10 =	sld [smem:$0x3FAA];
	_ =	sdelay $0x3  }
0x34: {  	[smem:$0x3FAA] =	sst s10  }
0x35: {  	s10 =	sld [smem:$0x3FA9];
	_ =	sdelay $0x3  }
0x36: {  	p1 =	seq.s32 s10, $0x1;
	s10 =	sld [smem:$0x3FAA];
	_ =	sdelay $0x3  }
0x37: {  	[smem:$0x3FAA] =	sst s10  }
0x38: {  	s10 =	sld [smem:$0x3FAB]  }
0x39: {  	_ = 	snop;
	(pc) =	sbr.ind lr, $3  }
0x3a: {  	_ = 	snop  }
0x3b: {  	_ = 	snop  }
0x3c: {  	p2 =	seq.s32 s10, $0x1;
	s10 =	sld [smem:$0x3FAA]  }
0x3d: {  	_ =	shalt  }
0x3e: {  	_ =	shalt  }
0x3f: {  	_ =	shalt  }
0x40: {  	_ =	shalt  }
0x41: {  	_ =	shalt  }
0x42: {  	_ =	shalt  }
0x43: {  	_ =	shalt  }
0x44: {  	_ =	shalt  }
0x45: {  	_ =	shalt  }
0x46: {  	_ =	shalt  }
0x47: {  	_ =	shalt  }
0x48: {  	_ =	shalt  }
0x49: {  	_ =	shalt  }
0x4a: {  	_ =	shalt  }
0x4b: {  	_ =	shalt  }
0x4c: {  	_ =	shalt  }
0x4d: {  	_ =	shalt  }
0x4e: {  	_ =	shalt  }
0x4f: {  	_ =	shalt  }
0x50: {  	_ =	shalt  }
0x51: {  	_ =	shalt  }
0x52: {  	_ =	shalt  }
0x53: {  	_ =	shalt  }
0x54: {  	_ =	shalt  }
0x55: {  	_ =	shalt  }
0x56: {  	_ =	shalt  }
0x57: {  	_ =	shalt  }
0x58: {  	_ =	shalt  }
0x59: {  	_ =	shalt  }
0x5a: {  	_ =	shalt  }
0x5b: {  	_ =	shalt  }
0x5c: {  	_ =	shalt  }
0x5d: {  	_ =	shalt  }
0x5e: {  	_ =	shalt  }
0x5f: {  	_ =	shalt  }
0x60: {  	_ =	shalt  }
0x61: {  	_ =	shalt  }
0x62: {  	_ =	shalt  }
0x63: {  	_ =	shalt  }
0x64: {  	_ =	shalt  }
0x65: {  	_ =	shalt  }
0x66: {  	_ =	shalt  }
0x67: {  	_ =	shalt  }
0x68: {  	_ =	shalt  }
0x69: {  	_ =	shalt  }
0x6a: {  	_ =	shalt  }
0x6b: {  	_ =	shalt  }
0x6c: {  	_ =	shalt  }
0x6d: {  	_ =	shalt  }
0x6e: {  	_ =	shalt  }
0x6f: {  	_ =	shalt  }
0x70: {  	_ =	shalt  }
0x71: {  	_ =	shalt  }
0x72: {  	_ =	shalt  }
0x73: {  	_ =	shalt  }
0x74: {  	_ =	shalt  }
0x75: {  	_ =	shalt  }
0x76: {  	_ =	shalt  }
0x77: {  	_ =	shalt  }
0x78: {  	_ =	shalt  }
0x79: {  	_ =	shalt  }
0x7a: {  	_ =	shalt  }
0x7b: {  	_ =	shalt  }
0x7c: {  	_ =	shalt  }
0x7d: {  	_ =	shalt  }
0x7e: {  	_ =	shalt  }
0x7f: {  	_ =	shalt  }
0x80: {  	_ =	shalt  }
0x81: {  	_ =	shalt  }
0x82: {  	_ =	shalt  }
0x83: {  	_ =	shalt  }
0x84: {  	_ =	shalt  }
0x85: {  	_ =	shalt  }
0x86: {  	_ =	shalt  }
0x87: {  	_ =	shalt  }
.Lfunc_end0:
.L_simem_size_0:
called_computation_lowered:
.L_overlay_start_0:
0x88: {  	s2 =	sld [smem:$0x3FD9]  }
0x89: {  	s3 =	sld [smem:$0x3FFE];
	_ =	sdelay $0x1  }
0x8a: {  	s1 =	srdreg.scid  }
0x8b: {  	s0 =	sand.u32 $0x1, s1  }
0x8c: {  	s14 =	sshll.u32 s0, $0xA;
	s2 =	sadd.s32 s3, s2  }
0x8d: {  	s2 =	sadd.s32 s2, s14  }
0x8e: {  	[smem:$0x3FB6] =	sst s2  }
0x8f: {  	_ = 	snop  }
0x90: {  	s2 =	sld [smem:$0x3FD0];
	_ =	sdelay $0x2  }
0x91: {  	s15 =	simm.s32 $0xA;
	s4 =	simm.s32 $0x10  }
0x92: {  	[smem:s4], [sflag:s15] =	dma.local [hbm:s2], $0x1  }
0x93: {  	_ =	swait.eq [sflag:s15], $0x1  }
0x94: {  	[sflag:s15] =	ssyncset.done $0x0  }
0x95: {  	s16 =	sld [smem:$0x12];
	[sflag:s15] =	ssyncadd.s32 $0xFFFFFFFF  }
0x96: {  	s17 =	sld [smem:$0x13];
	(tm) =	ssettm $0x1  }
0x97: {  	s18 =	sld [smem:$0x3FFB];
	_ =	sdelay $0x3  }
0x98: {  	_ =	strace s18  }
0x99: {  	s4 =	sld [smem:$0x3FFC];
	_ =	sdelay $0x3  }
0x9a: {  	_ =	strace s4  }
0x9b: {  	s4 =	sld [smem:$0x3FFD];
	_ =	sdelay $0x3  }
0x9c: {  	_ =	strace s4  }
0x9d: {  	_ =	strace $0x8FFFFFFF  }
0x9e: {  	s19 =	sld [smem:$0x3FDB];
	_ =	sdelay $0x1  }
0x9f: {  	s5 =	simm.s32 $_scs_section_size  }
0xa0: {  	s6 =	simm.s32 $_size__tile_overlayer_lowered;
	s7 =	simm.s32 $_tile_overlayer_lowered  }
0xa1: {  	s22 =	simm.s32 $0x1BFF;
	s21 =	sshll.u32 s7, $0x1;
	s4 =	sadd.s32 s5, s19  }
0xa2: {  	s8 =	simm.s32 $0x0;
	s20 =	sshll.u32 s6, $0x1;
	s6 =	sadd.s32 s21, s4  }
0xa3: {  	[timem:s8], [sflag:s22] =	dma.local [hbm:s6], s20  }
0xa4: {  	_ =	swait.ge [sflag:s22], s20  }
0xa5: {  	s5 =	ssub.s32 $0x0, s20;
	[sflag:s22] =	ssyncset.done $0x0  }
0xa6: {  	[sflag:s22] =	ssyncadd.s32 s5;
	_ =	sdelay $0x1  }
0xa7: {  	s23 =	simm.s32 $0x1B8B  }
0xa8: {  	_ =	swait.ge [sflag:s23], $0x1  }
0xa9: {  	[sflag:s23] =	ssyncset.done $0x0  }
0xaa: {  	s25 =	simm.s32 $0x1B8E;
	s24 =	sld [smem:$0x3FFE];
	[sflag:s23] =	ssyncadd.s32 $0xFFFFFFFF  }
0xab: {  	s26 =	simm.s32 $execute0_lowered;
	[smem:$0x3FD2] =	sst s25  }
0xac: {  	s6 =	sshll.u32 s26, $0x1;
	_ =	strace $0x80000046;
	[dreg:$0x1] =	wrdreg $0xFFFFFFFF  }
0xad: {  	s28 =	simm.s32 $_size_execute0_lowered;
	s4 =	sadd.s32 s4, s6;
	[dreg:$0x0] =	wrdreg $0x0  }
0xae: {  	s6 =	sshll.u32 s28, $0x1;
	[dreg:$0x2] =	wrdreg s4  }
0xaf: {  	[dreg:$0x3] =	wrdreg s6  }
0xb0: {  	[dreg:$0x4] =	wrdreg $0xC0  }
0xb1: {  	_ =	task [dreg:s8], $0x5FFFF  }
0xb2: {  	[dreg:$0x1] =	wrdreg $0xFFFFFFFF  }
0xb3: {  	[dreg:$0x0] =	wrdreg $0x60  }
0xb4: {  	[dreg:$0x2] =	wrdreg s17  }
0xb5: {  	[dreg:$0x3] =	wrdreg s16  }
0xb6: {  	[dreg:$0x4] =	wrdreg s24  }
0xb7: {  	[dreg:$0x5] =	wrdreg $0x68000  }
0xb8: {  	[dreg:$0x6] =	wrdreg $0x9  }
0xb9: {  	_ =	task.clear_ibuf [dreg:s8], $0x7FFFF;
	_ =	strace $0x90000046  }
0xba: {  	s29 =	simm.s32 $0x9;
	_ =	strace $0x80000048  }
0xbb: {  	_ =	swait.ge [sflag:s29], $0x1  }
0xbc: {  	[sflag:s29] =	ssyncadd.s32 $0xFFFFFFFF  }
0xbd: {  	_ =	strace $0x90000048  }
0xbe: {  	_ =	sfence  }
0xbf: {  	s30 =	sld [smem:$0x0];
	_ =	sdelay $0x2  }
0xc0: {  	s31 =	sshll.u32 s1, $0xD;
	s1 =	sshrl.u32 s1, $0x2  }
0xc1: {  	s3 =	sand.u32 $0x4000, s31;
	s1 =	sadd.s32 s1, s30  }
0xc2: {  	s0 =	sor.u32 s3, s0;
	s1 =	sshll.u32 s1, $0x11  }
0xc3: {  	s0 =	sor.u32 s1, s0  }
0xc4: {  	s0 =	sadd.s32 $0x8F2B, s0  }
0xc5: {  	[sflag:s0] =	ssyncadd.remote.s32 $0x1  }
0xc6: {  	_ =	sfence.sel $0xFFFF  }
0xc7: {  	[dreg:$0x0] =	wrdreg $0xFFFFFFFF;
	(pc) =	sbr.abs _section_cstart, $3  }
0xc8: {  	[dreg:$0x1] =	wrdreg $0xFFFFFFFF  }
0xc9: {  	_ =	task.clear_ibuf [dreg:s8], $0x2FFFF;
	_ =	strace $0x9FFFFFFF  }
0xca: {  	(tm) =	ssettm $0x7FFFFFFF  }
0xcb: {  	_ =	shalt  }
tec
execute0_lowered:
.L_overlay_start_1:
0x0: {  	(tag) =	ssettag $0x1  }
0x1: {  	s5 =	rddreg [dreg:$0x0]  }
0x2: {  	s2 =	rddreg [dreg:$0x1]  }
0x3: {  	s6 =	rddreg [dreg:$0x2]  }
0x4: {  	s3 =	rddreg [dreg:$0x3]  }
0x5: {  	s0 =	rddreg [dreg:$0x4];
	s1 =	stileid.u32  }
0x6: {  	s4 =	srdreg.scid;
	s13 =	simm.s32 $0x1;
	s14 =	simm.s32 $0x2  }
0x7: {  	s15 =	simm.s32 $0x2700;
	s16 =	smul.u32 $0x2780, s1;
	s7 =	sand.u32 $0x1, s4  }
0x8: {  	s8 =	sshll.u32 s1, $0x1;
	s4 =	simm.s32 $0x0;
	s10 =	smul.u32 $0x4F000, s1  }
0x9: {  	s31 =	sshll.u32 s1, $0x6;
	s9 =	smul.u32 $0x27800, s7;
	s8 =	sor.u32 s7, s8  }
0xa: {  	[smem:$0x7FF] =	sst s4;
	s7 =	ssub.s32 $0x2, s7;
	s8 =	smul.u32 $0x500, s8  }
0xb: {  	_ =	strace $0x80000047;
	s11 =	sadd.s32 s16, s6;
	s29 =	sshrl.u32 s7, $0x1  }
0xc: {  	s30 =	sshrl.u32 s10, $0x2;
	s10 =	sor.u32 $0x1C03, s31;
	s9 =	sadd.s32 s9, s6  }
0xd: {  	s7 =	ssub.s32 s7, s29;
	s12 =	sadd.s32 s30, s3;
	s6 =	sadd.s32 $0x3600, s11  }
0xe: {  	s5 =	sadd.s32 s5, s8;
	s17 =	sadd.s32 $0x2AE00, s9;
	s7 =	smax.u32 s7, $0x1  }
0xf: {  	s8 =	simm.s32 $0x3;
	s9 =	simm.s32 $0x2800;
	s11 =	sshrl.u32 s12, $0x3  }
0x10: {  	s12 =	simm.s32 $0x80;
	s16 =	sadd.s32 s16, s17;
	s17 =	simm.s32 $0x0  }
.LBB2_1:
0x11: {  	[tilespmem:s4], [sflag:$0x3] =	stream.linear.gather [hbm4b:s5+s4], $0x2780, $0x38;
	[tilespmem:$0x1A400] =	vst v63  }
0x12: {  	_ =	swait.ge [sflag:s8], $0x2780  }
0x13: {  	[sflag:s8] =	ssyncset.done $0x0  }
0x14: {  	[sflag:s8] =	ssyncadd.s32 $0xFFFFD880  }
0x15: {  	[tilespmem:s9], [sflag:$0x3] =	stream.linear.gather [hbm4b:s2+s4], $0x4000, $0x38;
	[tilespmem:$0x1A400] =	vst v63  }
0x16: {  	_ =	swait.ge [sflag:s8], $0x4000  }
0x17: {  	[sflag:s8] =	ssyncset.done $0x0  }
0x18: {  	[sflag:s8] =	ssyncadd.s32 $0xFFFFC000  }
0x19: {  	[spmem:s11], [sflag:s10] =	dma.local [hbm:s6], $0x2780  }
0x1a: {  	_ =	swait.ge [sflag:s8], $0x2780  }
0x1b: {  	[sflag:s8] =	ssyncset.done $0x0  }
0x1c: {  	[sflag:s8] =	ssyncadd.s32 $0xFFFFD880  }
0x1d: {  	s18 =	simm.s32 $0x0;
	[bflag:$0x0] =	sbarrier.arrive $0xFFFF  }
0x1e: {  	[spmem:s3] =	stream.indirect.scatter.add.f32 [tilespmem:s9], [sflag:$0x1], $0x80, s18, s12, $0xb8;
	[tilespmem:$0x1A400] =	vst v63  }
0x1f: {  	s31 =	simm.s32 $0x80  }
0x20: {  	[spmem:s3] =	stream.indirect.scatter.add.f32 [tilespmem:s9], [sflag:$0x2], $0x80, s31, s12, $0xb8;
	[tilespmem:$0x1A400] =	vst v63  }
0x21: {  	_ =	swait.ge [sflag:s13], $0x4000  }
0x22: {  	[sflag:s13] =	ssyncset.done $0x0  }
0x23: {  	[sflag:s13] =	ssyncadd.s32 $0xFFFFC000  }
0x24: {  	_ =	swait.ge [sflag:s14], $0x4000  }
0x25: {  	s19 =	simm.s32 $0x800;
	s18 =	simm.s32 $0x400;
	[sflag:s14] =	ssyncset.done $0x0  }
.LBB2_2:
0x26: {  	s20 =	sshra.s32 s18, $0x2  }
0x27: {  	[sflag:s14] =	ssyncadd.s32 $0xFFFFC000;
	s18 =	smov.u32 s19;
	s21 =	sadd.s32 $0x400, s19  }
0x28: {  	[spmem:s3] =	stream.indirect.scatter.add.f32 [tilespmem:s9], [sflag:$0x1], $0x80, s20, s12, $0xb8;
	[tilespmem:$0x1A400] =	vst v63  }
0x29: {  	p0 =	sne.s32 s19, $0x9800;
	s19 =	sadd.s32 $0x80, s20  }
0x2a: {  	[spmem:s3] =	stream.indirect.scatter.add.f32 [tilespmem:s9], [sflag:$0x2], $0x80, s19, s12, $0xb8;
	[tilespmem:$0x1A400] =	vst v63  }
.Ltmp0:
0x2b: {  	_ =	swait.ge [sflag:s13], $0x4000;
	(pc) =	sbr.rel @p0 .LBB2_2-.Ltmp0, $4  }
0x2c: {  	[sflag:s13] =	ssyncset.done $0x0  }
0x2d: {  	[sflag:s13] =	ssyncadd.s32 $0xFFFFC000  }
0x2e: {  	_ =	swait.ge [sflag:s14], $0x4000  }
0x2f: {  	s19 =	smov.u32 s21;
	[sflag:s14] =	ssyncset.done $0x0  }
0x30: {  	s18 =	sshra.s32 s18, $0x2;
	[sflag:s14] =	ssyncadd.s32 $0xFFFFC000  }
0x31: {  	[spmem:s3] =	stream.indirect.scatter.add.f32 [tilespmem:s9], [sflag:$0x1], $0x80, s18, s12, $0xb8;
	[tilespmem:$0x1A400] =	vst v63  }
0x32: {  	s18 =	sadd.s32 $0x80, s18  }
0x33: {  	[spmem:s3] =	stream.indirect.scatter.add.f32 [tilespmem:s9], [sflag:$0x2], $0x80, s18, s12, $0xb8;
	[tilespmem:$0x1A400] =	vst v63  }
0x34: {  	_ =	swait.ge [sflag:s13], $0x4000  }
0x35: {  	[sflag:s13] =	ssyncset.done $0x0  }
0x36: {  	[sflag:s13] =	ssyncadd.s32 $0xFFFFC000  }
0x37: {  	_ =	swait.ge [sflag:s14], $0x4000  }
0x38: {  	[sflag:s14] =	ssyncset.done $0x0  }
0x39: {  	[sflag:s14] =	ssyncadd.s32 $0xFFFFC000  }
0x3a: {  	[spmem:s3] =	stream.indirect.scatter.add.f32 [tilespmem:s9], [sflag:$0x1], $0x80, s15, s12, $0xb8;
	[tilespmem:$0x1A400] =	vst v63  }
0x3b: {  	_ =	swait.ge [sflag:s13], $0x4000  }
0x3c: {  	s17 =	sadd.s32 $0x1, s17;
	[sflag:s13] =	ssyncset.done $0x0  }
0x3d: {  	p0 =	sne.s32 s17, s7;
	[sflag:s13] =	ssyncadd.s32 $0xFFFFC000  }
.Ltmp1:
0x3e: {  	[bflag:$0x0] =	sbarrier.arrive $0xFFFF;
	(pc) =	sbr.rel @p0 .LBB2_1-.Ltmp1, $4  }
0x3f: {  	[hbm:s16], [sflag:s10] =	dma.local [spmem:s11], $0x2780  }
0x40: {  	_ =	swait.ge [sflag:s8], $0x2780  }
0x41: {  	[sflag:s8] =	ssyncset.done $0x0  }
0x42: {  	[sflag:s8] =	ssyncadd.s32 $0xFFFFD880  }
0x43: {  	_ =	sfence.sel $0x180000  }
0x44: {  	[bflag:$0x0] =	sbarrier.arrive $0xFFFF  }
0x45: {  	p0 =	sne.s32 s1, $0x0;
	_ =	strace $0x90000047  }
0x46: {  	s0 =	sadd.s32 @!p0 $0x100000, s0;
	[bflag:$0x2] =	sbarrier.arrive $0xFFFF  }
0x47: {  	[sflag:s0] =	ssyncadd.tile.s32 @!p0 $0x1;
	_ =	shalt  }
.Lfunc_end2:
_tile_overlayer_lowered:
.L_overlay_start_2:
0x48: {  	(tag) =	ssettag $0x2  }
0x49: {  	s0 =	rddreg [dreg:$0x0];
	s2 =	stileid.u32  }
0x4a: {  	s1 =	rddreg [dreg:$0x1];
	p0 =	sne.s32 s2, $0x0  }
0x4b: {  	s3 =	rddreg [dreg:$0x2];
	[bflag:$0x3] =	sbarrier.arrive $0xFFFF;
	s2 =	simm.s32 @!p0 $0x1C03  }
0x4c: {  	[timem:s3], [sflag:s2] =	dma.local @!p0 [hbm:s0], s1  }
0x4d: {  	s0 =	simm.s32 @!p0 $0x3  }
0x4e: {  	_ =	swait.ge @!p0 [sflag:s0], s1  }
0x4f: {  	s1 =	ssub.s32 @!p0 $0x0, s1;
	[sflag:s0] =	ssyncset.done @!p0 $0x0  }
0x50: {  	[sflag:s0] =	ssyncadd.s32 @!p0 s1  }
0x51: {  	[bflag:$0x3] =	sbarrier.arrive $0xFFFF  }
0x52: {  	_ =	shalt  }

</sc_bundles>
